<compile_context>
chip_gen: v7x
topology: tpu7x:2x2x1
jax: 0.10.2.dev20260603
libtpu: 0.0.44.dev20260713+nightly
codegen_flags: <defaults>
</compile_context>

<pallas_src>
import functools

import jax
import jax.numpy as jnp
from jax import lax
from jax.experimental import pallas as pl
from jax.experimental.pallas import tpu as pltpu
from jax.experimental.pallas import tpu_sc as plsc

_N = 10000
_E = 320000
_D = 128
_NC = 2
_NS = 16
_NW = _NC * _NS
_EW = _E // _NW
_C = 120
_NCH = _EW // _C
_TAILE = _EW - _NCH * _C
_RPT = 624
_TAIL = _N - _RPT * _NS


@functools.cache
def _make_agg_kernel():
  mesh = plsc.VectorSubcoreMesh(core_axis_name="c", subcore_axis_name="s",
                                num_cores=_NC, num_subcores=_NS)

  @functools.partial(
      pl.kernel,
      mesh=mesh,
      out_type=jax.ShapeDtypeStruct((_NC, _N, _D), jnp.float32),
      scratch_types=[
          pltpu.VMEM((_EW,), jnp.int32),
          pltpu.VMEM((_EW,), jnp.int32),
          pltpu.VMEM((_C, _D), jnp.float32),
          pltpu.VMEM((_C, _D), jnp.float32),
          pltpu.VMEM_SHARED((_N, _D), jnp.float32),
          pltpu.SemaphoreType.DMA,
          pltpu.SemaphoreType.DMA,
          pltpu.SemaphoreType.DMA,
      ],
  )
  def agg_kernel(x_hbm, src_hbm, dst_hbm, zeros_hbm, out_hbm,
                 src_v, dst_v, rows0, rows1, agg_sh, sem0, sem1, zsem):
    c = lax.axis_index("c")
    s = lax.axis_index("s")
    wid = c * _NS + s
    @pl.when(c == 0)
    def _():
      pltpu.async_copy(
          x_hbm.at[pl.ds(s * _RPT, _RPT)],
          agg_sh.at[pl.ds(s * _RPT, _RPT)], zsem)

    @pl.when(c != 0)
    def _():
      pltpu.async_copy(
          zeros_hbm.at[pl.ds(s * _RPT, _RPT)],
          agg_sh.at[pl.ds(s * _RPT, _RPT)], zsem)

    src_cp = pltpu.async_copy(src_hbm.at[pl.ds(wid * _EW, _EW)], src_v, sem0)
    dst_cp = pltpu.async_copy(dst_hbm.at[pl.ds(wid * _EW, _EW)], dst_v, sem1)
    src_cp.wait()
    dst_cp.wait()
    pltpu.make_async_copy(
        zeros_hbm.at[pl.ds(s * _RPT, _RPT)],
        agg_sh.at[pl.ds(s * _RPT, _RPT)], zsem).wait()

    @pl.when(s == _NS - 1)
    def _():
      @pl.when(c == 0)
      def _():
        pltpu.sync_copy(
            x_hbm.at[pl.ds(_RPT * _NS, _TAIL)],
            agg_sh.at[pl.ds(_RPT * _NS, _TAIL)])

      @pl.when(c != 0)
      def _():
        pltpu.sync_copy(
            zeros_hbm.at[pl.ds(_RPT * _NS, _TAIL)],
            agg_sh.at[pl.ds(_RPT * _NS, _TAIL)])

    plsc.subcore_barrier()

    def src_slice(j):
      return src_v.at[pl.ds(pl.multiple_of(j * _C, 8), _C)]

    def dst_slice(j):
      return dst_v.at[pl.ds(pl.multiple_of(j * _C, 8), _C)]

    pltpu.async_copy(x_hbm.at[src_slice(0)], rows0, sem0)
    pltpu.async_copy(x_hbm.at[src_slice(1)], rows1, sem1)

    def body(i, carry):
      for b, rows, sem in ((0, rows0, sem0), (1, rows1, sem1)):
        j = 2 * i + b
        pltpu.make_async_copy(x_hbm.at[src_slice(j)], rows, sem).wait()
        pltpu.sync_copy(rows, agg_sh.at[dst_slice(j)], add=True)
        nxt = j + 2

        @pl.when(nxt < _NCH)
        def _(rows=rows, sem=sem, nxt=nxt):
          pltpu.async_copy(x_hbm.at[src_slice(nxt)], rows, sem)

      return carry

    lax.fori_loop(0, _NCH // 2, body, 0, unroll=False)
    if _NCH % 2:
      j = _NCH - 1
      pltpu.make_async_copy(x_hbm.at[src_slice(j)], rows0, sem0).wait()
      pltpu.sync_copy(rows0, agg_sh.at[dst_slice(j)], add=True)
    if _TAILE:
      base = _NCH * _C
      pltpu.async_copy(
          x_hbm.at[src_v.at[pl.ds(base, _TAILE)]],
          rows1.at[pl.ds(0, _TAILE)], sem1).wait()
      pltpu.sync_copy(
          rows1.at[pl.ds(0, _TAILE)],
          agg_sh.at[dst_v.at[pl.ds(base, _TAILE)]], add=True)
    plsc.subcore_barrier()
    pltpu.sync_copy(
        agg_sh.at[pl.ds(s * _RPT, _RPT)],
        out_hbm.at[c, pl.ds(s * _RPT, _RPT)])

    @pl.when(s == _NS - 1)
    def _():
      pltpu.sync_copy(
          agg_sh.at[pl.ds(_RPT * _NS, _TAIL)],
          out_hbm.at[c, pl.ds(_RPT * _NS, _TAIL)])

  return agg_kernel


_B = 2000
_K = _N // _B


def _dense_body(last, agg_ref, w1_ref, b1_ref, g_ref, bt_ref,
                w2_ref, b2_ref, og_ref, ob_ref, o_ref,
                t_ref, s1_ref, q1_ref, s2_ref, q2_ref):
  i = pl.program_id(0)

  @pl.when(i == 0)
  def _():
    s1_ref[...] = jnp.zeros_like(s1_ref)
    q1_ref[...] = jnp.zeros_like(q1_ref)
    s2_ref[...] = jnp.zeros_like(s2_ref)
    q2_ref[...] = jnp.zeros_like(q2_ref)

  @pl.when(i < _K)
  def _():
    blk = agg_ref[0] + agg_ref[1]
    t = jnp.dot(blk, w1_ref[...],
                preferred_element_type=jnp.float32) + b1_ref[...]
    t_ref[pl.ds(i * _B, _B), :] = t
    s1_ref[...] += jnp.sum(t, axis=0, keepdims=True)
    q1_ref[...] += jnp.sum(t * t, axis=0, keepdims=True)

  @pl.when((i >= _K) & (i < 2 * _K))
  def _():
    ib = i - _K
    t = t_ref[pl.ds(ib * _B, _B), :]
    m = s1_ref[...] * (1.0 / _N)
    var = q1_ref[...] * (1.0 / _N) - m * m
    r = jnp.maximum((t - m) * (g_ref[...] * lax.rsqrt(var + 1e-5))
                    + bt_ref[...], 0.0)
    v = jnp.dot(r, w2_ref[...],
                preferred_element_type=jnp.float32) + b2_ref[...]
    if last:
      nrm = jnp.sqrt(jnp.sum(v * v, axis=1, keepdims=True))
      o_ref[...] = v / jnp.maximum(nrm, 1e-12)
    else:
      t_ref[pl.ds(ib * _B, _B), :] = v
      s2_ref[...] += jnp.sum(v, axis=0, keepdims=True)
      q2_ref[...] += jnp.sum(v * v, axis=0, keepdims=True)

  if not last:
    @pl.when(i >= 2 * _K)
    def _():
      ic = i - 2 * _K
      v = t_ref[pl.ds(ic * _B, _B), :]
      m2 = s2_ref[...] * (1.0 / _N)
      var2 = q2_ref[...] * (1.0 / _N) - m2 * m2
      o_ref[...] = jnp.maximum(
          (v - m2) * (og_ref[...] * lax.rsqrt(var2 + 1e-5)) + ob_ref[...],
          0.0)


def _dense_layer(agg, w1, b1, g, bt, w2, b2, og, ob, last):
  nsteps = (2 if last else 3) * _K
  ofs = (1 if last else 2) * _K
  full = lambda i: (0, 0)
  return pl.pallas_call(
      functools.partial(_dense_body, last),
      grid=(nsteps,),
      in_specs=[
          pl.BlockSpec((_NC, _B, _D),
                       lambda i: (0, jnp.minimum(i, _K - 1), 0)),
          pl.BlockSpec((_D, _D), full),
          pl.BlockSpec((1, _D), full),
          pl.BlockSpec((1, _D), full),
          pl.BlockSpec((1, _D), full),
          pl.BlockSpec((_D, _D), full),
          pl.BlockSpec((1, _D), full),
          pl.BlockSpec((1, _D), full),
          pl.BlockSpec((1, _D), full),
      ],
      out_specs=pl.BlockSpec((_B, _D),
                             lambda i: (jnp.maximum(i - ofs, 0), 0)),
      out_shape=jax.ShapeDtypeStruct((_N, _D), jnp.float32),
      scratch_shapes=[
          pltpu.VMEM((_N, _D), jnp.float32),
          pltpu.VMEM((1, _D), jnp.float32),
          pltpu.VMEM((1, _D), jnp.float32),
          pltpu.VMEM((1, _D), jnp.float32),
          pltpu.VMEM((1, _D), jnp.float32),
      ],
  )(agg, w1, b1.reshape(1, _D), g.reshape(1, _D), bt.reshape(1, _D),
    w2, b2.reshape(1, _D), og.reshape(1, _D), ob.reshape(1, _D))


def kernel(x, edge_index,
           W1_0, b1_0, g_0, bt_0, W2_0, b2_0,
           W1_1, b1_1, g_1, bt_1, W2_1, b2_1,
           W1_2, b1_2, g_2, bt_2, W2_2, b2_2,
           og_0, ob_0, og_1, ob_1):
  src = edge_index[0]
  dst = edge_index[1]
  zeros = jnp.zeros((_N, _D), jnp.float32)
  params = [
      (W1_0, b1_0, g_0, bt_0, W2_0, b2_0, og_0, ob_0),
      (W1_1, b1_1, g_1, bt_1, W2_1, b2_1, og_1, ob_1),
      (W1_2, b1_2, g_2, bt_2, W2_2, b2_2, og_0, ob_0),
  ]
  for l in range(3):
    w1, b1, g, bt, w2, b2, og, ob = params[l]
    agg = _make_agg_kernel()(x, src, dst, zeros)
    x = _dense_layer(agg, w1, b1, g, bt, w2, b2, og, ob, last=(l == 2))
  return x

# --- scband reference (transcript-rebuilt; emitter-appended) ---
"""Pipeline reference for scband-ginencoder-34385508172366 (READ-ONLY COPY).

The authoritative reference and input builder live on the scoring server;
editing this copy changes nothing except your own understanding.
"""

import jax, jax.numpy as jnp
import numpy as np

N = 10000
E = 320000
D = 128
L = 3

PARAM_NAMES = []
for l in range(L):
    PARAM_NAMES += [f"W1_{l}", f"b1_{l}", f"g_{l}", f"bt_{l}", f"W2_{l}", f"b2_{l}"]
for l in range(L - 1):
    PARAM_NAMES += [f"og_{l}", f"ob_{l}"]


def setup_inputs(seed: int = 0) -> dict:
    key = jax.random.key(seed)
    ks = jax.random.split(key, 64)
    inp = {}
    inp["x"] = jax.random.normal(ks[0], (N, D), dtype=jnp.float32)
    inp["edge_index"] = jax.random.randint(ks[1], (2, E), 0, N, dtype=jnp.int32)
    k = 2
    s = 0.05
    for l in range(L):
        inp[f"W1_{l}"] = jax.random.normal(ks[k], (D, D), dtype=jnp.float32) * s; k += 1
        inp[f"b1_{l}"] = jnp.zeros((D,), dtype=jnp.float32)
        inp[f"g_{l}"] = jnp.ones((D,), dtype=jnp.float32)
        inp[f"bt_{l}"] = jnp.zeros((D,), dtype=jnp.float32)
        inp[f"W2_{l}"] = jax.random.normal(ks[k], (D, D), dtype=jnp.float32) * s; k += 1
        inp[f"b2_{l}"] = jnp.zeros((D,), dtype=jnp.float32)
    for l in range(L - 1):
        inp[f"og_{l}"] = jnp.ones((D,), dtype=jnp.float32)
        inp[f"ob_{l}"] = jnp.zeros((D,), dtype=jnp.float32)
    return inp


def _bn(h, g, b):
    # torch BatchNorm1d in training mode: batch mean, biased batch var
    m = jnp.mean(h, axis=0)
    v = jnp.var(h, axis=0)
    return (h - m) / jnp.sqrt(v + 1e-5) * g + b


def _forward(x, edge_index, p):
    src = edge_index[0]
    dst = edge_index[1]
    for l in range(L):
        # GINConv: out = mlp((1 + eps) * x + sum_{j in N(i)} x_j), eps = 0
        agg = jnp.zeros_like(x).at[dst].add(x[src])
        h = x + agg
        h = h @ p[f"W1_{l}"] + p[f"b1_{l}"]
        h = _bn(h, p[f"g_{l}"], p[f"bt_{l}"])
        h = jax.nn.relu(h)
        h = h @ p[f"W2_{l}"] + p[f"b2_{l}"]
        x = h
        if l < L - 1:
            x = _bn(x, p[f"og_{l}"], p[f"ob_{l}"])
            x = jax.nn.relu(x)
    n = jnp.linalg.norm(x, axis=-1, keepdims=True)
    return x / jnp.maximum(n, 1e-12)


def reference(x, edge_index,
              W1_0, b1_0, g_0, bt_0, W2_0, b2_0,
              W1_1, b1_1, g_1, bt_1, W2_1, b2_1,
              W1_2, b1_2, g_2, bt_2, W2_2, b2_2,
              og_0, ob_0, og_1, ob_1):
    p = {
        "W1_0": W1_0, "b1_0": b1_0, "g_0": g_0, "bt_0": bt_0, "W2_0": W2_0, "b2_0": b2_0,
        "W1_1": W1_1, "b1_1": b1_1, "g_1": g_1, "bt_1": bt_1, "W2_1": W2_1, "b2_1": b2_1,
        "W1_2": W1_2, "b1_2": b1_2, "g_2": g_2, "bt_2": bt_2, "W2_2": W2_2, "b2_2": b2_2,
        "og_0": og_0, "ob_0": ob_0, "og_1": og_1, "ob_1": ob_1,
    }
    return _forward(x, edge_index, p)

if __name__ == "__main__":
    import jax
    _d = setup_inputs()
    print(jax.jit(kernel)(*tuple(_d.values())))

</pallas_src>

<mosaic_0001>
#map = affine_map<(d0, d1) -> (0, 0)>
#map1 = affine_map<(d0, d1) -> (0)>
#map2 = affine_map<(d0, d1) -> (0, 0, 0)>
module attributes {stable_mosaic.version = 14 : i64} {
  func.func @agg_kernel(%arg0: i32, %arg1: i32, %arg2: memref<10000x128xf32, #tpu.memory_space<hbm>>, %arg3: memref<320000xi32, #tpu.memory_space<hbm>>, %arg4: memref<320000xi32, #tpu.memory_space<hbm>>, %arg5: memref<10000x128xf32, #tpu.memory_space<hbm>>, %arg6: memref<2x10000x128xf32, #tpu.memory_space<hbm>>, %arg7: memref<10000xi32, #tpu.memory_space<vmem>>, %arg8: memref<10000xi32, #tpu.memory_space<vmem>>, %arg9: memref<120x128xf32, #tpu.memory_space<vmem>>, %arg10: memref<120x128xf32, #tpu.memory_space<vmem>>, %arg11: memref<10000x128xf32, #tpu.memory_space<vmem_shared>>, %arg12: memref<!tpu.dma_semaphore, #tpu.memory_space<semaphore_mem>>, %arg13: memref<!tpu.dma_semaphore, #tpu.memory_space<semaphore_mem>>, %arg14: memref<!tpu.dma_semaphore, #tpu.memory_space<semaphore_mem>>) attributes {dimension_semantics = [#tpu.dimension_semantics<core_parallel>, #tpu.dimension_semantics<subcore_parallel>], iteration_bounds = array<i64: 2, 16>, scalar_prefetch = 0 : i64, scratch_operands = 8 : i64, tpu.core_type = #tpu.core_type<sc_vector_subcore>, window_params = [{transform_indices = #map}, {transform_indices = #map1}, {transform_indices = #map1}, {transform_indices = #map}, {transform_indices = #map2}]} {
    %mul3A = arith.constant 16 : i32
    %mul3A_0 = arith.muli %arg0, %mul3A : i32
    %add3A = arith.addi %mul3A_0, %arg1 : i32
    %eq3A = arith.constant 0 : i32
    %eq3A_1 = arith.cmpi eq, %arg0, %eq3A : i32
    %convert_element_type3A = arith.extui %eq3A_1 : i1 to i32
    %cond3A = arith.constant 0 : i32
    %cond3A_2 = arith.cmpi ne, %convert_element_type3A, %cond3A : i32
    scf.if %cond3A_2 {
      %mul3A_80 = arith.constant 624 : i32
      %mul3A_81 = arith.muli %arg1, %mul3A_80 : i32
      %mul3A_82 = arith.constant 624 : i32
      %mul3A_83 = arith.muli %arg1, %mul3A_82 : i32
      %dma_start3A_84 = arith.constant 0 : i32
      %dma_start3A_85 = tpu.memref_slice %arg11[%mul3A_83, %dma_start3A_84] : memref<10000x128xf32, #tpu.memory_space<vmem_shared>> -> memref<624x128xf32, #tpu.memory_space<vmem_shared>>
      %dma_start3A_86 = arith.constant 0 : i32
      %dma_start3A_87 = tpu.memref_slice %arg2[%mul3A_81, %dma_start3A_86] : memref<10000x128xf32, #tpu.memory_space<hbm>> -> memref<624x128xf32, #tpu.memory_space<hbm>>
      tpu.enqueue_dma source(%dma_start3A_87 : memref<624x128xf32, #tpu.memory_space<hbm>>) target(%dma_start3A_85 : memref<624x128xf32, #tpu.memory_space<vmem_shared>>) target_semaphore(%arg14 : memref<!tpu.dma_semaphore, #tpu.memory_space<semaphore_mem>>)
    } else {
    }
    %ne3A = arith.constant 0 : i32
    %ne3A_3 = arith.cmpi ne, %arg0, %ne3A : i32
    %convert_element_type3A_4 = arith.extui %ne3A_3 : i1 to i32
    %cond3A_5 = arith.constant 0 : i32
    %cond3A_6 = arith.cmpi ne, %convert_element_type3A_4, %cond3A_5 : i32
    scf.if %cond3A_6 {
      %mul3A_80 = arith.constant 624 : i32
      %mul3A_81 = arith.muli %arg1, %mul3A_80 : i32
      %mul3A_82 = arith.constant 624 : i32
      %mul3A_83 = arith.muli %arg1, %mul3A_82 : i32
      %dma_start3A_84 = arith.constant 0 : i32
      %dma_start3A_85 = tpu.memref_slice %arg11[%mul3A_83, %dma_start3A_84] : memref<10000x128xf32, #tpu.memory_space<vmem_shared>> -> memref<624x128xf32, #tpu.memory_space<vmem_shared>>
      %dma_start3A_86 = arith.constant 0 : i32
      %dma_start3A_87 = tpu.memref_slice %arg5[%mul3A_81, %dma_start3A_86] : memref<10000x128xf32, #tpu.memory_space<hbm>> -> memref<624x128xf32, #tpu.memory_space<hbm>>
      tpu.enqueue_dma source(%dma_start3A_87 : memref<624x128xf32, #tpu.memory_space<hbm>>) target(%dma_start3A_85 : memref<624x128xf32, #tpu.memory_space<vmem_shared>>) target_semaphore(%arg14 : memref<!tpu.dma_semaphore, #tpu.memory_space<semaphore_mem>>)
    } else {
    }
    %mul3A_7 = arith.constant 10000 : i32
    %mul3A_8 = arith.muli %add3A, %mul3A_7 : i32
    %dma_start3A = tpu.memref_slice %arg3[%mul3A_8] : memref<320000xi32, #tpu.memory_space<hbm>> -> memref<10000xi32, #tpu.memory_space<hbm>>
    %dma_start3A_9 = tpu.memref_slice %arg3[%mul3A_8] : memref<320000xi32, #tpu.memory_space<hbm>> -> memref<10000xi32, #tpu.memory_space<hbm>>
    tpu.enqueue_dma source(%dma_start3A_9 : memref<10000xi32, #tpu.memory_space<hbm>>) target(%arg7 : memref<10000xi32, #tpu.memory_space<vmem>>) target_semaphore(%arg12 : memref<!tpu.dma_semaphore, #tpu.memory_space<semaphore_mem>>)
    %mul3A_10 = arith.constant 10000 : i32
    %mul3A_11 = arith.muli %add3A, %mul3A_10 : i32
    %dma_start3A_12 = tpu.memref_slice %arg4[%mul3A_11] : memref<320000xi32, #tpu.memory_space<hbm>> -> memref<10000xi32, #tpu.memory_space<hbm>>
    %dma_start3A_13 = tpu.memref_slice %arg4[%mul3A_11] : memref<320000xi32, #tpu.memory_space<hbm>> -> memref<10000xi32, #tpu.memory_space<hbm>>
    tpu.enqueue_dma source(%dma_start3A_13 : memref<10000xi32, #tpu.memory_space<hbm>>) target(%arg8 : memref<10000xi32, #tpu.memory_space<vmem>>) target_semaphore(%arg13 : memref<!tpu.dma_semaphore, #tpu.memory_space<semaphore_mem>>)
    %dma_wait3A = tpu.memref_slice %arg3[%mul3A_8] : memref<320000xi32, #tpu.memory_space<hbm>> -> memref<10000xi32, #tpu.memory_space<hbm>>
    %dma_wait3A_14 = tpu.memref_slice %arg3[%mul3A_8] : memref<320000xi32, #tpu.memory_space<hbm>> -> memref<10000xi32, #tpu.memory_space<hbm>>
    tpu.wait_dma2 semaphore(%arg12 : memref<!tpu.dma_semaphore, #tpu.memory_space<semaphore_mem>>) src(%dma_wait3A_14 : memref<10000xi32, #tpu.memory_space<hbm>>) dst(%arg7 : memref<10000xi32, #tpu.memory_space<vmem>>)
    %dma_wait3A_15 = tpu.memref_slice %arg4[%mul3A_11] : memref<320000xi32, #tpu.memory_space<hbm>> -> memref<10000xi32, #tpu.memory_space<hbm>>
    %dma_wait3A_16 = tpu.memref_slice %arg4[%mul3A_11] : memref<320000xi32, #tpu.memory_space<hbm>> -> memref<10000xi32, #tpu.memory_space<hbm>>
    tpu.wait_dma2 semaphore(%arg13 : memref<!tpu.dma_semaphore, #tpu.memory_space<semaphore_mem>>) src(%dma_wait3A_16 : memref<10000xi32, #tpu.memory_space<hbm>>) dst(%arg8 : memref<10000xi32, #tpu.memory_space<vmem>>)
    %mul3A_17 = arith.constant 624 : i32
    %mul3A_18 = arith.muli %arg1, %mul3A_17 : i32
    %mul3A_19 = arith.constant 624 : i32
    %mul3A_20 = arith.muli %arg1, %mul3A_19 : i32
    %dma_wait3A_21 = arith.constant 0 : i32
    %dma_wait3A_22 = tpu.memref_slice %arg11[%mul3A_20, %dma_wait3A_21] : memref<10000x128xf32, #tpu.memory_space<vmem_shared>> -> memref<624x128xf32, #tpu.memory_space<vmem_shared>>
    %dma_wait3A_23 = arith.constant 0 : i32
    %dma_wait3A_24 = tpu.memref_slice %arg5[%mul3A_18, %dma_wait3A_23] : memref<10000x128xf32, #tpu.memory_space<hbm>> -> memref<624x128xf32, #tpu.memory_space<hbm>>
    tpu.wait_dma2 semaphore(%arg14 : memref<!tpu.dma_semaphore, #tpu.memory_space<semaphore_mem>>) src(%dma_wait3A_24 : memref<624x128xf32, #tpu.memory_space<hbm>>) dst(%dma_wait3A_22 : memref<624x128xf32, #tpu.memory_space<vmem_shared>>)
    %eq3A_25 = arith.constant 15 : i32
    %eq3A_26 = arith.cmpi eq, %arg1, %eq3A_25 : i32
    %convert_element_type3A_27 = arith.extui %eq3A_26 : i1 to i32
    %cond3A_28 = arith.constant 0 : i32
    %cond3A_29 = arith.cmpi ne, %convert_element_type3A_27, %cond3A_28 : i32
    scf.if %cond3A_29 {
      %eq3A_80 = arith.constant 0 : i32
      %eq3A_81 = arith.cmpi eq, %arg0, %eq3A_80 : i32
      %convert_element_type3A_82 = arith.extui %eq3A_81 : i1 to i32
      %cond3A_83 = arith.constant 0 : i32
      %cond3A_84 = arith.cmpi ne, %convert_element_type3A_82, %cond3A_83 : i32
      scf.if %cond3A_84 {
        "tpu.region"() ({
          %run_scoped3A = tpu.sem_alloc : memref<!tpu.dma_semaphore, #tpu.memory_space<semaphore_mem>>
          %dma_start3A_90 = arith.constant 9984 : i32
          %dma_start3A_91 = arith.constant 0 : i32
          %dma_start3A_92 = tpu.memref_slice %arg11[%dma_start3A_90, %dma_start3A_91] : memref<10000x128xf32, #tpu.memory_space<vmem_shared>> -> memref<16x128xf32, #tpu.memory_space<vmem_shared>>
          %dma_start3A_93 = arith.constant 9984 : i32
          %dma_start3A_94 = arith.constant 0 : i32
          %dma_start3A_95 = tpu.memref_slice %arg2[%dma_start3A_93, %dma_start3A_94] : memref<10000x128xf32, #tpu.memory_space<hbm>> -> memref<16x128xf32, #tpu.memory_space<hbm>>
          tpu.enqueue_dma source(%dma_start3A_95 : memref<16x128xf32, #tpu.memory_space<hbm>>) target(%dma_start3A_92 : memref<16x128xf32, #tpu.memory_space<vmem_shared>>) target_semaphore(%run_scoped3A : memref<!tpu.dma_semaphore, #tpu.memory_space<semaphore_mem>>)
          %dma_wait3A_96 = arith.constant 9984 : i32
          %dma_wait3A_97 = arith.constant 0 : i32
          %dma_wait3A_98 = tpu.memref_slice %arg11[%dma_wait3A_96, %dma_wait3A_97] : memref<10000x128xf32, #tpu.memory_space<vmem_shared>> -> memref<16x128xf32, #tpu.memory_space<vmem_shared>>
          %dma_wait3A_99 = arith.constant 9984 : i32
          %dma_wait3A_100 = arith.constant 0 : i32
          %dma_wait3A_101 = tpu.memref_slice %arg2[%dma_wait3A_99, %dma_wait3A_100] : memref<10000x128xf32, #tpu.memory_space<hbm>> -> memref<16x128xf32, #tpu.memory_space<hbm>>
          tpu.wait_dma2 semaphore(%run_scoped3A : memref<!tpu.dma_semaphore, #tpu.memory_space<semaphore_mem>>) src(%dma_wait3A_101 : memref<16x128xf32, #tpu.memory_space<hbm>>) dst(%dma_wait3A_98 : memref<16x128xf32, #tpu.memory_space<vmem_shared>>)
          tpu.yield
        }) : () -> ()
      } else {
      }
      %ne3A_85 = arith.constant 0 : i32
      %ne3A_86 = arith.cmpi ne, %arg0, %ne3A_85 : i32
      %convert_element_type3A_87 = arith.extui %ne3A_86 : i1 to i32
      %cond3A_88 = arith.constant 0 : i32
      %cond3A_89 = arith.cmpi ne, %convert_element_type3A_87, %cond3A_88 : i32
      scf.if %cond3A_89 {
        "tpu.region"() ({
          %run_scoped3A = tpu.sem_alloc : memref<!tpu.dma_semaphore, #tpu.memory_space<semaphore_mem>>
          %dma_start3A_90 = arith.constant 9984 : i32
          %dma_start3A_91 = arith.constant 0 : i32
          %dma_start3A_92 = tpu.memref_slice %arg11[%dma_start3A_90, %dma_start3A_91] : memref<10000x128xf32, #tpu.memory_space<vmem_shared>> -> memref<16x128xf32, #tpu.memory_space<vmem_shared>>
          %dma_start3A_93 = arith.constant 9984 : i32
          %dma_start3A_94 = arith.constant 0 : i32
          %dma_start3A_95 = tpu.memref_slice %arg5[%dma_start3A_93, %dma_start3A_94] : memref<10000x128xf32, #tpu.memory_space<hbm>> -> memref<16x128xf32, #tpu.memory_space<hbm>>
          tpu.enqueue_dma source(%dma_start3A_95 : memref<16x128xf32, #tpu.memory_space<hbm>>) target(%dma_start3A_92 : memref<16x128xf32, #tpu.memory_space<vmem_shared>>) target_semaphore(%run_scoped3A : memref<!tpu.dma_semaphore, #tpu.memory_space<semaphore_mem>>)
          %dma_wait3A_96 = arith.constant 9984 : i32
          %dma_wait3A_97 = arith.constant 0 : i32
          %dma_wait3A_98 = tpu.memref_slice %arg11[%dma_wait3A_96, %dma_wait3A_97] : memref<10000x128xf32, #tpu.memory_space<vmem_shared>> -> memref<16x128xf32, #tpu.memory_space<vmem_shared>>
          %dma_wait3A_99 = arith.constant 9984 : i32
          %dma_wait3A_100 = arith.constant 0 : i32
          %dma_wait3A_101 = tpu.memref_slice %arg5[%dma_wait3A_99, %dma_wait3A_100] : memref<10000x128xf32, #tpu.memory_space<hbm>> -> memref<16x128xf32, #tpu.memory_space<hbm>>
          tpu.wait_dma2 semaphore(%run_scoped3A : memref<!tpu.dma_semaphore, #tpu.memory_space<semaphore_mem>>) src(%dma_wait3A_101 : memref<16x128xf32, #tpu.memory_space<hbm>>) dst(%dma_wait3A_98 : memref<16x128xf32, #tpu.memory_space<vmem_shared>>)
          tpu.yield
        }) : () -> ()
      } else {
      }
    } else {
    }
    %barrier3A = arith.constant 0 : index
    tpu.barrier barrier_id(%barrier3A)
    %multiple_of3A = arith.constant 0 : i32
    %multiple_of3A_30 = tpu.assume_multiple %multiple_of3A, 8 : i32
    %dma_start3A_31 = tpu.memref_slice %arg7[%multiple_of3A_30] : memref<10000xi32, #tpu.memory_space<vmem>> -> memref<120xi32, #tpu.memory_space<vmem>>
    %dma_start3A_32 = arith.constant 0 : i32
    %dma_start3A_33 = arith.constant 0 : i32
    %dma_start3A_34 = tpu.memref_slice %arg2[%dma_start3A_32, %dma_start3A_33] : memref<10000x128xf32, #tpu.memory_space<hbm>> -> memref<10000x128xf32, #tpu.memory_space<hbm>>
    tpu.enqueue_indirect_dma source(%dma_start3A_34 : memref<10000x128xf32, #tpu.memory_space<hbm>>) target(%arg9 : memref<120x128xf32, #tpu.memory_space<vmem>>) offsets(%dma_start3A_31 : memref<120xi32, #tpu.memory_space<vmem>>) semaphore(%arg12 : memref<!tpu.dma_semaphore, #tpu.memory_space<semaphore_mem>>)
    %multiple_of3A_35 = arith.constant 120 : i32
    %multiple_of3A_36 = tpu.assume_multiple %multiple_of3A_35, 8 : i32
    %dma_start3A_37 = tpu.memref_slice %arg7[%multiple_of3A_36] : memref<10000xi32, #tpu.memory_space<vmem>> -> memref<120xi32, #tpu.memory_space<vmem>>
    %dma_start3A_38 = arith.constant 0 : i32
    %dma_start3A_39 = arith.constant 0 : i32
    %dma_start3A_40 = tpu.memref_slice %arg2[%dma_start3A_38, %dma_start3A_39] : memref<10000x128xf32, #tpu.memory_space<hbm>> -> memref<10000x128xf32, #tpu.memory_space<hbm>>
    tpu.enqueue_indirect_dma source(%dma_start3A_40 : memref<10000x128xf32, #tpu.memory_space<hbm>>) target(%arg10 : memref<120x128xf32, #tpu.memory_space<vmem>>) offsets(%dma_start3A_37 : memref<120xi32, #tpu.memory_space<vmem>>) semaphore(%arg13 : memref<!tpu.dma_semaphore, #tpu.memory_space<semaphore_mem>>)
    %scan3A = arith.constant 0 : i32
    %scan3A_41 = arith.constant 0 : i32
    %scan3A_42 = arith.constant 41 : i32
    %scan3A_43 = arith.addi %scan3A_41, %scan3A_42 : i32
    %scan3A_44 = arith.constant 1 : i32
    scf.for %scan3A_80 = %scan3A_41 to %scan3A_43 step %scan3A_44  : i32 {
      %mul3A_81 = arith.constant 2 : i32
      %mul3A_82 = arith.muli %mul3A_81, %scan3A_80 : i32
      %add3A_83 = arith.constant 0 : i32
      %add3A_84 = arith.addi %mul3A_82, %add3A_83 : i32
      %mul3A_85 = arith.constant 120 : i32
      %mul3A_86 = arith.muli %add3A_84, %mul3A_85 : i32
      %multiple_of3A_87 = tpu.assume_multiple %mul3A_86, 8 : i32
      %dma_wait3A_88 = tpu.memref_slice %arg7[%multiple_of3A_87] : memref<10000xi32, #tpu.memory_space<vmem>> -> memref<120xi32, #tpu.memory_space<vmem>>
      %dma_wait3A_89 = arith.constant 0 : i32
      %dma_wait3A_90 = arith.constant 0 : i32
      %dma_wait3A_91 = tpu.memref_slice %arg2[%dma_wait3A_89, %dma_wait3A_90] : memref<10000x128xf32, #tpu.memory_space<hbm>> -> memref<10000x128xf32, #tpu.memory_space<hbm>>
      tpu.wait_indirect_dma semaphore(%arg12 : memref<!tpu.dma_semaphore, #tpu.memory_space<semaphore_mem>>) src(%dma_wait3A_91 : memref<10000x128xf32, #tpu.memory_space<hbm>>) dst(%arg9 : memref<120x128xf32, #tpu.memory_space<vmem>>)
      %mul3A_92 = arith.constant 120 : i32
      %mul3A_93 = arith.muli %add3A_84, %mul3A_92 : i32
      %multiple_of3A_94 = tpu.assume_multiple %mul3A_93, 8 : i32
      "tpu.region"() ({
        %run_scoped3A = tpu.sem_alloc : memref<!tpu.dma_semaphore, #tpu.memory_space<semaphore_mem>>
        %dma_start3A_122 = tpu.memref_slice %arg8[%multiple_of3A_94] : memref<10000xi32, #tpu.memory_space<vmem>> -> memref<120xi32, #tpu.memory_space<vmem>>
        %dma_start3A_123 = arith.constant 0 : i32
        %dma_start3A_124 = arith.constant 0 : i32
        %dma_start3A_125 = tpu.memref_slice %arg11[%dma_start3A_123, %dma_start3A_124] : memref<10000x128xf32, #tpu.memory_space<vmem_shared>> -> memref<10000x128xf32, #tpu.memory_space<vmem_shared>>
        tpu.enqueue_indirect_dma source(%arg9 : memref<120x128xf32, #tpu.memory_space<vmem>>) target(%dma_start3A_125 : memref<10000x128xf32, #tpu.memory_space<vmem_shared>>) offsets(%dma_start3A_122 : memref<120xi32, #tpu.memory_space<vmem>>) semaphore(%run_scoped3A : memref<!tpu.dma_semaphore, #tpu.memory_space<semaphore_mem>>) {add = true}
        %dma_wait3A_126 = tpu.memref_slice %arg8[%multiple_of3A_94] : memref<10000xi32, #tpu.memory_space<vmem>> -> memref<120xi32, #tpu.memory_space<vmem>>
        %dma_wait3A_127 = arith.constant 0 : i32
        %dma_wait3A_128 = arith.constant 0 : i32
        %dma_wait3A_129 = tpu.memref_slice %arg11[%dma_wait3A_127, %dma_wait3A_128] : memref<10000x128xf32, #tpu.memory_space<vmem_shared>> -> memref<10000x128xf32, #tpu.memory_space<vmem_shared>>
        tpu.wait_indirect_dma semaphore(%run_scoped3A : memref<!tpu.dma_semaphore, #tpu.memory_space<semaphore_mem>>) src(%arg9 : memref<120x128xf32, #tpu.memory_space<vmem>>) dst(%dma_wait3A_129 : memref<10000x128xf32, #tpu.memory_space<vmem_shared>>)
        tpu.yield
      }) : () -> ()
      %add3A_95 = arith.constant 2 : i32
      %add3A_96 = arith.addi %add3A_84, %add3A_95 : i32
      %lt3A = arith.constant 83 : i32
      %lt3A_97 = arith.cmpi slt, %add3A_96, %lt3A : i32
      %convert_element_type3A_98 = arith.extui %lt3A_97 : i1 to i32
      %cond3A_99 = arith.constant 0 : i32
      %cond3A_100 = arith.cmpi ne, %convert_element_type3A_98, %cond3A_99 : i32
      scf.if %cond3A_100 {
        %mul3A_122 = arith.constant 120 : i32
        %mul3A_123 = arith.muli %add3A_96, %mul3A_122 : i32
        %multiple_of3A_124 = tpu.assume_multiple %mul3A_123, 8 : i32
        %dma_start3A_125 = tpu.memref_slice %arg7[%multiple_of3A_124] : memref<10000xi32, #tpu.memory_space<vmem>> -> memref<120xi32, #tpu.memory_space<vmem>>
        %dma_start3A_126 = arith.constant 0 : i32
        %dma_start3A_127 = arith.constant 0 : i32
        %dma_start3A_128 = tpu.memref_slice %arg2[%dma_start3A_126, %dma_start3A_127] : memref<10000x128xf32, #tpu.memory_space<hbm>> -> memref<10000x128xf32, #tpu.memory_space<hbm>>
        tpu.enqueue_indirect_dma source(%dma_start3A_128 : memref<10000x128xf32, #tpu.memory_space<hbm>>) target(%arg9 : memref<120x128xf32, #tpu.memory_space<vmem>>) offsets(%dma_start3A_125 : memref<120xi32, #tpu.memory_space<vmem>>) semaphore(%arg12 : memref<!tpu.dma_semaphore, #tpu.memory_space<semaphore_mem>>)
      } else {
      }
      %mul3A_101 = arith.constant 2 : i32
      %mul3A_102 = arith.muli %mul3A_101, %scan3A_80 : i32
      %add3A_103 = arith.constant 1 : i32
      %add3A_104 = arith.addi %mul3A_102, %add3A_103 : i32
      %mul3A_105 = arith.constant 120 : i32
      %mul3A_106 = arith.muli %add3A_104, %mul3A_105 : i32
      %multiple_of3A_107 = tpu.assume_multiple %mul3A_106, 8 : i32
      %dma_wait3A_108 = tpu.memref_slice %arg7[%multiple_of3A_107] : memref<10000xi32, #tpu.memory_space<vmem>> -> memref<120xi32, #tpu.memory_space<vmem>>
      %dma_wait3A_109 = arith.constant 0 : i32
      %dma_wait3A_110 = arith.constant 0 : i32
      %dma_wait3A_111 = tpu.memref_slice %arg2[%dma_wait3A_109, %dma_wait3A_110] : memref<10000x128xf32, #tpu.memory_space<hbm>> -> memref<10000x128xf32, #tpu.memory_space<hbm>>
      tpu.wait_indirect_dma semaphore(%arg13 : memref<!tpu.dma_semaphore, #tpu.memory_space<semaphore_mem>>) src(%dma_wait3A_111 : memref<10000x128xf32, #tpu.memory_space<hbm>>) dst(%arg10 : memref<120x128xf32, #tpu.memory_space<vmem>>)
      %mul3A_112 = arith.constant 120 : i32
      %mul3A_113 = arith.muli %add3A_104, %mul3A_112 : i32
      %multiple_of3A_114 = tpu.assume_multiple %mul3A_113, 8 : i32
      "tpu.region"() ({
        %run_scoped3A = tpu.sem_alloc : memref<!tpu.dma_semaphore, #tpu.memory_space<semaphore_mem>>
        %dma_start3A_122 = tpu.memref_slice %arg8[%multiple_of3A_114] : memref<10000xi32, #tpu.memory_space<vmem>> -> memref<120xi32, #tpu.memory_space<vmem>>
        %dma_start3A_123 = arith.constant 0 : i32
        %dma_start3A_124 = arith.constant 0 : i32
        %dma_start3A_125 = tpu.memref_slice %arg11[%dma_start3A_123, %dma_start3A_124] : memref<10000x128xf32, #tpu.memory_space<vmem_shared>> -> memref<10000x128xf32, #tpu.memory_space<vmem_shared>>
        tpu.enqueue_indirect_dma source(%arg10 : memref<120x128xf32, #tpu.memory_space<vmem>>) target(%dma_start3A_125 : memref<10000x128xf32, #tpu.memory_space<vmem_shared>>) offsets(%dma_start3A_122 : memref<120xi32, #tpu.memory_space<vmem>>) semaphore(%run_scoped3A : memref<!tpu.dma_semaphore, #tpu.memory_space<semaphore_mem>>) {add = true}
        %dma_wait3A_126 = tpu.memref_slice %arg8[%multiple_of3A_114] : memref<10000xi32, #tpu.memory_space<vmem>> -> memref<120xi32, #tpu.memory_space<vmem>>
        %dma_wait3A_127 = arith.constant 0 : i32
        %dma_wait3A_128 = arith.constant 0 : i32
        %dma_wait3A_129 = tpu.memref_slice %arg11[%dma_wait3A_127, %dma_wait3A_128] : memref<10000x128xf32, #tpu.memory_space<vmem_shared>> -> memref<10000x128xf32, #tpu.memory_space<vmem_shared>>
        tpu.wait_indirect_dma semaphore(%run_scoped3A : memref<!tpu.dma_semaphore, #tpu.memory_space<semaphore_mem>>) src(%arg10 : memref<120x128xf32, #tpu.memory_space<vmem>>) dst(%dma_wait3A_129 : memref<10000x128xf32, #tpu.memory_space<vmem_shared>>)
        tpu.yield
      }) : () -> ()
      %add3A_115 = arith.constant 2 : i32
      %add3A_116 = arith.addi %add3A_104, %add3A_115 : i32
      %lt3A_117 = arith.constant 83 : i32
      %lt3A_118 = arith.cmpi slt, %add3A_116, %lt3A_117 : i32
      %convert_element_type3A_119 = arith.extui %lt3A_118 : i1 to i32
      %cond3A_120 = arith.constant 0 : i32
      %cond3A_121 = arith.cmpi ne, %convert_element_type3A_119, %cond3A_120 : i32
      scf.if %cond3A_121 {
        %mul3A_122 = arith.constant 120 : i32
        %mul3A_123 = arith.muli %add3A_116, %mul3A_122 : i32
        %multiple_of3A_124 = tpu.assume_multiple %mul3A_123, 8 : i32
        %dma_start3A_125 = tpu.memref_slice %arg7[%multiple_of3A_124] : memref<10000xi32, #tpu.memory_space<vmem>> -> memref<120xi32, #tpu.memory_space<vmem>>
        %dma_start3A_126 = arith.constant 0 : i32
        %dma_start3A_127 = arith.constant 0 : i32
        %dma_start3A_128 = tpu.memref_slice %arg2[%dma_start3A_126, %dma_start3A_127] : memref<10000x128xf32, #tpu.memory_space<hbm>> -> memref<10000x128xf32, #tpu.memory_space<hbm>>
        tpu.enqueue_indirect_dma source(%dma_start3A_128 : memref<10000x128xf32, #tpu.memory_space<hbm>>) target(%arg10 : memref<120x128xf32, #tpu.memory_space<vmem>>) offsets(%dma_start3A_125 : memref<120xi32, #tpu.memory_space<vmem>>) semaphore(%arg13 : memref<!tpu.dma_semaphore, #tpu.memory_space<semaphore_mem>>)
      } else {
      }
    }
    %scan3A_45 = arith.constant 41 : i32
    %multiple_of3A_46 = arith.constant 9840 : i32
    %multiple_of3A_47 = tpu.assume_multiple %multiple_of3A_46, 8 : i32
    %dma_wait3A_48 = tpu.memref_slice %arg7[%multiple_of3A_47] : memref<10000xi32, #tpu.memory_space<vmem>> -> memref<120xi32, #tpu.memory_space<vmem>>
    %dma_wait3A_49 = arith.constant 0 : i32
    %dma_wait3A_50 = arith.constant 0 : i32
    %dma_wait3A_51 = tpu.memref_slice %arg2[%dma_wait3A_49, %dma_wait3A_50] : memref<10000x128xf32, #tpu.memory_space<hbm>> -> memref<10000x128xf32, #tpu.memory_space<hbm>>
    tpu.wait_indirect_dma semaphore(%arg12 : memref<!tpu.dma_semaphore, #tpu.memory_space<semaphore_mem>>) src(%dma_wait3A_51 : memref<10000x128xf32, #tpu.memory_space<hbm>>) dst(%arg9 : memref<120x128xf32, #tpu.memory_space<vmem>>)
    %multiple_of3A_52 = arith.constant 9840 : i32
    %multiple_of3A_53 = tpu.assume_multiple %multiple_of3A_52, 8 : i32
    "tpu.region"() ({
      %run_scoped3A = tpu.sem_alloc : memref<!tpu.dma_semaphore, #tpu.memory_space<semaphore_mem>>
      %dma_start3A_80 = tpu.memref_slice %arg8[%multiple_of3A_53] : memref<10000xi32, #tpu.memory_space<vmem>> -> memref<120xi32, #tpu.memory_space<vmem>>
      %dma_start3A_81 = arith.constant 0 : i32
      %dma_start3A_82 = arith.constant 0 : i32
      %dma_start3A_83 = tpu.memref_slice %arg11[%dma_start3A_81, %dma_start3A_82] : memref<10000x128xf32, #tpu.memory_space<vmem_shared>> -> memref<10000x128xf32, #tpu.memory_space<vmem_shared>>
      tpu.enqueue_indirect_dma source(%arg9 : memref<120x128xf32, #tpu.memory_space<vmem>>) target(%dma_start3A_83 : memref<10000x128xf32, #tpu.memory_space<vmem_shared>>) offsets(%dma_start3A_80 : memref<120xi32, #tpu.memory_space<vmem>>) semaphore(%run_scoped3A : memref<!tpu.dma_semaphore, #tpu.memory_space<semaphore_mem>>) {add = true}
      %dma_wait3A_84 = tpu.memref_slice %arg8[%multiple_of3A_53] : memref<10000xi32, #tpu.memory_space<vmem>> -> memref<120xi32, #tpu.memory_space<vmem>>
      %dma_wait3A_85 = arith.constant 0 : i32
      %dma_wait3A_86 = arith.constant 0 : i32
      %dma_wait3A_87 = tpu.memref_slice %arg11[%dma_wait3A_85, %dma_wait3A_86] : memref<10000x128xf32, #tpu.memory_space<vmem_shared>> -> memref<10000x128xf32, #tpu.memory_space<vmem_shared>>
      tpu.wait_indirect_dma semaphore(%run_scoped3A : memref<!tpu.dma_semaphore, #tpu.memory_space<semaphore_mem>>) src(%arg9 : memref<120x128xf32, #tpu.memory_space<vmem>>) dst(%dma_wait3A_87 : memref<10000x128xf32, #tpu.memory_space<vmem_shared>>)
      tpu.yield
    }) : () -> ()
    %dma_start3A_54 = arith.constant 0 : i32
    %dma_start3A_55 = arith.constant 0 : i32
    %dma_start3A_56 = tpu.memref_slice %arg10[%dma_start3A_54, %dma_start3A_55] : memref<120x128xf32, #tpu.memory_space<vmem>> -> memref<40x128xf32, #tpu.memory_space<vmem>>
    %dma_start3A_57 = arith.constant 9960 : i32
    %dma_start3A_58 = tpu.memref_slice %arg7[%dma_start3A_57] : memref<10000xi32, #tpu.memory_space<vmem>> -> memref<40xi32, #tpu.memory_space<vmem>>
    %dma_start3A_59 = arith.constant 0 : i32
    %dma_start3A_60 = arith.constant 0 : i32
    %dma_start3A_61 = tpu.memref_slice %arg2[%dma_start3A_59, %dma_start3A_60] : memref<10000x128xf32, #tpu.memory_space<hbm>> -> memref<10000x128xf32, #tpu.memory_space<hbm>>
    tpu.enqueue_indirect_dma source(%dma_start3A_61 : memref<10000x128xf32, #tpu.memory_space<hbm>>) target(%dma_start3A_56 : memref<40x128xf32, #tpu.memory_space<vmem>>) offsets(%dma_start3A_58 : memref<40xi32, #tpu.memory_space<vmem>>) semaphore(%arg13 : memref<!tpu.dma_semaphore, #tpu.memory_space<semaphore_mem>>)
    %dma_wait3A_62 = arith.constant 0 : i32
    %dma_wait3A_63 = arith.constant 0 : i32
    %dma_wait3A_64 = tpu.memref_slice %arg10[%dma_wait3A_62, %dma_wait3A_63] : memref<120x128xf32, #tpu.memory_space<vmem>> -> memref<40x128xf32, #tpu.memory_space<vmem>>
    %dma_wait3A_65 = arith.constant 9960 : i32
    %dma_wait3A_66 = tpu.memref_slice %arg7[%dma_wait3A_65] : memref<10000xi32, #tpu.memory_space<vmem>> -> memref<40xi32, #tpu.memory_space<vmem>>
    %dma_wait3A_67 = arith.constant 0 : i32
    %dma_wait3A_68 = arith.constant 0 : i32
    %dma_wait3A_69 = tpu.memref_slice %arg2[%dma_wait3A_67, %dma_wait3A_68] : memref<10000x128xf32, #tpu.memory_space<hbm>> -> memref<10000x128xf32, #tpu.memory_space<hbm>>
    tpu.wait_indirect_dma semaphore(%arg13 : memref<!tpu.dma_semaphore, #tpu.memory_space<semaphore_mem>>) src(%dma_wait3A_69 : memref<10000x128xf32, #tpu.memory_space<hbm>>) dst(%dma_wait3A_64 : memref<40x128xf32, #tpu.memory_space<vmem>>)
    "tpu.region"() ({
      %run_scoped3A = tpu.sem_alloc : memref<!tpu.dma_semaphore, #tpu.memory_space<semaphore_mem>>
      %dma_start3A_80 = arith.constant 0 : i32
      %dma_start3A_81 = arith.constant 0 : i32
      %dma_start3A_82 = tpu.memref_slice %arg10[%dma_start3A_80, %dma_start3A_81] : memref<120x128xf32, #tpu.memory_space<vmem>> -> memref<40x128xf32, #tpu.memory_space<vmem>>
      %dma_start3A_83 = arith.constant 9960 : i32
      %dma_start3A_84 = tpu.memref_slice %arg8[%dma_start3A_83] : memref<10000xi32, #tpu.memory_space<vmem>> -> memref<40xi32, #tpu.memory_space<vmem>>
      %dma_start3A_85 = arith.constant 0 : i32
      %dma_start3A_86 = arith.constant 0 : i32
      %dma_start3A_87 = tpu.memref_slice %arg11[%dma_start3A_85, %dma_start3A_86] : memref<10000x128xf32, #tpu.memory_space<vmem_shared>> -> memref<10000x128xf32, #tpu.memory_space<vmem_shared>>
      tpu.enqueue_indirect_dma source(%dma_start3A_82 : memref<40x128xf32, #tpu.memory_space<vmem>>) target(%dma_start3A_87 : memref<10000x128xf32, #tpu.memory_space<vmem_shared>>) offsets(%dma_start3A_84 : memref<40xi32, #tpu.memory_space<vmem>>) semaphore(%run_scoped3A : memref<!tpu.dma_semaphore, #tpu.memory_space<semaphore_mem>>) {add = true}
      %dma_wait3A_88 = arith.constant 0 : i32
      %dma_wait3A_89 = arith.constant 0 : i32
      %dma_wait3A_90 = tpu.memref_slice %arg10[%dma_wait3A_88, %dma_wait3A_89] : memref<120x128xf32, #tpu.memory_space<vmem>> -> memref<40x128xf32, #tpu.memory_space<vmem>>
      %dma_wait3A_91 = arith.constant 9960 : i32
      %dma_wait3A_92 = tpu.memref_slice %arg8[%dma_wait3A_91] : memref<10000xi32, #tpu.memory_space<vmem>> -> memref<40xi32, #tpu.memory_space<vmem>>
      %dma_wait3A_93 = arith.constant 0 : i32
      %dma_wait3A_94 = arith.constant 0 : i32
      %dma_wait3A_95 = tpu.memref_slice %arg11[%dma_wait3A_93, %dma_wait3A_94] : memref<10000x128xf32, #tpu.memory_space<vmem_shared>> -> memref<10000x128xf32, #tpu.memory_space<vmem_shared>>
      tpu.wait_indirect_dma semaphore(%run_scoped3A : memref<!tpu.dma_semaphore, #tpu.memory_space<semaphore_mem>>) src(%dma_wait3A_90 : memref<40x128xf32, #tpu.memory_space<vmem>>) dst(%dma_wait3A_95 : memref<10000x128xf32, #tpu.memory_space<vmem_shared>>)
      tpu.yield
    }) : () -> ()
    %barrier3A_70 = arith.constant 0 : index
    tpu.barrier barrier_id(%barrier3A_70)
    %mul3A_71 = arith.constant 624 : i32
    %mul3A_72 = arith.muli %arg1, %mul3A_71 : i32
    %mul3A_73 = arith.constant 624 : i32
    %mul3A_74 = arith.muli %arg1, %mul3A_73 : i32
    "tpu.region"() ({
      %run_scoped3A = tpu.sem_alloc : memref<!tpu.dma_semaphore, #tpu.memory_space<semaphore_mem>>
      %dma_start3A_80 = arith.constant 0 : i32
      %dma_start3A_81 = tpu.memref_slice %arg6[%arg0, %mul3A_74, %dma_start3A_80] : memref<2x10000x128xf32, #tpu.memory_space<hbm>> -> memref<1x624x128xf32, #tpu.memory_space<hbm>>
      %dma_start3A_82 = tpu.memref_squeeze %dma_start3A_81 : memref<1x624x128xf32, #tpu.memory_space<hbm>> -> memref<624x128xf32, #tpu.memory_space<hbm>>
      %dma_start3A_83 = arith.constant 0 : i32
      %dma_start3A_84 = tpu.memref_slice %arg11[%mul3A_72, %dma_start3A_83] : memref<10000x128xf32, #tpu.memory_space<vmem_shared>> -> memref<624x128xf32, #tpu.memory_space<vmem_shared>>
      tpu.enqueue_dma source(%dma_start3A_84 : memref<624x128xf32, #tpu.memory_space<vmem_shared>>) target(%dma_start3A_82 : memref<624x128xf32, #tpu.memory_space<hbm>>) target_semaphore(%run_scoped3A : memref<!tpu.dma_semaphore, #tpu.memory_space<semaphore_mem>>)
      %dma_wait3A_85 = arith.constant 0 : i32
      %dma_wait3A_86 = tpu.memref_slice %arg6[%arg0, %mul3A_74, %dma_wait3A_85] : memref<2x10000x128xf32, #tpu.memory_space<hbm>> -> memref<1x624x128xf32, #tpu.memory_space<hbm>>
      %dma_wait3A_87 = tpu.memref_squeeze %dma_wait3A_86 : memref<1x624x128xf32, #tpu.memory_space<hbm>> -> memref<624x128xf32, #tpu.memory_space<hbm>>
      %dma_wait3A_88 = arith.constant 0 : i32
      %dma_wait3A_89 = tpu.memref_slice %arg11[%mul3A_72, %dma_wait3A_88] : memref<10000x128xf32, #tpu.memory_space<vmem_shared>> -> memref<624x128xf32, #tpu.memory_space<vmem_shared>>
      tpu.wait_dma2 semaphore(%run_scoped3A : memref<!tpu.dma_semaphore, #tpu.memory_space<semaphore_mem>>) src(%dma_wait3A_89 : memref<624x128xf32, #tpu.memory_space<vmem_shared>>) dst(%dma_wait3A_87 : memref<624x128xf32, #tpu.memory_space<hbm>>)
      tpu.yield
    }) : () -> ()
    %eq3A_75 = arith.constant 15 : i32
    %eq3A_76 = arith.cmpi eq, %arg1, %eq3A_75 : i32
    %convert_element_type3A_77 = arith.extui %eq3A_76 : i1 to i32
    %cond3A_78 = arith.constant 0 : i32
    %cond3A_79 = arith.cmpi ne, %convert_element_type3A_77, %cond3A_78 : i32
    scf.if %cond3A_79 {
      "tpu.region"() ({
        %run_scoped3A = tpu.sem_alloc : memref<!tpu.dma_semaphore, #tpu.memory_space<semaphore_mem>>
        %dma_start3A_80 = arith.constant 9984 : i32
        %dma_start3A_81 = arith.constant 0 : i32
        %dma_start3A_82 = tpu.memref_slice %arg6[%arg0, %dma_start3A_80, %dma_start3A_81] : memref<2x10000x128xf32, #tpu.memory_space<hbm>> -> memref<1x16x128xf32, #tpu.memory_space<hbm>>
        %dma_start3A_83 = tpu.memref_squeeze %dma_start3A_82 : memref<1x16x128xf32, #tpu.memory_space<hbm>> -> memref<16x128xf32, #tpu.memory_space<hbm>>
        %dma_start3A_84 = arith.constant 9984 : i32
        %dma_start3A_85 = arith.constant 0 : i32
        %dma_start3A_86 = tpu.memref_slice %arg11[%dma_start3A_84, %dma_start3A_85] : memref<10000x128xf32, #tpu.memory_space<vmem_shared>> -> memref<16x128xf32, #tpu.memory_space<vmem_shared>>
        tpu.enqueue_dma source(%dma_start3A_86 : memref<16x128xf32, #tpu.memory_space<vmem_shared>>) target(%dma_start3A_83 : memref<16x128xf32, #tpu.memory_space<hbm>>) target_semaphore(%run_scoped3A : memref<!tpu.dma_semaphore, #tpu.memory_space<semaphore_mem>>)
        %dma_wait3A_87 = arith.constant 9984 : i32
        %dma_wait3A_88 = arith.constant 0 : i32
        %dma_wait3A_89 = tpu.memref_slice %arg6[%arg0, %dma_wait3A_87, %dma_wait3A_88] : memref<2x10000x128xf32, #tpu.memory_space<hbm>> -> memref<1x16x128xf32, #tpu.memory_space<hbm>>
        %dma_wait3A_90 = tpu.memref_squeeze %dma_wait3A_89 : memref<1x16x128xf32, #tpu.memory_space<hbm>> -> memref<16x128xf32, #tpu.memory_space<hbm>>
        %dma_wait3A_91 = arith.constant 9984 : i32
        %dma_wait3A_92 = arith.constant 0 : i32
        %dma_wait3A_93 = tpu.memref_slice %arg11[%dma_wait3A_91, %dma_wait3A_92] : memref<10000x128xf32, #tpu.memory_space<vmem_shared>> -> memref<16x128xf32, #tpu.memory_space<vmem_shared>>
        tpu.wait_dma2 semaphore(%run_scoped3A : memref<!tpu.dma_semaphore, #tpu.memory_space<semaphore_mem>>) src(%dma_wait3A_93 : memref<16x128xf32, #tpu.memory_space<vmem_shared>>) dst(%dma_wait3A_90 : memref<16x128xf32, #tpu.memory_space<hbm>>)
        tpu.yield
      }) : () -> ()
    } else {
    }
    return
  }
}

#map = affine_map<(d0, d1) -> (0, 0)>
#map1 = affine_map<(d0, d1) -> (0)>
#map2 = affine_map<(d0, d1) -> (0, 0, 0)>
module attributes {stable_mosaic.version = 14 : i64} {
  func.func @agg_kernel(%arg0: i32, %arg1: i32, %arg2: memref<10000x128xf32, #tpu.memory_space<hbm>>, %arg3: memref<320000xi32, #tpu.memory_space<hbm>>, %arg4: memref<320000xi32, #tpu.memory_space<hbm>>, %arg5: memref<10000x128xf32, #tpu.memory_space<hbm>>, %arg6: memref<2x10000x128xf32, #tpu.memory_space<hbm>>, %arg7: memref<10000xi32, #tpu.memory_space<vmem>>, %arg8: memref<10000xi32, #tpu.memory_space<vmem>>, %arg9: memref<120x128xf32, #tpu.memory_space<vmem>>, %arg10: memref<120x128xf32, #tpu.memory_space<vmem>>, %arg11: memref<10000x128xf32, #tpu.memory_space<vmem_shared>>, %arg12: memref<!tpu.dma_semaphore, #tpu.memory_space<semaphore_mem>>, %arg13: memref<!tpu.dma_semaphore, #tpu.memory_space<semaphore_mem>>, %arg14: memref<!tpu.dma_semaphore, #tpu.memory_space<semaphore_mem>>) attributes {dimension_semantics = [#tpu.dimension_semantics<core_parallel>, #tpu.dimension_semantics<subcore_parallel>], iteration_bounds = array<i64: 2, 16>, scalar_prefetch = 0 : i64, scratch_operands = 8 : i64, tpu.core_type = #tpu.core_type<sc_vector_subcore>, window_params = [{transform_indices = #map}, {transform_indices = #map1}, {transform_indices = #map1}, {transform_indices = #map}, {transform_indices = #map2}]} {
    %mul3A = arith.constant 16 : i32
    %mul3A_0 = arith.muli %arg0, %mul3A : i32
    %add3A = arith.addi %mul3A_0, %arg1 : i32
    %eq3A = arith.constant 0 : i32
    %eq3A_1 = arith.cmpi eq, %arg0, %eq3A : i32
    %convert_element_type3A = arith.extui %eq3A_1 : i1 to i32
    %cond3A = arith.constant 0 : i32
    %cond3A_2 = arith.cmpi ne, %convert_element_type3A, %cond3A : i32
    scf.if %cond3A_2 {
      %mul3A_80 = arith.constant 624 : i32
      %mul3A_81 = arith.muli %arg1, %mul3A_80 : i32
      %mul3A_82 = arith.constant 624 : i32
      %mul3A_83 = arith.muli %arg1, %mul3A_82 : i32
      %dma_start3A_84 = arith.constant 0 : i32
      %dma_start3A_85 = tpu.memref_slice %arg11[%mul3A_83, %dma_start3A_84] : memref<10000x128xf32, #tpu.memory_space<vmem_shared>> -> memref<624x128xf32, #tpu.memory_space<vmem_shared>>
      %dma_start3A_86 = arith.constant 0 : i32
      %dma_start3A_87 = tpu.memref_slice %arg2[%mul3A_81, %dma_start3A_86] : memref<10000x128xf32, #tpu.memory_space<hbm>> -> memref<624x128xf32, #tpu.memory_space<hbm>>
      tpu.enqueue_dma source(%dma_start3A_87 : memref<624x128xf32, #tpu.memory_space<hbm>>) target(%dma_start3A_85 : memref<624x128xf32, #tpu.memory_space<vmem_shared>>) target_semaphore(%arg14 : memref<!tpu.dma_semaphore, #tpu.memory_space<semaphore_mem>>)
    } else {
    }
    %ne3A = arith.constant 0 : i32
    %ne3A_3 = arith.cmpi ne, %arg0, %ne3A : i32
    %convert_element_type3A_4 = arith.extui %ne3A_3 : i1 to i32
    %cond3A_5 = arith.constant 0 : i32
    %cond3A_6 = arith.cmpi ne, %convert_element_type3A_4, %cond3A_5 : i32
    scf.if %cond3A_6 {
      %mul3A_80 = arith.constant 624 : i32
      %mul3A_81 = arith.muli %arg1, %mul3A_80 : i32
      %mul3A_82 = arith.constant 624 : i32
      %mul3A_83 = arith.muli %arg1, %mul3A_82 : i32
      %dma_start3A_84 = arith.constant 0 : i32
      %dma_start3A_85 = tpu.memref_slice %arg11[%mul3A_83, %dma_start3A_84] : memref<10000x128xf32, #tpu.memory_space<vmem_shared>> -> memref<624x128xf32, #tpu.memory_space<vmem_shared>>
      %dma_start3A_86 = arith.constant 0 : i32
      %dma_start3A_87 = tpu.memref_slice %arg5[%mul3A_81, %dma_start3A_86] : memref<10000x128xf32, #tpu.memory_space<hbm>> -> memref<624x128xf32, #tpu.memory_space<hbm>>
      tpu.enqueue_dma source(%dma_start3A_87 : memref<624x128xf32, #tpu.memory_space<hbm>>) target(%dma_start3A_85 : memref<624x128xf32, #tpu.memory_space<vmem_shared>>) target_semaphore(%arg14 : memref<!tpu.dma_semaphore, #tpu.memory_space<semaphore_mem>>)
    } else {
    }
    %mul3A_7 = arith.constant 10000 : i32
    %mul3A_8 = arith.muli %add3A, %mul3A_7 : i32
    %dma_start3A = tpu.memref_slice %arg3[%mul3A_8] : memref<320000xi32, #tpu.memory_space<hbm>> -> memref<10000xi32, #tpu.memory_space<hbm>>
    %dma_start3A_9 = tpu.memref_slice %arg3[%mul3A_8] : memref<320000xi32, #tpu.memory_space<hbm>> -> memref<10000xi32, #tpu.memory_space<hbm>>
    tpu.enqueue_dma source(%dma_start3A_9 : memref<10000xi32, #tpu.memory_space<hbm>>) target(%arg7 : memref<10000xi32, #tpu.memory_space<vmem>>) target_semaphore(%arg12 : memref<!tpu.dma_semaphore, #tpu.memory_space<semaphore_mem>>)
    %mul3A_10 = arith.constant 10000 : i32
    %mul3A_11 = arith.muli %add3A, %mul3A_10 : i32
    %dma_start3A_12 = tpu.memref_slice %arg4[%mul3A_11] : memref<320000xi32, #tpu.memory_space<hbm>> -> memref<10000xi32, #tpu.memory_space<hbm>>
    %dma_start3A_13 = tpu.memref_slice %arg4[%mul3A_11] : memref<320000xi32, #tpu.memory_space<hbm>> -> memref<10000xi32, #tpu.memory_space<hbm>>
    tpu.enqueue_dma source(%dma_start3A_13 : memref<10000xi32, #tpu.memory_space<hbm>>) target(%arg8 : memref<10000xi32, #tpu.memory_space<vmem>>) target_semaphore(%arg13 : memref<!tpu.dma_semaphore, #tpu.memory_space<semaphore_mem>>)
    %dma_wait3A = tpu.memref_slice %arg3[%mul3A_8] : memref<320000xi32, #tpu.memory_space<hbm>> -> memref<10000xi32, #tpu.memory_space<hbm>>
    %dma_wait3A_14 = tpu.memref_slice %arg3[%mul3A_8] : memref<320000xi32, #tpu.memory_space<hbm>> -> memref<10000xi32, #tpu.memory_space<hbm>>
    tpu.wait_dma2 semaphore(%arg12 : memref<!tpu.dma_semaphore, #tpu.memory_space<semaphore_mem>>) src(%dma_wait3A_14 : memref<10000xi32, #tpu.memory_space<hbm>>) dst(%arg7 : memref<10000xi32, #tpu.memory_space<vmem>>)
    %dma_wait3A_15 = tpu.memref_slice %arg4[%mul3A_11] : memref<320000xi32, #tpu.memory_space<hbm>> -> memref<10000xi32, #tpu.memory_space<hbm>>
    %dma_wait3A_16 = tpu.memref_slice %arg4[%mul3A_11] : memref<320000xi32, #tpu.memory_space<hbm>> -> memref<10000xi32, #tpu.memory_space<hbm>>
    tpu.wait_dma2 semaphore(%arg13 : memref<!tpu.dma_semaphore, #tpu.memory_space<semaphore_mem>>) src(%dma_wait3A_16 : memref<10000xi32, #tpu.memory_space<hbm>>) dst(%arg8 : memref<10000xi32, #tpu.memory_space<vmem>>)
    %mul3A_17 = arith.constant 624 : i32
    %mul3A_18 = arith.muli %arg1, %mul3A_17 : i32
    %mul3A_19 = arith.constant 624 : i32
    %mul3A_20 = arith.muli %arg1, %mul3A_19 : i32
    %dma_wait3A_21 = arith.constant 0 : i32
    %dma_wait3A_22 = tpu.memref_slice %arg11[%mul3A_20, %dma_wait3A_21] : memref<10000x128xf32, #tpu.memory_space<vmem_shared>> -> memref<624x128xf32, #tpu.memory_space<vmem_shared>>
    %dma_wait3A_23 = arith.constant 0 : i32
    %dma_wait3A_24 = tpu.memref_slice %arg5[%mul3A_18, %dma_wait3A_23] : memref<10000x128xf32, #tpu.memory_space<hbm>> -> memref<624x128xf32, #tpu.memory_space<hbm>>
    tpu.wait_dma2 semaphore(%arg14 : memref<!tpu.dma_semaphore, #tpu.memory_space<semaphore_mem>>) src(%dma_wait3A_24 : memref<624x128xf32, #tpu.memory_space<hbm>>) dst(%dma_wait3A_22 : memref<624x128xf32, #tpu.memory_space<vmem_shared>>)
    %eq3A_25 = arith.constant 15 : i32
    %eq3A_26 = arith.cmpi eq, %arg1, %eq3A_25 : i32
    %convert_element_type3A_27 = arith.extui %eq3A_26 : i1 to i32
    %cond3A_28 = arith.constant 0 : i32
    %cond3A_29 = arith.cmpi ne, %convert_element_type3A_27, %cond3A_28 : i32
    scf.if %cond3A_29 {
      %eq3A_80 = arith.constant 0 : i32
      %eq3A_81 = arith.cmpi eq, %arg0, %eq3A_80 : i32
      %convert_element_type3A_82 = arith.extui %eq3A_81 : i1 to i32
      %cond3A_83 = arith.constant 0 : i32
      %cond3A_84 = arith.cmpi ne, %convert_element_type3A_82, %cond3A_83 : i32
      scf.if %cond3A_84 {
        "tpu.region"() ({
          %run_scoped3A = tpu.sem_alloc : memref<!tpu.dma_semaphore, #tpu.memory_space<semaphore_mem>>
          %dma_start3A_90 = arith.constant 9984 : i32
          %dma_start3A_91 = arith.constant 0 : i32
          %dma_start3A_92 = tpu.memref_slice %arg11[%dma_start3A_90, %dma_start3A_91] : memref<10000x128xf32, #tpu.memory_space<vmem_shared>> -> memref<16x128xf32, #tpu.memory_space<vmem_shared>>
          %dma_start3A_93 = arith.constant 9984 : i32
          %dma_start3A_94 = arith.constant 0 : i32
          %dma_start3A_95 = tpu.memref_slice %arg2[%dma_start3A_93, %dma_start3A_94] : memref<10000x128xf32, #tpu.memory_space<hbm>> -> memref<16x128xf32, #tpu.memory_space<hbm>>
          tpu.enqueue_dma source(%dma_start3A_95 : memref<16x128xf32, #tpu.memory_space<hbm>>) target(%dma_start3A_92 : memref<16x128xf32, #tpu.memory_space<vmem_shared>>) target_semaphore(%run_scoped3A : memref<!tpu.dma_semaphore, #tpu.memory_space<semaphore_mem>>)
          %dma_wait3A_96 = arith.constant 9984 : i32
          %dma_wait3A_97 = arith.constant 0 : i32
          %dma_wait3A_98 = tpu.memref_slice %arg11[%dma_wait3A_96, %dma_wait3A_97] : memref<10000x128xf32, #tpu.memory_space<vmem_shared>> -> memref<16x128xf32, #tpu.memory_space<vmem_shared>>
          %dma_wait3A_99 = arith.constant 9984 : i32
          %dma_wait3A_100 = arith.constant 0 : i32
          %dma_wait3A_101 = tpu.memref_slice %arg2[%dma_wait3A_99, %dma_wait3A_100] : memref<10000x128xf32, #tpu.memory_space<hbm>> -> memref<16x128xf32, #tpu.memory_space<hbm>>
          tpu.wait_dma2 semaphore(%run_scoped3A : memref<!tpu.dma_semaphore, #tpu.memory_space<semaphore_mem>>) src(%dma_wait3A_101 : memref<16x128xf32, #tpu.memory_space<hbm>>) dst(%dma_wait3A_98 : memref<16x128xf32, #tpu.memory_space<vmem_shared>>)
          tpu.yield
        }) : () -> ()
      } else {
      }
      %ne3A_85 = arith.constant 0 : i32
      %ne3A_86 = arith.cmpi ne, %arg0, %ne3A_85 : i32
      %convert_element_type3A_87 = arith.extui %ne3A_86 : i1 to i32
      %cond3A_88 = arith.constant 0 : i32
      %cond3A_89 = arith.cmpi ne, %convert_element_type3A_87, %cond3A_88 : i32
      scf.if %cond3A_89 {
        "tpu.region"() ({
          %run_scoped3A = tpu.sem_alloc : memref<!tpu.dma_semaphore, #tpu.memory_space<semaphore_mem>>
          %dma_start3A_90 = arith.constant 9984 : i32
          %dma_start3A_91 = arith.constant 0 : i32
          %dma_start3A_92 = tpu.memref_slice %arg11[%dma_start3A_90, %dma_start3A_91] : memref<10000x128xf32, #tpu.memory_space<vmem_shared>> -> memref<16x128xf32, #tpu.memory_space<vmem_shared>>
          %dma_start3A_93 = arith.constant 9984 : i32
          %dma_start3A_94 = arith.constant 0 : i32
          %dma_start3A_95 = tpu.memref_slice %arg5[%dma_start3A_93, %dma_start3A_94] : memref<10000x128xf32, #tpu.memory_space<hbm>> -> memref<16x128xf32, #tpu.memory_space<hbm>>
          tpu.enqueue_dma source(%dma_start3A_95 : memref<16x128xf32, #tpu.memory_space<hbm>>) target(%dma_start3A_92 : memref<16x128xf32, #tpu.memory_space<vmem_shared>>) target_semaphore(%run_scoped3A : memref<!tpu.dma_semaphore, #tpu.memory_space<semaphore_mem>>)
          %dma_wait3A_96 = arith.constant 9984 : i32
          %dma_wait3A_97 = arith.constant 0 : i32
          %dma_wait3A_98 = tpu.memref_slice %arg11[%dma_wait3A_96, %dma_wait3A_97] : memref<10000x128xf32, #tpu.memory_space<vmem_shared>> -> memref<16x128xf32, #tpu.memory_space<vmem_shared>>
          %dma_wait3A_99 = arith.constant 9984 : i32
          %dma_wait3A_100 = arith.constant 0 : i32
          %dma_wait3A_101 = tpu.memref_slice %arg5[%dma_wait3A_99, %dma_wait3A_100] : memref<10000x128xf32, #tpu.memory_space<hbm>> -> memref<16x128xf32, #tpu.memory_space<hbm>>
          tpu.wait_dma2 semaphore(%run_scoped3A : memref<!tpu.dma_semaphore, #tpu.memory_space<semaphore_mem>>) src(%dma_wait3A_101 : memref<16x128xf32, #tpu.memory_space<hbm>>) dst(%dma_wait3A_98 : memref<16x128xf32, #tpu.memory_space<vmem_shared>>)
          tpu.yield
        }) : () -> ()
      } else {
      }
    } else {
    }
    %barrier3A = arith.constant 0 : index
    tpu.barrier barrier_id(%barrier3A)
    %multiple_of3A = arith.constant 0 : i32
    %multiple_of3A_30 = tpu.assume_multiple %multiple_of3A, 8 : i32
    %dma_start3A_31 = tpu.memref_slice %arg7[%multiple_of3A_30] : memref<10000xi32, #tpu.memory_space<vmem>> -> memref<120xi32, #tpu.memory_space<vmem>>
    %dma_start3A_32 = arith.constant 0 : i32
    %dma_start3A_33 = arith.constant 0 : i32
    %dma_start3A_34 = tpu.memref_slice %arg2[%dma_start3A_32, %dma_start3A_33] : memref<10000x128xf32, #tpu.memory_space<hbm>> -> memref<10000x128xf32, #tpu.memory_space<hbm>>
    tpu.enqueue_indirect_dma source(%dma_start3A_34 : memref<10000x128xf32, #tpu.memory_space<hbm>>) target(%arg9 : memref<120x128xf32, #tpu.memory_space<vmem>>) offsets(%dma_start3A_31 : memref<120xi32, #tpu.memory_space<vmem>>) semaphore(%arg12 : memref<!tpu.dma_semaphore, #tpu.memory_space<semaphore_mem>>)
    %multiple_of3A_35 = arith.constant 120 : i32
    %multiple_of3A_36 = tpu.assume_multiple %multiple_of3A_35, 8 : i32
    %dma_start3A_37 = tpu.memref_slice %arg7[%multiple_of3A_36] : memref<10000xi32, #tpu.memory_space<vmem>> -> memref<120xi32, #tpu.memory_space<vmem>>
    %dma_start3A_38 = arith.constant 0 : i32
    %dma_start3A_39 = arith.constant 0 : i32
    %dma_start3A_40 = tpu.memref_slice %arg2[%dma_start3A_38, %dma_start3A_39] : memref<10000x128xf32, #tpu.memory_space<hbm>> -> memref<10000x128xf32, #tpu.memory_space<hbm>>
    tpu.enqueue_indirect_dma source(%dma_start3A_40 : memref<10000x128xf32, #tpu.memory_space<hbm>>) target(%arg10 : memref<120x128xf32, #tpu.memory_space<vmem>>) offsets(%dma_start3A_37 : memref<120xi32, #tpu.memory_space<vmem>>) semaphore(%arg13 : memref<!tpu.dma_semaphore, #tpu.memory_space<semaphore_mem>>)
    %scan3A = arith.constant 0 : i32
    %scan3A_41 = arith.constant 0 : i32
    %scan3A_42 = arith.constant 41 : i32
    %scan3A_43 = arith.addi %scan3A_41, %scan3A_42 : i32
    %scan3A_44 = arith.constant 1 : i32
    scf.for %scan3A_80 = %scan3A_41 to %scan3A_43 step %scan3A_44  : i32 {
      %mul3A_81 = arith.constant 2 : i32
      %mul3A_82 = arith.muli %mul3A_81, %scan3A_80 : i32
      %add3A_83 = arith.constant 0 : i32
      %add3A_84 = arith.addi %mul3A_82, %add3A_83 : i32
      %mul3A_85 = arith.constant 120 : i32
      %mul3A_86 = arith.muli %add3A_84, %mul3A_85 : i32
      %multiple_of3A_87 = tpu.assume_multiple %mul3A_86, 8 : i32
      %dma_wait3A_88 = tpu.memref_slice %arg7[%multiple_of3A_87] : memref<10000xi32, #tpu.memory_space<vmem>> -> memref<120xi32, #tpu.memory_space<vmem>>
      %dma_wait3A_89 = arith.constant 0 : i32
      %dma_wait3A_90 = arith.constant 0 : i32
      %dma_wait3A_91 = tpu.memref_slice %arg2[%dma_wait3A_89, %dma_wait3A_90] : memref<10000x128xf32, #tpu.memory_space<hbm>> -> memref<10000x128xf32, #tpu.memory_space<hbm>>
      tpu.wait_indirect_dma semaphore(%arg12 : memref<!tpu.dma_semaphore, #tpu.memory_space<semaphore_mem>>) src(%dma_wait3A_91 : memref<10000x128xf32, #tpu.memory_space<hbm>>) dst(%arg9 : memref<120x128xf32, #tpu.memory_space<vmem>>)
      %mul3A_92 = arith.constant 120 : i32
      %mul3A_93 = arith.muli %add3A_84, %mul3A_92 : i32
      %multiple_of3A_94 = tpu.assume_multiple %mul3A_93, 8 : i32
      "tpu.region"() ({
        %run_scoped3A = tpu.sem_alloc : memref<!tpu.dma_semaphore, #tpu.memory_space<semaphore_mem>>
        %dma_start3A_122 = tpu.memref_slice %arg8[%multiple_of3A_94] : memref<10000xi32, #tpu.memory_space<vmem>> -> memref<120xi32, #tpu.memory_space<vmem>>
        %dma_start3A_123 = arith.constant 0 : i32
        %dma_start3A_124 = arith.constant 0 : i32
        %dma_start3A_125 = tpu.memref_slice %arg11[%dma_start3A_123, %dma_start3A_124] : memref<10000x128xf32, #tpu.memory_space<vmem_shared>> -> memref<10000x128xf32, #tpu.memory_space<vmem_shared>>
        tpu.enqueue_indirect_dma source(%arg9 : memref<120x128xf32, #tpu.memory_space<vmem>>) target(%dma_start3A_125 : memref<10000x128xf32, #tpu.memory_space<vmem_shared>>) offsets(%dma_start3A_122 : memref<120xi32, #tpu.memory_space<vmem>>) semaphore(%run_scoped3A : memref<!tpu.dma_semaphore, #tpu.memory_space<semaphore_mem>>) {add = true}
        %dma_wait3A_126 = tpu.memref_slice %arg8[%multiple_of3A_94] : memref<10000xi32, #tpu.memory_space<vmem>> -> memref<120xi32, #tpu.memory_space<vmem>>
        %dma_wait3A_127 = arith.constant 0 : i32
        %dma_wait3A_128 = arith.constant 0 : i32
        %dma_wait3A_129 = tpu.memref_slice %arg11[%dma_wait3A_127, %dma_wait3A_128] : memref<10000x128xf32, #tpu.memory_space<vmem_shared>> -> memref<10000x128xf32, #tpu.memory_space<vmem_shared>>
        tpu.wait_indirect_dma semaphore(%run_scoped3A : memref<!tpu.dma_semaphore, #tpu.memory_space<semaphore_mem>>) src(%arg9 : memref<120x128xf32, #tpu.memory_space<vmem>>) dst(%dma_wait3A_129 : memref<10000x128xf32, #tpu.memory_space<vmem_shared>>)
        tpu.yield
      }) : () -> ()
      %add3A_95 = arith.constant 2 : i32
      %add3A_96 = arith.addi %add3A_84, %add3A_95 : i32
      %lt3A = arith.constant 83 : i32
      %lt3A_97 = arith.cmpi slt, %add3A_96, %lt3A : i32
      %convert_element_type3A_98 = arith.extui %lt3A_97 : i1 to i32
      %cond3A_99 = arith.constant 0 : i32
      %cond3A_100 = arith.cmpi ne, %convert_element_type3A_98, %cond3A_99 : i32
      scf.if %cond3A_100 {
        %mul3A_122 = arith.constant 120 : i32
        %mul3A_123 = arith.muli %add3A_96, %mul3A_122 : i32
        %multiple_of3A_124 = tpu.assume_multiple %mul3A_123, 8 : i32
        %dma_start3A_125 = tpu.memref_slice %arg7[%multiple_of3A_124] : memref<10000xi32, #tpu.memory_space<vmem>> -> memref<120xi32, #tpu.memory_space<vmem>>
        %dma_start3A_126 = arith.constant 0 : i32
        %dma_start3A_127 = arith.constant 0 : i32
        %dma_start3A_128 = tpu.memref_slice %arg2[%dma_start3A_126, %dma_start3A_127] : memref<10000x128xf32, #tpu.memory_space<hbm>> -> memref<10000x128xf32, #tpu.memory_space<hbm>>
        tpu.enqueue_indirect_dma source(%dma_start3A_128 : memref<10000x128xf32, #tpu.memory_space<hbm>>) target(%arg9 : memref<120x128xf32, #tpu.memory_space<vmem>>) offsets(%dma_start3A_125 : memref<120xi32, #tpu.memory_space<vmem>>) semaphore(%arg12 : memref<!tpu.dma_semaphore, #tpu.memory_space<semaphore_mem>>)
      } else {
      }
      %mul3A_101 = arith.constant 2 : i32
      %mul3A_102 = arith.muli %mul3A_101, %scan3A_80 : i32
      %add3A_103 = arith.constant 1 : i32
      %add3A_104 = arith.addi %mul3A_102, %add3A_103 : i32
      %mul3A_105 = arith.constant 120 : i32
      %mul3A_106 = arith.muli %add3A_104, %mul3A_105 : i32
      %multiple_of3A_107 = tpu.assume_multiple %mul3A_106, 8 : i32
      %dma_wait3A_108 = tpu.memref_slice %arg7[%multiple_of3A_107] : memref<10000xi32, #tpu.memory_space<vmem>> -> memref<120xi32, #tpu.memory_space<vmem>>
      %dma_wait3A_109 = arith.constant 0 : i32
      %dma_wait3A_110 = arith.constant 0 : i32
      %dma_wait3A_111 = tpu.memref_slice %arg2[%dma_wait3A_109, %dma_wait3A_110] : memref<10000x128xf32, #tpu.memory_space<hbm>> -> memref<10000x128xf32, #tpu.memory_space<hbm>>
      tpu.wait_indirect_dma semaphore(%arg13 : memref<!tpu.dma_semaphore, #tpu.memory_space<semaphore_mem>>) src(%dma_wait3A_111 : memref<10000x128xf32, #tpu.memory_space<hbm>>) dst(%arg10 : memref<120x128xf32, #tpu.memory_space<vmem>>)
      %mul3A_112 = arith.constant 120 : i32
      %mul3A_113 = arith.muli %add3A_104, %mul3A_112 : i32
      %multiple_of3A_114 = tpu.assume_multiple %mul3A_113, 8 : i32
      "tpu.region"() ({
        %run_scoped3A = tpu.sem_alloc : memref<!tpu.dma_semaphore, #tpu.memory_space<semaphore_mem>>
        %dma_start3A_122 = tpu.memref_slice %arg8[%multiple_of3A_114] : memref<10000xi32, #tpu.memory_space<vmem>> -> memref<120xi32, #tpu.memory_space<vmem>>
        %dma_start3A_123 = arith.constant 0 : i32
        %dma_start3A_124 = arith.constant 0 : i32
        %dma_start3A_125 = tpu.memref_slice %arg11[%dma_start3A_123, %dma_start3A_124] : memref<10000x128xf32, #tpu.memory_space<vmem_shared>> -> memref<10000x128xf32, #tpu.memory_space<vmem_shared>>
        tpu.enqueue_indirect_dma source(%arg10 : memref<120x128xf32, #tpu.memory_space<vmem>>) target(%dma_start3A_125 : memref<10000x128xf32, #tpu.memory_space<vmem_shared>>) offsets(%dma_start3A_122 : memref<120xi32, #tpu.memory_space<vmem>>) semaphore(%run_scoped3A : memref<!tpu.dma_semaphore, #tpu.memory_space<semaphore_mem>>) {add = true}
        %dma_wait3A_126 = tpu.memref_slice %arg8[%multiple_of3A_114] : memref<10000xi32, #tpu.memory_space<vmem>> -> memref<120xi32, #tpu.memory_space<vmem>>
        %dma_wait3A_127 = arith.constant 0 : i32
        %dma_wait3A_128 = arith.constant 0 : i32
        %dma_wait3A_129 = tpu.memref_slice %arg11[%dma_wait3A_127, %dma_wait3A_128] : memref<10000x128xf32, #tpu.memory_space<vmem_shared>> -> memref<10000x128xf32, #tpu.memory_space<vmem_shared>>
        tpu.wait_indirect_dma semaphore(%run_scoped3A : memref<!tpu.dma_semaphore, #tpu.memory_space<semaphore_mem>>) src(%arg10 : memref<120x128xf32, #tpu.memory_space<vmem>>) dst(%dma_wait3A_129 : memref<10000x128xf32, #tpu.memory_space<vmem_shared>>)
        tpu.yield
      }) : () -> ()
      %add3A_115 = arith.constant 2 : i32
      %add3A_116 = arith.addi %add3A_104, %add3A_115 : i32
      %lt3A_117 = arith.constant 83 : i32
      %lt3A_118 = arith.cmpi slt, %add3A_116, %lt3A_117 : i32
      %convert_element_type3A_119 = arith.extui %lt3A_118 : i1 to i32
      %cond3A_120 = arith.constant 0 : i32
      %cond3A_121 = arith.cmpi ne, %convert_element_type3A_119, %cond3A_120 : i32
      scf.if %cond3A_121 {
        %mul3A_122 = arith.constant 120 : i32
        %mul3A_123 = arith.muli %add3A_116, %mul3A_122 : i32
        %multiple_of3A_124 = tpu.assume_multiple %mul3A_123, 8 : i32
        %dma_start3A_125 = tpu.memref_slice %arg7[%multiple_of3A_124] : memref<10000xi32, #tpu.memory_space<vmem>> -> memref<120xi32, #tpu.memory_space<vmem>>
        %dma_start3A_126 = arith.constant 0 : i32
        %dma_start3A_127 = arith.constant 0 : i32
        %dma_start3A_128 = tpu.memref_slice %arg2[%dma_start3A_126, %dma_start3A_127] : memref<10000x128xf32, #tpu.memory_space<hbm>> -> memref<10000x128xf32, #tpu.memory_space<hbm>>
        tpu.enqueue_indirect_dma source(%dma_start3A_128 : memref<10000x128xf32, #tpu.memory_space<hbm>>) target(%arg10 : memref<120x128xf32, #tpu.memory_space<vmem>>) offsets(%dma_start3A_125 : memref<120xi32, #tpu.memory_space<vmem>>) semaphore(%arg13 : memref<!tpu.dma_semaphore, #tpu.memory_space<semaphore_mem>>)
      } else {
      }
    }
    %scan3A_45 = arith.constant 41 : i32
    %multiple_of3A_46 = arith.constant 9840 : i32
    %multiple_of3A_47 = tpu.assume_multiple %multiple_of3A_46, 8 : i32
    %dma_wait3A_48 = tpu.memref_slice %arg7[%multiple_of3A_47] : memref<10000xi32, #tpu.memory_space<vmem>> -> memref<120xi32, #tpu.memory_space<vmem>>
    %dma_wait3A_49 = arith.constant 0 : i32
    %dma_wait3A_50 = arith.constant 0 : i32
    %dma_wait3A_51 = tpu.memref_slice %arg2[%dma_wait3A_49, %dma_wait3A_50] : memref<10000x128xf32, #tpu.memory_space<hbm>> -> memref<10000x128xf32, #tpu.memory_space<hbm>>
    tpu.wait_indirect_dma semaphore(%arg12 : memref<!tpu.dma_semaphore, #tpu.memory_space<semaphore_mem>>) src(%dma_wait3A_51 : memref<10000x128xf32, #tpu.memory_space<hbm>>) dst(%arg9 : memref<120x128xf32, #tpu.memory_space<vmem>>)
    %multiple_of3A_52 = arith.constant 9840 : i32
    %multiple_of3A_53 = tpu.assume_multiple %multiple_of3A_52, 8 : i32
    "tpu.region"() ({
      %run_scoped3A = tpu.sem_alloc : memref<!tpu.dma_semaphore, #tpu.memory_space<semaphore_mem>>
      %dma_start3A_80 = tpu.memref_slice %arg8[%multiple_of3A_53] : memref<10000xi32, #tpu.memory_space<vmem>> -> memref<120xi32, #tpu.memory_space<vmem>>
      %dma_start3A_81 = arith.constant 0 : i32
      %dma_start3A_82 = arith.constant 0 : i32
      %dma_start3A_83 = tpu.memref_slice %arg11[%dma_start3A_81, %dma_start3A_82] : memref<10000x128xf32, #tpu.memory_space<vmem_shared>> -> memref<10000x128xf32, #tpu.memory_space<vmem_shared>>
      tpu.enqueue_indirect_dma source(%arg9 : memref<120x128xf32, #tpu.memory_space<vmem>>) target(%dma_start3A_83 : memref<10000x128xf32, #tpu.memory_space<vmem_shared>>) offsets(%dma_start3A_80 : memref<120xi32, #tpu.memory_space<vmem>>) semaphore(%run_scoped3A : memref<!tpu.dma_semaphore, #tpu.memory_space<semaphore_mem>>) {add = true}
      %dma_wait3A_84 = tpu.memref_slice %arg8[%multiple_of3A_53] : memref<10000xi32, #tpu.memory_space<vmem>> -> memref<120xi32, #tpu.memory_space<vmem>>
      %dma_wait3A_85 = arith.constant 0 : i32
      %dma_wait3A_86 = arith.constant 0 : i32
      %dma_wait3A_87 = tpu.memref_slice %arg11[%dma_wait3A_85, %dma_wait3A_86] : memref<10000x128xf32, #tpu.memory_space<vmem_shared>> -> memref<10000x128xf32, #tpu.memory_space<vmem_shared>>
      tpu.wait_indirect_dma semaphore(%run_scoped3A : memref<!tpu.dma_semaphore, #tpu.memory_space<semaphore_mem>>) src(%arg9 : memref<120x128xf32, #tpu.memory_space<vmem>>) dst(%dma_wait3A_87 : memref<10000x128xf32, #tpu.memory_space<vmem_shared>>)
      tpu.yield
    }) : () -> ()
    %dma_start3A_54 = arith.constant 0 : i32
    %dma_start3A_55 = arith.constant 0 : i32
    %dma_start3A_56 = tpu.memref_slice %arg10[%dma_start3A_54, %dma_start3A_55] : memref<120x128xf32, #tpu.memory_space<vmem>> -> memref<40x128xf32, #tpu.memory_space<vmem>>
    %dma_start3A_57 = arith.constant 9960 : i32
    %dma_start3A_58 = tpu.memref_slice %arg7[%dma_start3A_57] : memref<10000xi32, #tpu.memory_space<vmem>> -> memref<40xi32, #tpu.memory_space<vmem>>
    %dma_start3A_59 = arith.constant 0 : i32
    %dma_start3A_60 = arith.constant 0 : i32
    %dma_start3A_61 = tpu.memref_slice %arg2[%dma_start3A_59, %dma_start3A_60] : memref<10000x128xf32, #tpu.memory_space<hbm>> -> memref<10000x128xf32, #tpu.memory_space<hbm>>
    tpu.enqueue_indirect_dma source(%dma_start3A_61 : memref<10000x128xf32, #tpu.memory_space<hbm>>) target(%dma_start3A_56 : memref<40x128xf32, #tpu.memory_space<vmem>>) offsets(%dma_start3A_58 : memref<40xi32, #tpu.memory_space<vmem>>) semaphore(%arg13 : memref<!tpu.dma_semaphore, #tpu.memory_space<semaphore_mem>>)
    %dma_wait3A_62 = arith.constant 0 : i32
    %dma_wait3A_63 = arith.constant 0 : i32
    %dma_wait3A_64 = tpu.memref_slice %arg10[%dma_wait3A_62, %dma_wait3A_63] : memref<120x128xf32, #tpu.memory_space<vmem>> -> memref<40x128xf32, #tpu.memory_space<vmem>>
    %dma_wait3A_65 = arith.constant 9960 : i32
    %dma_wait3A_66 = tpu.memref_slice %arg7[%dma_wait3A_65] : memref<10000xi32, #tpu.memory_space<vmem>> -> memref<40xi32, #tpu.memory_space<vmem>>
    %dma_wait3A_67 = arith.constant 0 : i32
    %dma_wait3A_68 = arith.constant 0 : i32
    %dma_wait3A_69 = tpu.memref_slice %arg2[%dma_wait3A_67, %dma_wait3A_68] : memref<10000x128xf32, #tpu.memory_space<hbm>> -> memref<10000x128xf32, #tpu.memory_space<hbm>>
    tpu.wait_indirect_dma semaphore(%arg13 : memref<!tpu.dma_semaphore, #tpu.memory_space<semaphore_mem>>) src(%dma_wait3A_69 : memref<10000x128xf32, #tpu.memory_space<hbm>>) dst(%dma_wait3A_64 : memref<40x128xf32, #tpu.memory_space<vmem>>)
    "tpu.region"() ({
      %run_scoped3A = tpu.sem_alloc : memref<!tpu.dma_semaphore, #tpu.memory_space<semaphore_mem>>
      %dma_start3A_80 = arith.constant 0 : i32
      %dma_start3A_81 = arith.constant 0 : i32
      %dma_start3A_82 = tpu.memref_slice %arg10[%dma_start3A_80, %dma_start3A_81] : memref<120x128xf32, #tpu.memory_space<vmem>> -> memref<40x128xf32, #tpu.memory_space<vmem>>
      %dma_start3A_83 = arith.constant 9960 : i32
      %dma_start3A_84 = tpu.memref_slice %arg8[%dma_start3A_83] : memref<10000xi32, #tpu.memory_space<vmem>> -> memref<40xi32, #tpu.memory_space<vmem>>
      %dma_start3A_85 = arith.constant 0 : i32
      %dma_start3A_86 = arith.constant 0 : i32
      %dma_start3A_87 = tpu.memref_slice %arg11[%dma_start3A_85, %dma_start3A_86] : memref<10000x128xf32, #tpu.memory_space<vmem_shared>> -> memref<10000x128xf32, #tpu.memory_space<vmem_shared>>
      tpu.enqueue_indirect_dma source(%dma_start3A_82 : memref<40x128xf32, #tpu.memory_space<vmem>>) target(%dma_start3A_87 : memref<10000x128xf32, #tpu.memory_space<vmem_shared>>) offsets(%dma_start3A_84 : memref<40xi32, #tpu.memory_space<vmem>>) semaphore(%run_scoped3A : memref<!tpu.dma_semaphore, #tpu.memory_space<semaphore_mem>>) {add = true}
      %dma_wait3A_88 = arith.constant 0 : i32
      %dma_wait3A_89 = arith.constant 0 : i32
      %dma_wait3A_90 = tpu.memref_slice %arg10[%dma_wait3A_88, %dma_wait3A_89] : memref<120x128xf32, #tpu.memory_space<vmem>> -> memref<40x128xf32, #tpu.memory_space<vmem>>
      %dma_wait3A_91 = arith.constant 9960 : i32
      %dma_wait3A_92 = tpu.memref_slice %arg8[%dma_wait3A_91] : memref<10000xi32, #tpu.memory_space<vmem>> -> memref<40xi32, #tpu.memory_space<vmem>>
      %dma_wait3A_93 = arith.constant 0 : i32
      %dma_wait3A_94 = arith.constant 0 : i32
      %dma_wait3A_95 = tpu.memref_slice %arg11[%dma_wait3A_93, %dma_wait3A_94] : memref<10000x128xf32, #tpu.memory_space<vmem_shared>> -> memref<10000x128xf32, #tpu.memory_space<vmem_shared>>
      tpu.wait_indirect_dma semaphore(%run_scoped3A : memref<!tpu.dma_semaphore, #tpu.memory_space<semaphore_mem>>) src(%dma_wait3A_90 : memref<40x128xf32, #tpu.memory_space<vmem>>) dst(%dma_wait3A_95 : memref<10000x128xf32, #tpu.memory_space<vmem_shared>>)
      tpu.yield
    }) : () -> ()
    %barrier3A_70 = arith.constant 0 : index
    tpu.barrier barrier_id(%barrier3A_70)
    %mul3A_71 = arith.constant 624 : i32
    %mul3A_72 = arith.muli %arg1, %mul3A_71 : i32
    %mul3A_73 = arith.constant 624 : i32
    %mul3A_74 = arith.muli %arg1, %mul3A_73 : i32
    "tpu.region"() ({
      %run_scoped3A = tpu.sem_alloc : memref<!tpu.dma_semaphore, #tpu.memory_space<semaphore_mem>>
      %dma_start3A_80 = arith.constant 0 : i32
      %dma_start3A_81 = tpu.memref_slice %arg6[%arg0, %mul3A_74, %dma_start3A_80] : memref<2x10000x128xf32, #tpu.memory_space<hbm>> -> memref<1x624x128xf32, #tpu.memory_space<hbm>>
      %dma_start3A_82 = tpu.memref_squeeze %dma_start3A_81 : memref<1x624x128xf32, #tpu.memory_space<hbm>> -> memref<624x128xf32, #tpu.memory_space<hbm>>
      %dma_start3A_83 = arith.constant 0 : i32
      %dma_start3A_84 = tpu.memref_slice %arg11[%mul3A_72, %dma_start3A_83] : memref<10000x128xf32, #tpu.memory_space<vmem_shared>> -> memref<624x128xf32, #tpu.memory_space<vmem_shared>>
      tpu.enqueue_dma source(%dma_start3A_84 : memref<624x128xf32, #tpu.memory_space<vmem_shared>>) target(%dma_start3A_82 : memref<624x128xf32, #tpu.memory_space<hbm>>) target_semaphore(%run_scoped3A : memref<!tpu.dma_semaphore, #tpu.memory_space<semaphore_mem>>)
      %dma_wait3A_85 = arith.constant 0 : i32
      %dma_wait3A_86 = tpu.memref_slice %arg6[%arg0, %mul3A_74, %dma_wait3A_85] : memref<2x10000x128xf32, #tpu.memory_space<hbm>> -> memref<1x624x128xf32, #tpu.memory_space<hbm>>
      %dma_wait3A_87 = tpu.memref_squeeze %dma_wait3A_86 : memref<1x624x128xf32, #tpu.memory_space<hbm>> -> memref<624x128xf32, #tpu.memory_space<hbm>>
      %dma_wait3A_88 = arith.constant 0 : i32
      %dma_wait3A_89 = tpu.memref_slice %arg11[%mul3A_72, %dma_wait3A_88] : memref<10000x128xf32, #tpu.memory_space<vmem_shared>> -> memref<624x128xf32, #tpu.memory_space<vmem_shared>>
      tpu.wait_dma2 semaphore(%run_scoped3A : memref<!tpu.dma_semaphore, #tpu.memory_space<semaphore_mem>>) src(%dma_wait3A_89 : memref<624x128xf32, #tpu.memory_space<vmem_shared>>) dst(%dma_wait3A_87 : memref<624x128xf32, #tpu.memory_space<hbm>>)
      tpu.yield
    }) : () -> ()
    %eq3A_75 = arith.constant 15 : i32
    %eq3A_76 = arith.cmpi eq, %arg1, %eq3A_75 : i32
    %convert_element_type3A_77 = arith.extui %eq3A_76 : i1 to i32
    %cond3A_78 = arith.constant 0 : i32
    %cond3A_79 = arith.cmpi ne, %convert_element_type3A_77, %cond3A_78 : i32
    scf.if %cond3A_79 {
      "tpu.region"() ({
        %run_scoped3A = tpu.sem_alloc : memref<!tpu.dma_semaphore, #tpu.memory_space<semaphore_mem>>
        %dma_start3A_80 = arith.constant 9984 : i32
        %dma_start3A_81 = arith.constant 0 : i32
        %dma_start3A_82 = tpu.memref_slice %arg6[%arg0, %dma_start3A_80, %dma_start3A_81] : memref<2x10000x128xf32, #tpu.memory_space<hbm>> -> memref<1x16x128xf32, #tpu.memory_space<hbm>>
        %dma_start3A_83 = tpu.memref_squeeze %dma_start3A_82 : memref<1x16x128xf32, #tpu.memory_space<hbm>> -> memref<16x128xf32, #tpu.memory_space<hbm>>
        %dma_start3A_84 = arith.constant 9984 : i32
        %dma_start3A_85 = arith.constant 0 : i32
        %dma_start3A_86 = tpu.memref_slice %arg11[%dma_start3A_84, %dma_start3A_85] : memref<10000x128xf32, #tpu.memory_space<vmem_shared>> -> memref<16x128xf32, #tpu.memory_space<vmem_shared>>
        tpu.enqueue_dma source(%dma_start3A_86 : memref<16x128xf32, #tpu.memory_space<vmem_shared>>) target(%dma_start3A_83 : memref<16x128xf32, #tpu.memory_space<hbm>>) target_semaphore(%run_scoped3A : memref<!tpu.dma_semaphore, #tpu.memory_space<semaphore_mem>>)
        %dma_wait3A_87 = arith.constant 9984 : i32
        %dma_wait3A_88 = arith.constant 0 : i32
        %dma_wait3A_89 = tpu.memref_slice %arg6[%arg0, %dma_wait3A_87, %dma_wait3A_88] : memref<2x10000x128xf32, #tpu.memory_space<hbm>> -> memref<1x16x128xf32, #tpu.memory_space<hbm>>
        %dma_wait3A_90 = tpu.memref_squeeze %dma_wait3A_89 : memref<1x16x128xf32, #tpu.memory_space<hbm>> -> memref<16x128xf32, #tpu.memory_space<hbm>>
        %dma_wait3A_91 = arith.constant 9984 : i32
        %dma_wait3A_92 = arith.constant 0 : i32
        %dma_wait3A_93 = tpu.memref_slice %arg11[%dma_wait3A_91, %dma_wait3A_92] : memref<10000x128xf32, #tpu.memory_space<vmem_shared>> -> memref<16x128xf32, #tpu.memory_space<vmem_shared>>
        tpu.wait_dma2 semaphore(%run_scoped3A : memref<!tpu.dma_semaphore, #tpu.memory_space<semaphore_mem>>) src(%dma_wait3A_93 : memref<16x128xf32, #tpu.memory_space<vmem_shared>>) dst(%dma_wait3A_90 : memref<16x128xf32, #tpu.memory_space<hbm>>)
        tpu.yield
      }) : () -> ()
    } else {
    }
    return
  }
}

#map = affine_map<(d0, d1) -> (0, 0)>
#map1 = affine_map<(d0, d1) -> (0)>
#map2 = affine_map<(d0, d1) -> (0, 0, 0)>
module attributes {stable_mosaic.version = 14 : i64} {
  func.func @agg_kernel(%arg0: i32, %arg1: i32, %arg2: memref<10000x128xf32, #tpu.memory_space<hbm>>, %arg3: memref<320000xi32, #tpu.memory_space<hbm>>, %arg4: memref<320000xi32, #tpu.memory_space<hbm>>, %arg5: memref<10000x128xf32, #tpu.memory_space<hbm>>, %arg6: memref<2x10000x128xf32, #tpu.memory_space<hbm>>, %arg7: memref<10000xi32, #tpu.memory_space<vmem>>, %arg8: memref<10000xi32, #tpu.memory_space<vmem>>, %arg9: memref<120x128xf32, #tpu.memory_space<vmem>>, %arg10: memref<120x128xf32, #tpu.memory_space<vmem>>, %arg11: memref<10000x128xf32, #tpu.memory_space<vmem_shared>>, %arg12: memref<!tpu.dma_semaphore, #tpu.memory_space<semaphore_mem>>, %arg13: memref<!tpu.dma_semaphore, #tpu.memory_space<semaphore_mem>>, %arg14: memref<!tpu.dma_semaphore, #tpu.memory_space<semaphore_mem>>) attributes {dimension_semantics = [#tpu.dimension_semantics<core_parallel>, #tpu.dimension_semantics<subcore_parallel>], iteration_bounds = array<i64: 2, 16>, scalar_prefetch = 0 : i64, scratch_operands = 8 : i64, tpu.core_type = #tpu.core_type<sc_vector_subcore>, window_params = [{transform_indices = #map}, {transform_indices = #map1}, {transform_indices = #map1}, {transform_indices = #map}, {transform_indices = #map2}]} {
    %mul3A = arith.constant 16 : i32
    %mul3A_0 = arith.muli %arg0, %mul3A : i32
    %add3A = arith.addi %mul3A_0, %arg1 : i32
    %eq3A = arith.constant 0 : i32
    %eq3A_1 = arith.cmpi eq, %arg0, %eq3A : i32
    %convert_element_type3A = arith.extui %eq3A_1 : i1 to i32
    %cond3A = arith.constant 0 : i32
    %cond3A_2 = arith.cmpi ne, %convert_element_type3A, %cond3A : i32
    scf.if %cond3A_2 {
      %mul3A_80 = arith.constant 624 : i32
      %mul3A_81 = arith.muli %arg1, %mul3A_80 : i32
      %mul3A_82 = arith.constant 624 : i32
      %mul3A_83 = arith.muli %arg1, %mul3A_82 : i32
      %dma_start3A_84 = arith.constant 0 : i32
      %dma_start3A_85 = tpu.memref_slice %arg11[%mul3A_83, %dma_start3A_84] : memref<10000x128xf32, #tpu.memory_space<vmem_shared>> -> memref<624x128xf32, #tpu.memory_space<vmem_shared>>
      %dma_start3A_86 = arith.constant 0 : i32
      %dma_start3A_87 = tpu.memref_slice %arg2[%mul3A_81, %dma_start3A_86] : memref<10000x128xf32, #tpu.memory_space<hbm>> -> memref<624x128xf32, #tpu.memory_space<hbm>>
      tpu.enqueue_dma source(%dma_start3A_87 : memref<624x128xf32, #tpu.memory_space<hbm>>) target(%dma_start3A_85 : memref<624x128xf32, #tpu.memory_space<vmem_shared>>) target_semaphore(%arg14 : memref<!tpu.dma_semaphore, #tpu.memory_space<semaphore_mem>>)
    } else {
    }
    %ne3A = arith.constant 0 : i32
    %ne3A_3 = arith.cmpi ne, %arg0, %ne3A : i32
    %convert_element_type3A_4 = arith.extui %ne3A_3 : i1 to i32
    %cond3A_5 = arith.constant 0 : i32
    %cond3A_6 = arith.cmpi ne, %convert_element_type3A_4, %cond3A_5 : i32
    scf.if %cond3A_6 {
      %mul3A_80 = arith.constant 624 : i32
      %mul3A_81 = arith.muli %arg1, %mul3A_80 : i32
      %mul3A_82 = arith.constant 624 : i32
      %mul3A_83 = arith.muli %arg1, %mul3A_82 : i32
      %dma_start3A_84 = arith.constant 0 : i32
      %dma_start3A_85 = tpu.memref_slice %arg11[%mul3A_83, %dma_start3A_84] : memref<10000x128xf32, #tpu.memory_space<vmem_shared>> -> memref<624x128xf32, #tpu.memory_space<vmem_shared>>
      %dma_start3A_86 = arith.constant 0 : i32
      %dma_start3A_87 = tpu.memref_slice %arg5[%mul3A_81, %dma_start3A_86] : memref<10000x128xf32, #tpu.memory_space<hbm>> -> memref<624x128xf32, #tpu.memory_space<hbm>>
      tpu.enqueue_dma source(%dma_start3A_87 : memref<624x128xf32, #tpu.memory_space<hbm>>) target(%dma_start3A_85 : memref<624x128xf32, #tpu.memory_space<vmem_shared>>) target_semaphore(%arg14 : memref<!tpu.dma_semaphore, #tpu.memory_space<semaphore_mem>>)
    } else {
    }
    %mul3A_7 = arith.constant 10000 : i32
    %mul3A_8 = arith.muli %add3A, %mul3A_7 : i32
    %dma_start3A = tpu.memref_slice %arg3[%mul3A_8] : memref<320000xi32, #tpu.memory_space<hbm>> -> memref<10000xi32, #tpu.memory_space<hbm>>
    %dma_start3A_9 = tpu.memref_slice %arg3[%mul3A_8] : memref<320000xi32, #tpu.memory_space<hbm>> -> memref<10000xi32, #tpu.memory_space<hbm>>
    tpu.enqueue_dma source(%dma_start3A_9 : memref<10000xi32, #tpu.memory_space<hbm>>) target(%arg7 : memref<10000xi32, #tpu.memory_space<vmem>>) target_semaphore(%arg12 : memref<!tpu.dma_semaphore, #tpu.memory_space<semaphore_mem>>)
    %mul3A_10 = arith.constant 10000 : i32
    %mul3A_11 = arith.muli %add3A, %mul3A_10 : i32
    %dma_start3A_12 = tpu.memref_slice %arg4[%mul3A_11] : memref<320000xi32, #tpu.memory_space<hbm>> -> memref<10000xi32, #tpu.memory_space<hbm>>
    %dma_start3A_13 = tpu.memref_slice %arg4[%mul3A_11] : memref<320000xi32, #tpu.memory_space<hbm>> -> memref<10000xi32, #tpu.memory_space<hbm>>
    tpu.enqueue_dma source(%dma_start3A_13 : memref<10000xi32, #tpu.memory_space<hbm>>) target(%arg8 : memref<10000xi32, #tpu.memory_space<vmem>>) target_semaphore(%arg13 : memref<!tpu.dma_semaphore, #tpu.memory_space<semaphore_mem>>)
    %dma_wait3A = tpu.memref_slice %arg3[%mul3A_8] : memref<320000xi32, #tpu.memory_space<hbm>> -> memref<10000xi32, #tpu.memory_space<hbm>>
    %dma_wait3A_14 = tpu.memref_slice %arg3[%mul3A_8] : memref<320000xi32, #tpu.memory_space<hbm>> -> memref<10000xi32, #tpu.memory_space<hbm>>
    tpu.wait_dma2 semaphore(%arg12 : memref<!tpu.dma_semaphore, #tpu.memory_space<semaphore_mem>>) src(%dma_wait3A_14 : memref<10000xi32, #tpu.memory_space<hbm>>) dst(%arg7 : memref<10000xi32, #tpu.memory_space<vmem>>)
    %dma_wait3A_15 = tpu.memref_slice %arg4[%mul3A_11] : memref<320000xi32, #tpu.memory_space<hbm>> -> memref<10000xi32, #tpu.memory_space<hbm>>
    %dma_wait3A_16 = tpu.memref_slice %arg4[%mul3A_11] : memref<320000xi32, #tpu.memory_space<hbm>> -> memref<10000xi32, #tpu.memory_space<hbm>>
    tpu.wait_dma2 semaphore(%arg13 : memref<!tpu.dma_semaphore, #tpu.memory_space<semaphore_mem>>) src(%dma_wait3A_16 : memref<10000xi32, #tpu.memory_space<hbm>>) dst(%arg8 : memref<10000xi32, #tpu.memory_space<vmem>>)
    %mul3A_17 = arith.constant 624 : i32
    %mul3A_18 = arith.muli %arg1, %mul3A_17 : i32
    %mul3A_19 = arith.constant 624 : i32
    %mul3A_20 = arith.muli %arg1, %mul3A_19 : i32
    %dma_wait3A_21 = arith.constant 0 : i32
    %dma_wait3A_22 = tpu.memref_slice %arg11[%mul3A_20, %dma_wait3A_21] : memref<10000x128xf32, #tpu.memory_space<vmem_shared>> -> memref<624x128xf32, #tpu.memory_space<vmem_shared>>
    %dma_wait3A_23 = arith.constant 0 : i32
    %dma_wait3A_24 = tpu.memref_slice %arg5[%mul3A_18, %dma_wait3A_23] : memref<10000x128xf32, #tpu.memory_space<hbm>> -> memref<624x128xf32, #tpu.memory_space<hbm>>
    tpu.wait_dma2 semaphore(%arg14 : memref<!tpu.dma_semaphore, #tpu.memory_space<semaphore_mem>>) src(%dma_wait3A_24 : memref<624x128xf32, #tpu.memory_space<hbm>>) dst(%dma_wait3A_22 : memref<624x128xf32, #tpu.memory_space<vmem_shared>>)
    %eq3A_25 = arith.constant 15 : i32
    %eq3A_26 = arith.cmpi eq, %arg1, %eq3A_25 : i32
    %convert_element_type3A_27 = arith.extui %eq3A_26 : i1 to i32
    %cond3A_28 = arith.constant 0 : i32
    %cond3A_29 = arith.cmpi ne, %convert_element_type3A_27, %cond3A_28 : i32
    scf.if %cond3A_29 {
      %eq3A_80 = arith.constant 0 : i32
      %eq3A_81 = arith.cmpi eq, %arg0, %eq3A_80 : i32
      %convert_element_type3A_82 = arith.extui %eq3A_81 : i1 to i32
      %cond3A_83 = arith.constant 0 : i32
      %cond3A_84 = arith.cmpi ne, %convert_element_type3A_82, %cond3A_83 : i32
      scf.if %cond3A_84 {
        "tpu.region"() ({
          %run_scoped3A = tpu.sem_alloc : memref<!tpu.dma_semaphore, #tpu.memory_space<semaphore_mem>>
          %dma_start3A_90 = arith.constant 9984 : i32
          %dma_start3A_91 = arith.constant 0 : i32
          %dma_start3A_92 = tpu.memref_slice %arg11[%dma_start3A_90, %dma_start3A_91] : memref<10000x128xf32, #tpu.memory_space<vmem_shared>> -> memref<16x128xf32, #tpu.memory_space<vmem_shared>>
          %dma_start3A_93 = arith.constant 9984 : i32
          %dma_start3A_94 = arith.constant 0 : i32
          %dma_start3A_95 = tpu.memref_slice %arg2[%dma_start3A_93, %dma_start3A_94] : memref<10000x128xf32, #tpu.memory_space<hbm>> -> memref<16x128xf32, #tpu.memory_space<hbm>>
          tpu.enqueue_dma source(%dma_start3A_95 : memref<16x128xf32, #tpu.memory_space<hbm>>) target(%dma_start3A_92 : memref<16x128xf32, #tpu.memory_space<vmem_shared>>) target_semaphore(%run_scoped3A : memref<!tpu.dma_semaphore, #tpu.memory_space<semaphore_mem>>)
          %dma_wait3A_96 = arith.constant 9984 : i32
          %dma_wait3A_97 = arith.constant 0 : i32
          %dma_wait3A_98 = tpu.memref_slice %arg11[%dma_wait3A_96, %dma_wait3A_97] : memref<10000x128xf32, #tpu.memory_space<vmem_shared>> -> memref<16x128xf32, #tpu.memory_space<vmem_shared>>
          %dma_wait3A_99 = arith.constant 9984 : i32
          %dma_wait3A_100 = arith.constant 0 : i32
          %dma_wait3A_101 = tpu.memref_slice %arg2[%dma_wait3A_99, %dma_wait3A_100] : memref<10000x128xf32, #tpu.memory_space<hbm>> -> memref<16x128xf32, #tpu.memory_space<hbm>>
          tpu.wait_dma2 semaphore(%run_scoped3A : memref<!tpu.dma_semaphore, #tpu.memory_space<semaphore_mem>>) src(%dma_wait3A_101 : memref<16x128xf32, #tpu.memory_space<hbm>>) dst(%dma_wait3A_98 : memref<16x128xf32, #tpu.memory_space<vmem_shared>>)
          tpu.yield
        }) : () -> ()
      } else {
      }
      %ne3A_85 = arith.constant 0 : i32
      %ne3A_86 = arith.cmpi ne, %arg0, %ne3A_85 : i32
      %convert_element_type3A_87 = arith.extui %ne3A_86 : i1 to i32
      %cond3A_88 = arith.constant 0 : i32
      %cond3A_89 = arith.cmpi ne, %convert_element_type3A_87, %cond3A_88 : i32
      scf.if %cond3A_89 {
        "tpu.region"() ({
          %run_scoped3A = tpu.sem_alloc : memref<!tpu.dma_semaphore, #tpu.memory_space<semaphore_mem>>
          %dma_start3A_90 = arith.constant 9984 : i32
          %dma_start3A_91 = arith.constant 0 : i32
          %dma_start3A_92 = tpu.memref_slice %arg11[%dma_start3A_90, %dma_start3A_91] : memref<10000x128xf32, #tpu.memory_space<vmem_shared>> -> memref<16x128xf32, #tpu.memory_space<vmem_shared>>
          %dma_start3A_93 = arith.constant 9984 : i32
          %dma_start3A_94 = arith.constant 0 : i32
          %dma_start3A_95 = tpu.memref_slice %arg5[%dma_start3A_93, %dma_start3A_94] : memref<10000x128xf32, #tpu.memory_space<hbm>> -> memref<16x128xf32, #tpu.memory_space<hbm>>
          tpu.enqueue_dma source(%dma_start3A_95 : memref<16x128xf32, #tpu.memory_space<hbm>>) target(%dma_start3A_92 : memref<16x128xf32, #tpu.memory_space<vmem_shared>>) target_semaphore(%run_scoped3A : memref<!tpu.dma_semaphore, #tpu.memory_space<semaphore_mem>>)
          %dma_wait3A_96 = arith.constant 9984 : i32
          %dma_wait3A_97 = arith.constant 0 : i32
          %dma_wait3A_98 = tpu.memref_slice %arg11[%dma_wait3A_96, %dma_wait3A_97] : memref<10000x128xf32, #tpu.memory_space<vmem_shared>> -> memref<16x128xf32, #tpu.memory_space<vmem_shared>>
          %dma_wait3A_99 = arith.constant 9984 : i32
          %dma_wait3A_100 = arith.constant 0 : i32
          %dma_wait3A_101 = tpu.memref_slice %arg5[%dma_wait3A_99, %dma_wait3A_100] : memref<10000x128xf32, #tpu.memory_space<hbm>> -> memref<16x128xf32, #tpu.memory_space<hbm>>
          tpu.wait_dma2 semaphore(%run_scoped3A : memref<!tpu.dma_semaphore, #tpu.memory_space<semaphore_mem>>) src(%dma_wait3A_101 : memref<16x128xf32, #tpu.memory_space<hbm>>) dst(%dma_wait3A_98 : memref<16x128xf32, #tpu.memory_space<vmem_shared>>)
          tpu.yield
        }) : () -> ()
      } else {
      }
    } else {
    }
    %barrier3A = arith.constant 0 : index
    tpu.barrier barrier_id(%barrier3A)
    %multiple_of3A = arith.constant 0 : i32
    %multiple_of3A_30 = tpu.assume_multiple %multiple_of3A, 8 : i32
    %dma_start3A_31 = tpu.memref_slice %arg7[%multiple_of3A_30] : memref<10000xi32, #tpu.memory_space<vmem>> -> memref<120xi32, #tpu.memory_space<vmem>>
    %dma_start3A_32 = arith.constant 0 : i32
    %dma_start3A_33 = arith.constant 0 : i32
    %dma_start3A_34 = tpu.memref_slice %arg2[%dma_start3A_32, %dma_start3A_33] : memref<10000x128xf32, #tpu.memory_space<hbm>> -> memref<10000x128xf32, #tpu.memory_space<hbm>>
    tpu.enqueue_indirect_dma source(%dma_start3A_34 : memref<10000x128xf32, #tpu.memory_space<hbm>>) target(%arg9 : memref<120x128xf32, #tpu.memory_space<vmem>>) offsets(%dma_start3A_31 : memref<120xi32, #tpu.memory_space<vmem>>) semaphore(%arg12 : memref<!tpu.dma_semaphore, #tpu.memory_space<semaphore_mem>>)
    %multiple_of3A_35 = arith.constant 120 : i32
    %multiple_of3A_36 = tpu.assume_multiple %multiple_of3A_35, 8 : i32
    %dma_start3A_37 = tpu.memref_slice %arg7[%multiple_of3A_36] : memref<10000xi32, #tpu.memory_space<vmem>> -> memref<120xi32, #tpu.memory_space<vmem>>
    %dma_start3A_38 = arith.constant 0 : i32
    %dma_start3A_39 = arith.constant 0 : i32
    %dma_start3A_40 = tpu.memref_slice %arg2[%dma_start3A_38, %dma_start3A_39] : memref<10000x128xf32, #tpu.memory_space<hbm>> -> memref<10000x128xf32, #tpu.memory_space<hbm>>
    tpu.enqueue_indirect_dma source(%dma_start3A_40 : memref<10000x128xf32, #tpu.memory_space<hbm>>) target(%arg10 : memref<120x128xf32, #tpu.memory_space<vmem>>) offsets(%dma_start3A_37 : memref<120xi32, #tpu.memory_space<vmem>>) semaphore(%arg13 : memref<!tpu.dma_semaphore, #tpu.memory_space<semaphore_mem>>)
    %scan3A = arith.constant 0 : i32
    %scan3A_41 = arith.constant 0 : i32
    %scan3A_42 = arith.constant 41 : i32
    %scan3A_43 = arith.addi %scan3A_41, %scan3A_42 : i32
    %scan3A_44 = arith.constant 1 : i32
    scf.for %scan3A_80 = %scan3A_41 to %scan3A_43 step %scan3A_44  : i32 {
      %mul3A_81 = arith.constant 2 : i32
      %mul3A_82 = arith.muli %mul3A_81, %scan3A_80 : i32
      %add3A_83 = arith.constant 0 : i32
      %add3A_84 = arith.addi %mul3A_82, %add3A_83 : i32
      %mul3A_85 = arith.constant 120 : i32
      %mul3A_86 = arith.muli %add3A_84, %mul3A_85 : i32
      %multiple_of3A_87 = tpu.assume_multiple %mul3A_86, 8 : i32
      %dma_wait3A_88 = tpu.memref_slice %arg7[%multiple_of3A_87] : memref<10000xi32, #tpu.memory_space<vmem>> -> memref<120xi32, #tpu.memory_space<vmem>>
      %dma_wait3A_89 = arith.constant 0 : i32
      %dma_wait3A_90 = arith.constant 0 : i32
      %dma_wait3A_91 = tpu.memref_slice %arg2[%dma_wait3A_89, %dma_wait3A_90] : memref<10000x128xf32, #tpu.memory_space<hbm>> -> memref<10000x128xf32, #tpu.memory_space<hbm>>
      tpu.wait_indirect_dma semaphore(%arg12 : memref<!tpu.dma_semaphore, #tpu.memory_space<semaphore_mem>>) src(%dma_wait3A_91 : memref<10000x128xf32, #tpu.memory_space<hbm>>) dst(%arg9 : memref<120x128xf32, #tpu.memory_space<vmem>>)
      %mul3A_92 = arith.constant 120 : i32
      %mul3A_93 = arith.muli %add3A_84, %mul3A_92 : i32
      %multiple_of3A_94 = tpu.assume_multiple %mul3A_93, 8 : i32
      "tpu.region"() ({
        %run_scoped3A = tpu.sem_alloc : memref<!tpu.dma_semaphore, #tpu.memory_space<semaphore_mem>>
        %dma_start3A_122 = tpu.memref_slice %arg8[%multiple_of3A_94] : memref<10000xi32, #tpu.memory_space<vmem>> -> memref<120xi32, #tpu.memory_space<vmem>>
        %dma_start3A_123 = arith.constant 0 : i32
        %dma_start3A_124 = arith.constant 0 : i32
        %dma_start3A_125 = tpu.memref_slice %arg11[%dma_start3A_123, %dma_start3A_124] : memref<10000x128xf32, #tpu.memory_space<vmem_shared>> -> memref<10000x128xf32, #tpu.memory_space<vmem_shared>>
        tpu.enqueue_indirect_dma source(%arg9 : memref<120x128xf32, #tpu.memory_space<vmem>>) target(%dma_start3A_125 : memref<10000x128xf32, #tpu.memory_space<vmem_shared>>) offsets(%dma_start3A_122 : memref<120xi32, #tpu.memory_space<vmem>>) semaphore(%run_scoped3A : memref<!tpu.dma_semaphore, #tpu.memory_space<semaphore_mem>>) {add = true}
        %dma_wait3A_126 = tpu.memref_slice %arg8[%multiple_of3A_94] : memref<10000xi32, #tpu.memory_space<vmem>> -> memref<120xi32, #tpu.memory_space<vmem>>
        %dma_wait3A_127 = arith.constant 0 : i32
        %dma_wait3A_128 = arith.constant 0 : i32
        %dma_wait3A_129 = tpu.memref_slice %arg11[%dma_wait3A_127, %dma_wait3A_128] : memref<10000x128xf32, #tpu.memory_space<vmem_shared>> -> memref<10000x128xf32, #tpu.memory_space<vmem_shared>>
        tpu.wait_indirect_dma semaphore(%run_scoped3A : memref<!tpu.dma_semaphore, #tpu.memory_space<semaphore_mem>>) src(%arg9 : memref<120x128xf32, #tpu.memory_space<vmem>>) dst(%dma_wait3A_129 : memref<10000x128xf32, #tpu.memory_space<vmem_shared>>)
        tpu.yield
      }) : () -> ()
      %add3A_95 = arith.constant 2 : i32
      %add3A_96 = arith.addi %add3A_84, %add3A_95 : i32
      %lt3A = arith.constant 83 : i32
      %lt3A_97 = arith.cmpi slt, %add3A_96, %lt3A : i32
      %convert_element_type3A_98 = arith.extui %lt3A_97 : i1 to i32
      %cond3A_99 = arith.constant 0 : i32
      %cond3A_100 = arith.cmpi ne, %convert_element_type3A_98, %cond3A_99 : i32
      scf.if %cond3A_100 {
        %mul3A_122 = arith.constant 120 : i32
        %mul3A_123 = arith.muli %add3A_96, %mul3A_122 : i32
        %multiple_of3A_124 = tpu.assume_multiple %mul3A_123, 8 : i32
        %dma_start3A_125 = tpu.memref_slice %arg7[%multiple_of3A_124] : memref<10000xi32, #tpu.memory_space<vmem>> -> memref<120xi32, #tpu.memory_space<vmem>>
        %dma_start3A_126 = arith.constant 0 : i32
        %dma_start3A_127 = arith.constant 0 : i32
        %dma_start3A_128 = tpu.memref_slice %arg2[%dma_start3A_126, %dma_start3A_127] : memref<10000x128xf32, #tpu.memory_space<hbm>> -> memref<10000x128xf32, #tpu.memory_space<hbm>>
        tpu.enqueue_indirect_dma source(%dma_start3A_128 : memref<10000x128xf32, #tpu.memory_space<hbm>>) target(%arg9 : memref<120x128xf32, #tpu.memory_space<vmem>>) offsets(%dma_start3A_125 : memref<120xi32, #tpu.memory_space<vmem>>) semaphore(%arg12 : memref<!tpu.dma_semaphore, #tpu.memory_space<semaphore_mem>>)
      } else {
      }
      %mul3A_101 = arith.constant 2 : i32
      %mul3A_102 = arith.muli %mul3A_101, %scan3A_80 : i32
      %add3A_103 = arith.constant 1 : i32
      %add3A_104 = arith.addi %mul3A_102, %add3A_103 : i32
      %mul3A_105 = arith.constant 120 : i32
      %mul3A_106 = arith.muli %add3A_104, %mul3A_105 : i32
      %multiple_of3A_107 = tpu.assume_multiple %mul3A_106, 8 : i32
      %dma_wait3A_108 = tpu.memref_slice %arg7[%multiple_of3A_107] : memref<10000xi32, #tpu.memory_space<vmem>> -> memref<120xi32, #tpu.memory_space<vmem>>
      %dma_wait3A_109 = arith.constant 0 : i32
      %dma_wait3A_110 = arith.constant 0 : i32
      %dma_wait3A_111 = tpu.memref_slice %arg2[%dma_wait3A_109, %dma_wait3A_110] : memref<10000x128xf32, #tpu.memory_space<hbm>> -> memref<10000x128xf32, #tpu.memory_space<hbm>>
      tpu.wait_indirect_dma semaphore(%arg13 : memref<!tpu.dma_semaphore, #tpu.memory_space<semaphore_mem>>) src(%dma_wait3A_111 : memref<10000x128xf32, #tpu.memory_space<hbm>>) dst(%arg10 : memref<120x128xf32, #tpu.memory_space<vmem>>)
      %mul3A_112 = arith.constant 120 : i32
      %mul3A_113 = arith.muli %add3A_104, %mul3A_112 : i32
      %multiple_of3A_114 = tpu.assume_multiple %mul3A_113, 8 : i32
      "tpu.region"() ({
        %run_scoped3A = tpu.sem_alloc : memref<!tpu.dma_semaphore, #tpu.memory_space<semaphore_mem>>
        %dma_start3A_122 = tpu.memref_slice %arg8[%multiple_of3A_114] : memref<10000xi32, #tpu.memory_space<vmem>> -> memref<120xi32, #tpu.memory_space<vmem>>
        %dma_start3A_123 = arith.constant 0 : i32
        %dma_start3A_124 = arith.constant 0 : i32
        %dma_start3A_125 = tpu.memref_slice %arg11[%dma_start3A_123, %dma_start3A_124] : memref<10000x128xf32, #tpu.memory_space<vmem_shared>> -> memref<10000x128xf32, #tpu.memory_space<vmem_shared>>
        tpu.enqueue_indirect_dma source(%arg10 : memref<120x128xf32, #tpu.memory_space<vmem>>) target(%dma_start3A_125 : memref<10000x128xf32, #tpu.memory_space<vmem_shared>>) offsets(%dma_start3A_122 : memref<120xi32, #tpu.memory_space<vmem>>) semaphore(%run_scoped3A : memref<!tpu.dma_semaphore, #tpu.memory_space<semaphore_mem>>) {add = true}
        %dma_wait3A_126 = tpu.memref_slice %arg8[%multiple_of3A_114] : memref<10000xi32, #tpu.memory_space<vmem>> -> memref<120xi32, #tpu.memory_space<vmem>>
        %dma_wait3A_127 = arith.constant 0 : i32
        %dma_wait3A_128 = arith.constant 0 : i32
        %dma_wait3A_129 = tpu.memref_slice %arg11[%dma_wait3A_127, %dma_wait3A_128] : memref<10000x128xf32, #tpu.memory_space<vmem_shared>> -> memref<10000x128xf32, #tpu.memory_space<vmem_shared>>
        tpu.wait_indirect_dma semaphore(%run_scoped3A : memref<!tpu.dma_semaphore, #tpu.memory_space<semaphore_mem>>) src(%arg10 : memref<120x128xf32, #tpu.memory_space<vmem>>) dst(%dma_wait3A_129 : memref<10000x128xf32, #tpu.memory_space<vmem_shared>>)
        tpu.yield
      }) : () -> ()
      %add3A_115 = arith.constant 2 : i32
      %add3A_116 = arith.addi %add3A_104, %add3A_115 : i32
      %lt3A_117 = arith.constant 83 : i32
      %lt3A_118 = arith.cmpi slt, %add3A_116, %lt3A_117 : i32
      %convert_element_type3A_119 = arith.extui %lt3A_118 : i1 to i32
      %cond3A_120 = arith.constant 0 : i32
      %cond3A_121 = arith.cmpi ne, %convert_element_type3A_119, %cond3A_120 : i32
      scf.if %cond3A_121 {
        %mul3A_122 = arith.constant 120 : i32
        %mul3A_123 = arith.muli %add3A_116, %mul3A_122 : i32
        %multiple_of3A_124 = tpu.assume_multiple %mul3A_123, 8 : i32
        %dma_start3A_125 = tpu.memref_slice %arg7[%multiple_of3A_124] : memref<10000xi32, #tpu.memory_space<vmem>> -> memref<120xi32, #tpu.memory_space<vmem>>
        %dma_start3A_126 = arith.constant 0 : i32
        %dma_start3A_127 = arith.constant 0 : i32
        %dma_start3A_128 = tpu.memref_slice %arg2[%dma_start3A_126, %dma_start3A_127] : memref<10000x128xf32, #tpu.memory_space<hbm>> -> memref<10000x128xf32, #tpu.memory_space<hbm>>
        tpu.enqueue_indirect_dma source(%dma_start3A_128 : memref<10000x128xf32, #tpu.memory_space<hbm>>) target(%arg10 : memref<120x128xf32, #tpu.memory_space<vmem>>) offsets(%dma_start3A_125 : memref<120xi32, #tpu.memory_space<vmem>>) semaphore(%arg13 : memref<!tpu.dma_semaphore, #tpu.memory_space<semaphore_mem>>)
      } else {
      }
    }
    %scan3A_45 = arith.constant 41 : i32
    %multiple_of3A_46 = arith.constant 9840 : i32
    %multiple_of3A_47 = tpu.assume_multiple %multiple_of3A_46, 8 : i32
    %dma_wait3A_48 = tpu.memref_slice %arg7[%multiple_of3A_47] : memref<10000xi32, #tpu.memory_space<vmem>> -> memref<120xi32, #tpu.memory_space<vmem>>
    %dma_wait3A_49 = arith.constant 0 : i32
    %dma_wait3A_50 = arith.constant 0 : i32
    %dma_wait3A_51 = tpu.memref_slice %arg2[%dma_wait3A_49, %dma_wait3A_50] : memref<10000x128xf32, #tpu.memory_space<hbm>> -> memref<10000x128xf32, #tpu.memory_space<hbm>>
    tpu.wait_indirect_dma semaphore(%arg12 : memref<!tpu.dma_semaphore, #tpu.memory_space<semaphore_mem>>) src(%dma_wait3A_51 : memref<10000x128xf32, #tpu.memory_space<hbm>>) dst(%arg9 : memref<120x128xf32, #tpu.memory_space<vmem>>)
    %multiple_of3A_52 = arith.constant 9840 : i32
    %multiple_of3A_53 = tpu.assume_multiple %multiple_of3A_52, 8 : i32
    "tpu.region"() ({
      %run_scoped3A = tpu.sem_alloc : memref<!tpu.dma_semaphore, #tpu.memory_space<semaphore_mem>>
      %dma_start3A_80 = tpu.memref_slice %arg8[%multiple_of3A_53] : memref<10000xi32, #tpu.memory_space<vmem>> -> memref<120xi32, #tpu.memory_space<vmem>>
      %dma_start3A_81 = arith.constant 0 : i32
      %dma_start3A_82 = arith.constant 0 : i32
      %dma_start3A_83 = tpu.memref_slice %arg11[%dma_start3A_81, %dma_start3A_82] : memref<10000x128xf32, #tpu.memory_space<vmem_shared>> -> memref<10000x128xf32, #tpu.memory_space<vmem_shared>>
      tpu.enqueue_indirect_dma source(%arg9 : memref<120x128xf32, #tpu.memory_space<vmem>>) target(%dma_start3A_83 : memref<10000x128xf32, #tpu.memory_space<vmem_shared>>) offsets(%dma_start3A_80 : memref<120xi32, #tpu.memory_space<vmem>>) semaphore(%run_scoped3A : memref<!tpu.dma_semaphore, #tpu.memory_space<semaphore_mem>>) {add = true}
      %dma_wait3A_84 = tpu.memref_slice %arg8[%multiple_of3A_53] : memref<10000xi32, #tpu.memory_space<vmem>> -> memref<120xi32, #tpu.memory_space<vmem>>
      %dma_wait3A_85 = arith.constant 0 : i32
      %dma_wait3A_86 = arith.constant 0 : i32
      %dma_wait3A_87 = tpu.memref_slice %arg11[%dma_wait3A_85, %dma_wait3A_86] : memref<10000x128xf32, #tpu.memory_space<vmem_shared>> -> memref<10000x128xf32, #tpu.memory_space<vmem_shared>>
      tpu.wait_indirect_dma semaphore(%run_scoped3A : memref<!tpu.dma_semaphore, #tpu.memory_space<semaphore_mem>>) src(%arg9 : memref<120x128xf32, #tpu.memory_space<vmem>>) dst(%dma_wait3A_87 : memref<10000x128xf32, #tpu.memory_space<vmem_shared>>)
      tpu.yield
    }) : () -> ()
    %dma_start3A_54 = arith.constant 0 : i32
    %dma_start3A_55 = arith.constant 0 : i32
    %dma_start3A_56 = tpu.memref_slice %arg10[%dma_start3A_54, %dma_start3A_55] : memref<120x128xf32, #tpu.memory_space<vmem>> -> memref<40x128xf32, #tpu.memory_space<vmem>>
    %dma_start3A_57 = arith.constant 9960 : i32
    %dma_start3A_58 = tpu.memref_slice %arg7[%dma_start3A_57] : memref<10000xi32, #tpu.memory_space<vmem>> -> memref<40xi32, #tpu.memory_space<vmem>>
    %dma_start3A_59 = arith.constant 0 : i32
    %dma_start3A_60 = arith.constant 0 : i32
    %dma_start3A_61 = tpu.memref_slice %arg2[%dma_start3A_59, %dma_start3A_60] : memref<10000x128xf32, #tpu.memory_space<hbm>> -> memref<10000x128xf32, #tpu.memory_space<hbm>>
    tpu.enqueue_indirect_dma source(%dma_start3A_61 : memref<10000x128xf32, #tpu.memory_space<hbm>>) target(%dma_start3A_56 : memref<40x128xf32, #tpu.memory_space<vmem>>) offsets(%dma_start3A_58 : memref<40xi32, #tpu.memory_space<vmem>>) semaphore(%arg13 : memref<!tpu.dma_semaphore, #tpu.memory_space<semaphore_mem>>)
    %dma_wait3A_62 = arith.constant 0 : i32
    %dma_wait3A_63 = arith.constant 0 : i32
    %dma_wait3A_64 = tpu.memref_slice %arg10[%dma_wait3A_62, %dma_wait3A_63] : memref<120x128xf32, #tpu.memory_space<vmem>> -> memref<40x128xf32, #tpu.memory_space<vmem>>
    %dma_wait3A_65 = arith.constant 9960 : i32
    %dma_wait3A_66 = tpu.memref_slice %arg7[%dma_wait3A_65] : memref<10000xi32, #tpu.memory_space<vmem>> -> memref<40xi32, #tpu.memory_space<vmem>>
    %dma_wait3A_67 = arith.constant 0 : i32
    %dma_wait3A_68 = arith.constant 0 : i32
    %dma_wait3A_69 = tpu.memref_slice %arg2[%dma_wait3A_67, %dma_wait3A_68] : memref<10000x128xf32, #tpu.memory_space<hbm>> -> memref<10000x128xf32, #tpu.memory_space<hbm>>
    tpu.wait_indirect_dma semaphore(%arg13 : memref<!tpu.dma_semaphore, #tpu.memory_space<semaphore_mem>>) src(%dma_wait3A_69 : memref<10000x128xf32, #tpu.memory_space<hbm>>) dst(%dma_wait3A_64 : memref<40x128xf32, #tpu.memory_space<vmem>>)
    "tpu.region"() ({
      %run_scoped3A = tpu.sem_alloc : memref<!tpu.dma_semaphore, #tpu.memory_space<semaphore_mem>>
      %dma_start3A_80 = arith.constant 0 : i32
      %dma_start3A_81 = arith.constant 0 : i32
      %dma_start3A_82 = tpu.memref_slice %arg10[%dma_start3A_80, %dma_start3A_81] : memref<120x128xf32, #tpu.memory_space<vmem>> -> memref<40x128xf32, #tpu.memory_space<vmem>>
      %dma_start3A_83 = arith.constant 9960 : i32
      %dma_start3A_84 = tpu.memref_slice %arg8[%dma_start3A_83] : memref<10000xi32, #tpu.memory_space<vmem>> -> memref<40xi32, #tpu.memory_space<vmem>>
      %dma_start3A_85 = arith.constant 0 : i32
      %dma_start3A_86 = arith.constant 0 : i32
      %dma_start3A_87 = tpu.memref_slice %arg11[%dma_start3A_85, %dma_start3A_86] : memref<10000x128xf32, #tpu.memory_space<vmem_shared>> -> memref<10000x128xf32, #tpu.memory_space<vmem_shared>>
      tpu.enqueue_indirect_dma source(%dma_start3A_82 : memref<40x128xf32, #tpu.memory_space<vmem>>) target(%dma_start3A_87 : memref<10000x128xf32, #tpu.memory_space<vmem_shared>>) offsets(%dma_start3A_84 : memref<40xi32, #tpu.memory_space<vmem>>) semaphore(%run_scoped3A : memref<!tpu.dma_semaphore, #tpu.memory_space<semaphore_mem>>) {add = true}
      %dma_wait3A_88 = arith.constant 0 : i32
      %dma_wait3A_89 = arith.constant 0 : i32
      %dma_wait3A_90 = tpu.memref_slice %arg10[%dma_wait3A_88, %dma_wait3A_89] : memref<120x128xf32, #tpu.memory_space<vmem>> -> memref<40x128xf32, #tpu.memory_space<vmem>>
      %dma_wait3A_91 = arith.constant 9960 : i32
      %dma_wait3A_92 = tpu.memref_slice %arg8[%dma_wait3A_91] : memref<10000xi32, #tpu.memory_space<vmem>> -> memref<40xi32, #tpu.memory_space<vmem>>
      %dma_wait3A_93 = arith.constant 0 : i32
      %dma_wait3A_94 = arith.constant 0 : i32
      %dma_wait3A_95 = tpu.memref_slice %arg11[%dma_wait3A_93, %dma_wait3A_94] : memref<10000x128xf32, #tpu.memory_space<vmem_shared>> -> memref<10000x128xf32, #tpu.memory_space<vmem_shared>>
      tpu.wait_indirect_dma semaphore(%run_scoped3A : memref<!tpu.dma_semaphore, #tpu.memory_space<semaphore_mem>>) src(%dma_wait3A_90 : memref<40x128xf32, #tpu.memory_space<vmem>>) dst(%dma_wait3A_95 : memref<10000x128xf32, #tpu.memory_space<vmem_shared>>)
      tpu.yield
    }) : () -> ()
    %barrier3A_70 = arith.constant 0 : index
    tpu.barrier barrier_id(%barrier3A_70)
    %mul3A_71 = arith.constant 624 : i32
    %mul3A_72 = arith.muli %arg1, %mul3A_71 : i32
    %mul3A_73 = arith.constant 624 : i32
    %mul3A_74 = arith.muli %arg1, %mul3A_73 : i32
    "tpu.region"() ({
      %run_scoped3A = tpu.sem_alloc : memref<!tpu.dma_semaphore, #tpu.memory_space<semaphore_mem>>
      %dma_start3A_80 = arith.constant 0 : i32
      %dma_start3A_81 = tpu.memref_slice %arg6[%arg0, %mul3A_74, %dma_start3A_80] : memref<2x10000x128xf32, #tpu.memory_space<hbm>> -> memref<1x624x128xf32, #tpu.memory_space<hbm>>
      %dma_start3A_82 = tpu.memref_squeeze %dma_start3A_81 : memref<1x624x128xf32, #tpu.memory_space<hbm>> -> memref<624x128xf32, #tpu.memory_space<hbm>>
      %dma_start3A_83 = arith.constant 0 : i32
      %dma_start3A_84 = tpu.memref_slice %arg11[%mul3A_72, %dma_start3A_83] : memref<10000x128xf32, #tpu.memory_space<vmem_shared>> -> memref<624x128xf32, #tpu.memory_space<vmem_shared>>
      tpu.enqueue_dma source(%dma_start3A_84 : memref<624x128xf32, #tpu.memory_space<vmem_shared>>) target(%dma_start3A_82 : memref<624x128xf32, #tpu.memory_space<hbm>>) target_semaphore(%run_scoped3A : memref<!tpu.dma_semaphore, #tpu.memory_space<semaphore_mem>>)
      %dma_wait3A_85 = arith.constant 0 : i32
      %dma_wait3A_86 = tpu.memref_slice %arg6[%arg0, %mul3A_74, %dma_wait3A_85] : memref<2x10000x128xf32, #tpu.memory_space<hbm>> -> memref<1x624x128xf32, #tpu.memory_space<hbm>>
      %dma_wait3A_87 = tpu.memref_squeeze %dma_wait3A_86 : memref<1x624x128xf32, #tpu.memory_space<hbm>> -> memref<624x128xf32, #tpu.memory_space<hbm>>
      %dma_wait3A_88 = arith.constant 0 : i32
      %dma_wait3A_89 = tpu.memref_slice %arg11[%mul3A_72, %dma_wait3A_88] : memref<10000x128xf32, #tpu.memory_space<vmem_shared>> -> memref<624x128xf32, #tpu.memory_space<vmem_shared>>
      tpu.wait_dma2 semaphore(%run_scoped3A : memref<!tpu.dma_semaphore, #tpu.memory_space<semaphore_mem>>) src(%dma_wait3A_89 : memref<624x128xf32, #tpu.memory_space<vmem_shared>>) dst(%dma_wait3A_87 : memref<624x128xf32, #tpu.memory_space<hbm>>)
      tpu.yield
    }) : () -> ()
    %eq3A_75 = arith.constant 15 : i32
    %eq3A_76 = arith.cmpi eq, %arg1, %eq3A_75 : i32
    %convert_element_type3A_77 = arith.extui %eq3A_76 : i1 to i32
    %cond3A_78 = arith.constant 0 : i32
    %cond3A_79 = arith.cmpi ne, %convert_element_type3A_77, %cond3A_78 : i32
    scf.if %cond3A_79 {
      "tpu.region"() ({
        %run_scoped3A = tpu.sem_alloc : memref<!tpu.dma_semaphore, #tpu.memory_space<semaphore_mem>>
        %dma_start3A_80 = arith.constant 9984 : i32
        %dma_start3A_81 = arith.constant 0 : i32
        %dma_start3A_82 = tpu.memref_slice %arg6[%arg0, %dma_start3A_80, %dma_start3A_81] : memref<2x10000x128xf32, #tpu.memory_space<hbm>> -> memref<1x16x128xf32, #tpu.memory_space<hbm>>
        %dma_start3A_83 = tpu.memref_squeeze %dma_start3A_82 : memref<1x16x128xf32, #tpu.memory_space<hbm>> -> memref<16x128xf32, #tpu.memory_space<hbm>>
        %dma_start3A_84 = arith.constant 9984 : i32
        %dma_start3A_85 = arith.constant 0 : i32
        %dma_start3A_86 = tpu.memref_slice %arg11[%dma_start3A_84, %dma_start3A_85] : memref<10000x128xf32, #tpu.memory_space<vmem_shared>> -> memref<16x128xf32, #tpu.memory_space<vmem_shared>>
        tpu.enqueue_dma source(%dma_start3A_86 : memref<16x128xf32, #tpu.memory_space<vmem_shared>>) target(%dma_start3A_83 : memref<16x128xf32, #tpu.memory_space<hbm>>) target_semaphore(%run_scoped3A : memref<!tpu.dma_semaphore, #tpu.memory_space<semaphore_mem>>)
        %dma_wait3A_87 = arith.constant 9984 : i32
        %dma_wait3A_88 = arith.constant 0 : i32
        %dma_wait3A_89 = tpu.memref_slice %arg6[%arg0, %dma_wait3A_87, %dma_wait3A_88] : memref<2x10000x128xf32, #tpu.memory_space<hbm>> -> memref<1x16x128xf32, #tpu.memory_space<hbm>>
        %dma_wait3A_90 = tpu.memref_squeeze %dma_wait3A_89 : memref<1x16x128xf32, #tpu.memory_space<hbm>> -> memref<16x128xf32, #tpu.memory_space<hbm>>
        %dma_wait3A_91 = arith.constant 9984 : i32
        %dma_wait3A_92 = arith.constant 0 : i32
        %dma_wait3A_93 = tpu.memref_slice %arg11[%dma_wait3A_91, %dma_wait3A_92] : memref<10000x128xf32, #tpu.memory_space<vmem_shared>> -> memref<16x128xf32, #tpu.memory_space<vmem_shared>>
        tpu.wait_dma2 semaphore(%run_scoped3A : memref<!tpu.dma_semaphore, #tpu.memory_space<semaphore_mem>>) src(%dma_wait3A_93 : memref<16x128xf32, #tpu.memory_space<vmem_shared>>) dst(%dma_wait3A_90 : memref<16x128xf32, #tpu.memory_space<hbm>>)
        tpu.yield
      }) : () -> ()
    } else {
    }
    return
  }
}

module attributes {stable_mosaic.version = 14 : i64} {
  func.func @_dense_body(%arg0: i32, %arg1: memref<2x2000x128xf32, #tpu.memory_space<vmem>>, %arg2: memref<128x128xf32, #tpu.memory_space<vmem>>, %arg3: memref<1x128xf32, #tpu.memory_space<vmem>>, %arg4: memref<1x128xf32, #tpu.memory_space<vmem>>, %arg5: memref<1x128xf32, #tpu.memory_space<vmem>>, %arg6: memref<128x128xf32, #tpu.memory_space<vmem>>, %arg7: memref<1x128xf32, #tpu.memory_space<vmem>>, %arg8: memref<1x128xf32, #tpu.memory_space<vmem>>, %arg9: memref<1x128xf32, #tpu.memory_space<vmem>>, %arg10: memref<2000x128xf32, #tpu.memory_space<vmem>>, %arg11: memref<10000x128xf32, #tpu.memory_space<vmem>>, %arg12: memref<1x128xf32, #tpu.memory_space<vmem>>, %arg13: memref<1x128xf32, #tpu.memory_space<vmem>>, %arg14: memref<1x128xf32, #tpu.memory_space<vmem>>, %arg15: memref<1x128xf32, #tpu.memory_space<vmem>>) attributes {dimension_semantics = [#tpu.dimension_semantics<arbitrary>], iteration_bounds = array<i64: 10>, scalar_prefetch = 0 : i64, scratch_operands = 5 : i64, tpu.core_type = #tpu.core_type<tc>, window_params = [{transform_indices = @transform_0, window_bounds = array<i64: 2, 2000, 128>}, {pipeline_mode = #tpu.pipeline_mode<synchronous>, transform_indices = @transform_1, window_bounds = array<i64: 128, 128>}, {pipeline_mode = #tpu.pipeline_mode<synchronous>, transform_indices = @transform_2, window_bounds = array<i64: 1, 128>}, {pipeline_mode = #tpu.pipeline_mode<synchronous>, transform_indices = @transform_3, window_bounds = array<i64: 1, 128>}, {pipeline_mode = #tpu.pipeline_mode<synchronous>, transform_indices = @transform_4, window_bounds = array<i64: 1, 128>}, {pipeline_mode = #tpu.pipeline_mode<synchronous>, transform_indices = @transform_5, window_bounds = array<i64: 128, 128>}, {pipeline_mode = #tpu.pipeline_mode<synchronous>, transform_indices = @transform_6, window_bounds = array<i64: 1, 128>}, {pipeline_mode = #tpu.pipeline_mode<synchronous>, transform_indices = @transform_7, window_bounds = array<i64: 1, 128>}, {pipeline_mode = #tpu.pipeline_mode<synchronous>, transform_indices = @transform_8, window_bounds = array<i64: 1, 128>}, {transform_indices = @transform_9, window_bounds = array<i64: 2000, 128>}]} {
    %eq3A = arith.constant 0 : i32
    %eq3A_0 = arith.cmpi eq, %arg0, %eq3A : i32
    %convert_element_type3A = arith.extui %eq3A_0 : i1 to i32
    %cond3A = arith.constant 0 : i32
    %cond3A_1 = arith.cmpi ne, %convert_element_type3A, %cond3A : i32
    scf.if %cond3A_1 {
      %broadcast_in_dim3A = arith.constant 0.000000e+00 : f32
      %broadcast_in_dim3A_12 = vector.broadcast %broadcast_in_dim3A : f32 to vector<1x128xf32>
      %swap3A = arith.constant 0 : index
      %swap3A_13 = arith.constant 0 : index
      %swap3A_14 = vector.load %arg12[%swap3A, %swap3A_13] : memref<1x128xf32, #tpu.memory_space<vmem>>, vector<1x128xf32>
      tpu.vector_store %arg12[%swap3A, %swap3A_13], %broadcast_in_dim3A_12 {strides = array<i32>} : memref<1x128xf32, #tpu.memory_space<vmem>>, vector<1x128xf32>,
      %broadcast_in_dim3A_15 = arith.constant 0.000000e+00 : f32
      %broadcast_in_dim3A_16 = vector.broadcast %broadcast_in_dim3A_15 : f32 to vector<1x128xf32>
      %swap3A_17 = arith.constant 0 : index
      %swap3A_18 = arith.constant 0 : index
      %swap3A_19 = vector.load %arg13[%swap3A_17, %swap3A_18] : memref<1x128xf32, #tpu.memory_space<vmem>>, vector<1x128xf32>
      tpu.vector_store %arg13[%swap3A_17, %swap3A_18], %broadcast_in_dim3A_16 {strides = array<i32>} : memref<1x128xf32, #tpu.memory_space<vmem>>, vector<1x128xf32>,
      %broadcast_in_dim3A_20 = arith.constant 0.000000e+00 : f32
      %broadcast_in_dim3A_21 = vector.broadcast %broadcast_in_dim3A_20 : f32 to vector<1x128xf32>
      %swap3A_22 = arith.constant 0 : index
      %swap3A_23 = arith.constant 0 : index
      %swap3A_24 = vector.load %arg14[%swap3A_22, %swap3A_23] : memref<1x128xf32, #tpu.memory_space<vmem>>, vector<1x128xf32>
      tpu.vector_store %arg14[%swap3A_22, %swap3A_23], %broadcast_in_dim3A_21 {strides = array<i32>} : memref<1x128xf32, #tpu.memory_space<vmem>>, vector<1x128xf32>,
      %broadcast_in_dim3A_25 = arith.constant 0.000000e+00 : f32
      %broadcast_in_dim3A_26 = vector.broadcast %broadcast_in_dim3A_25 : f32 to vector<1x128xf32>
      %swap3A_27 = arith.constant 0 : index
      %swap3A_28 = arith.constant 0 : index
      %swap3A_29 = vector.load %arg15[%swap3A_27, %swap3A_28] : memref<1x128xf32, #tpu.memory_space<vmem>>, vector<1x128xf32>
      tpu.vector_store %arg15[%swap3A_27, %swap3A_28], %broadcast_in_dim3A_26 {strides = array<i32>} : memref<1x128xf32, #tpu.memory_space<vmem>>, vector<1x128xf32>,
    } else {
    }
    %lt3A = arith.constant 5 : i32
    %lt3A_2 = arith.cmpi slt, %arg0, %lt3A : i32
    %convert_element_type3A_3 = arith.extui %lt3A_2 : i1 to i32
    %cond3A_4 = arith.constant 0 : i32
    %cond3A_5 = arith.cmpi ne, %convert_element_type3A_3, %cond3A_4 : i32
    scf.if %cond3A_5 {
      %get3A = arith.constant 0 : index
      %get3A_12 = arith.constant 0 : index
      %get3A_13 = arith.constant 0 : index
      %get3A_14 = vector.load %arg1[%get3A, %get3A_12, %get3A_13] : memref<2x2000x128xf32, #tpu.memory_space<vmem>>, vector<1x2000x128xf32>
      %get3A_15 = vector.shape_cast %get3A_14 : vector<1x2000x128xf32> to vector<2000x128xf32>
      %get3A_16 = arith.constant 1 : index
      %get3A_17 = arith.constant 0 : index
      %get3A_18 = arith.constant 0 : index
      %get3A_19 = vector.load %arg1[%get3A_16, %get3A_17, %get3A_18] : memref<2x2000x128xf32, #tpu.memory_space<vmem>>, vector<1x2000x128xf32>
      %get3A_20 = vector.shape_cast %get3A_19 : vector<1x2000x128xf32> to vector<2000x128xf32>
      %add3A = arith.addf %get3A_15, %get3A_20 : vector<2000x128xf32>
      %get3A_21 = arith.constant 0 : index
      %get3A_22 = arith.constant 0 : index
      %get3A_23 = vector.load %arg2[%get3A_21, %get3A_22] : memref<128x128xf32, #tpu.memory_space<vmem>>, vector<128x128xf32>
      %dot_general3A = arith.constant dense<0.000000e+00> : vector<2000x128xf32>
      %dot_general3A_24 = tpu.matmul %add3A, %get3A_23, %dot_general3A {dimension_numbers = #tpu.dot_dimension_numbers<[1], [0], [0], [1], [0, 0, 1, 1], [], []>, transpose_lhs_hint = false} : vector<2000x128xf32>, vector<128x128xf32>, vector<2000x128xf32> -> vector<2000x128xf32>
      %get3A_25 = arith.constant 0 : index
      %get3A_26 = arith.constant 0 : index
      %get3A_27 = vector.load %arg3[%get3A_25, %get3A_26] : memref<1x128xf32, #tpu.memory_space<vmem>>, vector<1x128xf32>
      %add3A_28 = vector.broadcast %get3A_27 : vector<1x128xf32> to vector<2000x128xf32>
      %add3A_29 = arith.addf %dot_general3A_24, %add3A_28 : vector<2000x128xf32>
      %mul3A = arith.constant 2000 : i32
      %mul3A_30 = arith.muli %arg0, %mul3A : i32
      %swap3A = arith.index_cast %mul3A_30 : i32 to index
      %swap3A_31 = arith.constant 0 : index
      %swap3A_32 = vector.load %arg11[%swap3A, %swap3A_31] : memref<10000x128xf32, #tpu.memory_space<vmem>>, vector<2000x128xf32>
      tpu.vector_store %arg11[%swap3A, %swap3A_31], %add3A_29 {strides = array<i32>} : memref<10000x128xf32, #tpu.memory_space<vmem>>, vector<2000x128xf32>,
      %get3A_33 = arith.constant 0 : index
      %get3A_34 = arith.constant 0 : index
      %get3A_35 = vector.load %arg12[%get3A_33, %get3A_34] : memref<1x128xf32, #tpu.memory_space<vmem>>, vector<1x128xf32>
      %reduce_sum3A = arith.constant dense<0.000000e+00> : vector<128xf32>
      %reduce_sum3A_36 = vector.multi_reduction <add>, %add3A_29, %reduce_sum3A [0] : vector<2000x128xf32> to vector<128xf32>
      %broadcast_in_dim3A = vector.shape_cast %reduce_sum3A_36 : vector<128xf32> to vector<1x128xf32>
      %add3A_37 = arith.addf %get3A_35, %broadcast_in_dim3A : vector<1x128xf32>
      %swap3A_38 = arith.constant 0 : index
      %swap3A_39 = arith.constant 0 : index
      %swap3A_40 = vector.load %arg12[%swap3A_38, %swap3A_39] : memref<1x128xf32, #tpu.memory_space<vmem>>, vector<1x128xf32>
      tpu.vector_store %arg12[%swap3A_38, %swap3A_39], %add3A_37 {strides = array<i32>} : memref<1x128xf32, #tpu.memory_space<vmem>>, vector<1x128xf32>,
      %get3A_41 = arith.constant 0 : index
      %get3A_42 = arith.constant 0 : index
      %get3A_43 = vector.load %arg13[%get3A_41, %get3A_42] : memref<1x128xf32, #tpu.memory_space<vmem>>, vector<1x128xf32>
      %mul3A_44 = arith.mulf %add3A_29, %add3A_29 : vector<2000x128xf32>
      %reduce_sum3A_45 = arith.constant dense<0.000000e+00> : vector<128xf32>
      %reduce_sum3A_46 = vector.multi_reduction <add>, %mul3A_44, %reduce_sum3A_45 [0] : vector<2000x128xf32> to vector<128xf32>
      %broadcast_in_dim3A_47 = vector.shape_cast %reduce_sum3A_46 : vector<128xf32> to vector<1x128xf32>
      %add3A_48 = arith.addf %get3A_43, %broadcast_in_dim3A_47 : vector<1x128xf32>
      %swap3A_49 = arith.constant 0 : index
      %swap3A_50 = arith.constant 0 : index
      %swap3A_51 = vector.load %arg13[%swap3A_49, %swap3A_50] : memref<1x128xf32, #tpu.memory_space<vmem>>, vector<1x128xf32>
      tpu.vector_store %arg13[%swap3A_49, %swap3A_50], %add3A_48 {strides = array<i32>} : memref<1x128xf32, #tpu.memory_space<vmem>>, vector<1x128xf32>,
    } else {
    }
    %ge3A = arith.constant 5 : i32
    %ge3A_6 = arith.cmpi sge, %arg0, %ge3A : i32
    %lt3A_7 = arith.constant 10 : i32
    %lt3A_8 = arith.cmpi slt, %arg0, %lt3A_7 : i32
    %and3A = arith.andi %ge3A_6, %lt3A_8 : i1
    %convert_element_type3A_9 = arith.extui %and3A : i1 to i32
    %cond3A_10 = arith.constant 0 : i32
    %cond3A_11 = arith.cmpi ne, %convert_element_type3A_9, %cond3A_10 : i32
    scf.if %cond3A_11 {
      %sub3A = arith.constant 5 : i32
      %sub3A_12 = arith.subi %arg0, %sub3A : i32
      %mul3A = arith.constant 2000 : i32
      %mul3A_13 = arith.muli %sub3A_12, %mul3A : i32
      %get3A = arith.index_cast %mul3A_13 : i32 to index
      %get3A_14 = arith.constant 0 : index
      %get3A_15 = vector.load %arg11[%get3A, %get3A_14] : memref<10000x128xf32, #tpu.memory_space<vmem>>, vector<2000x128xf32>
      %get3A_16 = arith.constant 0 : index
      %get3A_17 = arith.constant 0 : index
      %get3A_18 = vector.load %arg12[%get3A_16, %get3A_17] : memref<1x128xf32, #tpu.memory_space<vmem>>, vector<1x128xf32>
      %mul3A_19 = arith.constant 9.99999974E-5 : f32
      %mul3A_20 = vector.broadcast %mul3A_19 : f32 to vector<1x128xf32>
      %mul3A_21 = arith.mulf %get3A_18, %mul3A_20 : vector<1x128xf32>
      %get3A_22 = arith.constant 0 : index
      %get3A_23 = arith.constant 0 : index
      %get3A_24 = vector.load %arg13[%get3A_22, %get3A_23] : memref<1x128xf32, #tpu.memory_space<vmem>>, vector<1x128xf32>
      %mul3A_25 = arith.constant 9.99999974E-5 : f32
      %mul3A_26 = vector.broadcast %mul3A_25 : f32 to vector<1x128xf32>
      %mul3A_27 = arith.mulf %get3A_24, %mul3A_26 : vector<1x128xf32>
      %mul3A_28 = arith.mulf %mul3A_21, %mul3A_21 : vector<1x128xf32>
      %sub3A_29 = arith.subf %mul3A_27, %mul3A_28 : vector<1x128xf32>
      %sub3A_30 = vector.broadcast %mul3A_21 : vector<1x128xf32> to vector<2000x128xf32>
      %sub3A_31 = arith.subf %get3A_15, %sub3A_30 : vector<2000x128xf32>
      %get3A_32 = arith.constant 0 : index
      %get3A_33 = arith.constant 0 : index
      %get3A_34 = vector.load %arg4[%get3A_32, %get3A_33] : memref<1x128xf32, #tpu.memory_space<vmem>>, vector<1x128xf32>
      %add3A = arith.constant 9.99999974E-6 : f32
      %add3A_35 = vector.broadcast %add3A : f32 to vector<1x128xf32>
      %add3A_36 = arith.addf %sub3A_29, %add3A_35 : vector<1x128xf32>
      %rsqrt3A = math.rsqrt %add3A_36 : vector<1x128xf32>
      %mul3A_37 = arith.mulf %get3A_34, %rsqrt3A : vector<1x128xf32>
      %mul3A_38 = vector.broadcast %mul3A_37 : vector<1x128xf32> to vector<2000x128xf32>
      %mul3A_39 = arith.mulf %sub3A_31, %mul3A_38 : vector<2000x128xf32>
      %get3A_40 = arith.constant 0 : index
      %get3A_41 = arith.constant 0 : index
      %get3A_42 = vector.load %arg5[%get3A_40, %get3A_41] : memref<1x128xf32, #tpu.memory_space<vmem>>, vector<1x128xf32>
      %add3A_43 = vector.broadcast %get3A_42 : vector<1x128xf32> to vector<2000x128xf32>
      %add3A_44 = arith.addf %mul3A_39, %add3A_43 : vector<2000x128xf32>
      %max3A = arith.constant 0.000000e+00 : f32
      %max3A_45 = vector.broadcast %max3A : f32 to vector<2000x128xf32>
      %max3A_46 = arith.maximumf %add3A_44, %max3A_45 : vector<2000x128xf32>
      %get3A_47 = arith.constant 0 : index
      %get3A_48 = arith.constant 0 : index
      %get3A_49 = vector.load %arg6[%get3A_47, %get3A_48] : memref<128x128xf32, #tpu.memory_space<vmem>>, vector<128x128xf32>
      %dot_general3A = arith.constant dense<0.000000e+00> : vector<2000x128xf32>
      %dot_general3A_50 = tpu.matmul %max3A_46, %get3A_49, %dot_general3A {dimension_numbers = #tpu.dot_dimension_numbers<[1], [0], [0], [1], [0, 0, 1, 1], [], []>, transpose_lhs_hint = false} : vector<2000x128xf32>, vector<128x128xf32>, vector<2000x128xf32> -> vector<2000x128xf32>
      %get3A_51 = arith.constant 0 : index
      %get3A_52 = arith.constant 0 : index
      %get3A_53 = vector.load %arg7[%get3A_51, %get3A_52] : memref<1x128xf32, #tpu.memory_space<vmem>>, vector<1x128xf32>
      %add3A_54 = vector.broadcast %get3A_53 : vector<1x128xf32> to vector<2000x128xf32>
      %add3A_55 = arith.addf %dot_general3A_50, %add3A_54 : vector<2000x128xf32>
      %mul3A_56 = arith.mulf %add3A_55, %add3A_55 : vector<2000x128xf32>
      %reduce_sum3A = arith.constant dense<0.000000e+00> : vector<2000xf32>
      %reduce_sum3A_57 = vector.multi_reduction <add>, %mul3A_56, %reduce_sum3A [1] : vector<2000x128xf32> to vector<2000xf32>
      %broadcast_in_dim3A = vector.shape_cast %reduce_sum3A_57 : vector<2000xf32> to vector<2000x1xf32>
      %sqrt3A = math.sqrt %broadcast_in_dim3A : vector<2000x1xf32>
      %max3A_58 = arith.constant 9.99999996E-13 : f32
      %max3A_59 = vector.broadcast %max3A_58 : f32 to vector<2000x1xf32>
      %max3A_60 = arith.maximumf %sqrt3A, %max3A_59 : vector<2000x1xf32>
      %div3A = vector.broadcast %max3A_60 : vector<2000x1xf32> to vector<2000x128xf32>
      %div3A_61 = arith.divf %add3A_55, %div3A : vector<2000x128xf32>
      %swap3A = arith.constant 0 : index
      %swap3A_62 = arith.constant 0 : index
      %swap3A_63 = vector.load %arg10[%swap3A, %swap3A_62] : memref<2000x128xf32, #tpu.memory_space<vmem>>, vector<2000x128xf32>
      tpu.vector_store %arg10[%swap3A, %swap3A_62], %div3A_61 {strides = array<i32>} : memref<2000x128xf32, #tpu.memory_space<vmem>>, vector<2000x128xf32>,
    } else {
    }
    return
  }
  func.func @transform_0(%arg0: i32) -> (i32, i32, i32) {
    %min3A = arith.constant 4 : i32
    %min3A_0 = arith.minsi %arg0, %min3A : i32
    %c0_i32 = arith.constant 0 : i32
    %c0_i32_1 = arith.constant 0 : i32
    %c0_i32_2 = arith.constant 0 : i32
    return %c0_i32, %min3A_0, %c0_i32_1 : i32, i32, i32
  }
  func.func @transform_1(%arg0: i32) -> (i32, i32) {
    %c0_i32 = arith.constant 0 : i32
    %c0_i32_0 = arith.constant 0 : i32
    %c0_i32_1 = arith.constant 0 : i32
    return %c0_i32, %c0_i32_0 : i32, i32
  }
  func.func @transform_2(%arg0: i32) -> (i32, i32) {
    %c0_i32 = arith.constant 0 : i32
    %c0_i32_0 = arith.constant 0 : i32
    %c0_i32_1 = arith.constant 0 : i32
    return %c0_i32, %c0_i32_0 : i32, i32
  }
  func.func @transform_3(%arg0: i32) -> (i32, i32) {
    %c0_i32 = arith.constant 0 : i32
    %c0_i32_0 = arith.constant 0 : i32
    %c0_i32_1 = arith.constant 0 : i32
    return %c0_i32, %c0_i32_0 : i32, i32
  }
  func.func @transform_4(%arg0: i32) -> (i32, i32) {
    %c0_i32 = arith.constant 0 : i32
    %c0_i32_0 = arith.constant 0 : i32
    %c0_i32_1 = arith.constant 0 : i32
    return %c0_i32, %c0_i32_0 : i32, i32
  }
  func.func @transform_5(%arg0: i32) -> (i32, i32) {
    %c0_i32 = arith.constant 0 : i32
    %c0_i32_0 = arith.constant 0 : i32
    %c0_i32_1 = arith.constant 0 : i32
    return %c0_i32, %c0_i32_0 : i32, i32
  }
  func.func @transform_6(%arg0: i32) -> (i32, i32) {
    %c0_i32 = arith.constant 0 : i32
    %c0_i32_0 = arith.constant 0 : i32
    %c0_i32_1 = arith.constant 0 : i32
    return %c0_i32, %c0_i32_0 : i32, i32
  }
  func.func @transform_7(%arg0: i32) -> (i32, i32) {
    %c0_i32 = arith.constant 0 : i32
    %c0_i32_0 = arith.constant 0 : i32
    %c0_i32_1 = arith.constant 0 : i32
    return %c0_i32, %c0_i32_0 : i32, i32
  }
  func.func @transform_8(%arg0: i32) -> (i32, i32) {
    %c0_i32 = arith.constant 0 : i32
    %c0_i32_0 = arith.constant 0 : i32
    %c0_i32_1 = arith.constant 0 : i32
    return %c0_i32, %c0_i32_0 : i32, i32
  }
  func.func @transform_9(%arg0: i32) -> (i32, i32) {
    %sub3A = arith.constant 5 : i32
    %sub3A_0 = arith.subi %arg0, %sub3A : i32
    %max3A = arith.constant 0 : i32
    %max3A_1 = arith.maxsi %sub3A_0, %max3A : i32
    %c0_i32 = arith.constant 0 : i32
    %c0_i32_2 = arith.constant 0 : i32
    return %max3A_1, %c0_i32 : i32, i32
  }
}

module attributes {stable_mosaic.version = 14 : i64} {
  func.func @_dense_body(%arg0: i32, %arg1: memref<2x2000x128xf32, #tpu.memory_space<vmem>>, %arg2: memref<128x128xf32, #tpu.memory_space<vmem>>, %arg3: memref<1x128xf32, #tpu.memory_space<vmem>>, %arg4: memref<1x128xf32, #tpu.memory_space<vmem>>, %arg5: memref<1x128xf32, #tpu.memory_space<vmem>>, %arg6: memref<128x128xf32, #tpu.memory_space<vmem>>, %arg7: memref<1x128xf32, #tpu.memory_space<vmem>>, %arg8: memref<1x128xf32, #tpu.memory_space<vmem>>, %arg9: memref<1x128xf32, #tpu.memory_space<vmem>>, %arg10: memref<2000x128xf32, #tpu.memory_space<vmem>>, %arg11: memref<10000x128xf32, #tpu.memory_space<vmem>>, %arg12: memref<1x128xf32, #tpu.memory_space<vmem>>, %arg13: memref<1x128xf32, #tpu.memory_space<vmem>>, %arg14: memref<1x128xf32, #tpu.memory_space<vmem>>, %arg15: memref<1x128xf32, #tpu.memory_space<vmem>>) attributes {dimension_semantics = [#tpu.dimension_semantics<arbitrary>], iteration_bounds = array<i64: 15>, scalar_prefetch = 0 : i64, scratch_operands = 5 : i64, tpu.core_type = #tpu.core_type<tc>, window_params = [{transform_indices = @transform_0, window_bounds = array<i64: 2, 2000, 128>}, {pipeline_mode = #tpu.pipeline_mode<synchronous>, transform_indices = @transform_1, window_bounds = array<i64: 128, 128>}, {pipeline_mode = #tpu.pipeline_mode<synchronous>, transform_indices = @transform_2, window_bounds = array<i64: 1, 128>}, {pipeline_mode = #tpu.pipeline_mode<synchronous>, transform_indices = @transform_3, window_bounds = array<i64: 1, 128>}, {pipeline_mode = #tpu.pipeline_mode<synchronous>, transform_indices = @transform_4, window_bounds = array<i64: 1, 128>}, {pipeline_mode = #tpu.pipeline_mode<synchronous>, transform_indices = @transform_5, window_bounds = array<i64: 128, 128>}, {pipeline_mode = #tpu.pipeline_mode<synchronous>, transform_indices = @transform_6, window_bounds = array<i64: 1, 128>}, {pipeline_mode = #tpu.pipeline_mode<synchronous>, transform_indices = @transform_7, window_bounds = array<i64: 1, 128>}, {pipeline_mode = #tpu.pipeline_mode<synchronous>, transform_indices = @transform_8, window_bounds = array<i64: 1, 128>}, {transform_indices = @transform_9, window_bounds = array<i64: 2000, 128>}]} {
    %eq3A = arith.constant 0 : i32
    %eq3A_0 = arith.cmpi eq, %arg0, %eq3A : i32
    %convert_element_type3A = arith.extui %eq3A_0 : i1 to i32
    %cond3A = arith.constant 0 : i32
    %cond3A_1 = arith.cmpi ne, %convert_element_type3A, %cond3A : i32
    scf.if %cond3A_1 {
      %broadcast_in_dim3A = arith.constant 0.000000e+00 : f32
      %broadcast_in_dim3A_17 = vector.broadcast %broadcast_in_dim3A : f32 to vector<1x128xf32>
      %swap3A = arith.constant 0 : index
      %swap3A_18 = arith.constant 0 : index
      %swap3A_19 = vector.load %arg12[%swap3A, %swap3A_18] : memref<1x128xf32, #tpu.memory_space<vmem>>, vector<1x128xf32>
      tpu.vector_store %arg12[%swap3A, %swap3A_18], %broadcast_in_dim3A_17 {strides = array<i32>} : memref<1x128xf32, #tpu.memory_space<vmem>>, vector<1x128xf32>,
      %broadcast_in_dim3A_20 = arith.constant 0.000000e+00 : f32
      %broadcast_in_dim3A_21 = vector.broadcast %broadcast_in_dim3A_20 : f32 to vector<1x128xf32>
      %swap3A_22 = arith.constant 0 : index
      %swap3A_23 = arith.constant 0 : index
      %swap3A_24 = vector.load %arg13[%swap3A_22, %swap3A_23] : memref<1x128xf32, #tpu.memory_space<vmem>>, vector<1x128xf32>
      tpu.vector_store %arg13[%swap3A_22, %swap3A_23], %broadcast_in_dim3A_21 {strides = array<i32>} : memref<1x128xf32, #tpu.memory_space<vmem>>, vector<1x128xf32>,
      %broadcast_in_dim3A_25 = arith.constant 0.000000e+00 : f32
      %broadcast_in_dim3A_26 = vector.broadcast %broadcast_in_dim3A_25 : f32 to vector<1x128xf32>
      %swap3A_27 = arith.constant 0 : index
      %swap3A_28 = arith.constant 0 : index
      %swap3A_29 = vector.load %arg14[%swap3A_27, %swap3A_28] : memref<1x128xf32, #tpu.memory_space<vmem>>, vector<1x128xf32>
      tpu.vector_store %arg14[%swap3A_27, %swap3A_28], %broadcast_in_dim3A_26 {strides = array<i32>} : memref<1x128xf32, #tpu.memory_space<vmem>>, vector<1x128xf32>,
      %broadcast_in_dim3A_30 = arith.constant 0.000000e+00 : f32
      %broadcast_in_dim3A_31 = vector.broadcast %broadcast_in_dim3A_30 : f32 to vector<1x128xf32>
      %swap3A_32 = arith.constant 0 : index
      %swap3A_33 = arith.constant 0 : index
      %swap3A_34 = vector.load %arg15[%swap3A_32, %swap3A_33] : memref<1x128xf32, #tpu.memory_space<vmem>>, vector<1x128xf32>
      tpu.vector_store %arg15[%swap3A_32, %swap3A_33], %broadcast_in_dim3A_31 {strides = array<i32>} : memref<1x128xf32, #tpu.memory_space<vmem>>, vector<1x128xf32>,
    } else {
    }
    %lt3A = arith.constant 5 : i32
    %lt3A_2 = arith.cmpi slt, %arg0, %lt3A : i32
    %convert_element_type3A_3 = arith.extui %lt3A_2 : i1 to i32
    %cond3A_4 = arith.constant 0 : i32
    %cond3A_5 = arith.cmpi ne, %convert_element_type3A_3, %cond3A_4 : i32
    scf.if %cond3A_5 {
      %get3A = arith.constant 0 : index
      %get3A_17 = arith.constant 0 : index
      %get3A_18 = arith.constant 0 : index
      %get3A_19 = vector.load %arg1[%get3A, %get3A_17, %get3A_18] : memref<2x2000x128xf32, #tpu.memory_space<vmem>>, vector<1x2000x128xf32>
      %get3A_20 = vector.shape_cast %get3A_19 : vector<1x2000x128xf32> to vector<2000x128xf32>
      %get3A_21 = arith.constant 1 : index
      %get3A_22 = arith.constant 0 : index
      %get3A_23 = arith.constant 0 : index
      %get3A_24 = vector.load %arg1[%get3A_21, %get3A_22, %get3A_23] : memref<2x2000x128xf32, #tpu.memory_space<vmem>>, vector<1x2000x128xf32>
      %get3A_25 = vector.shape_cast %get3A_24 : vector<1x2000x128xf32> to vector<2000x128xf32>
      %add3A = arith.addf %get3A_20, %get3A_25 : vector<2000x128xf32>
      %get3A_26 = arith.constant 0 : index
      %get3A_27 = arith.constant 0 : index
      %get3A_28 = vector.load %arg2[%get3A_26, %get3A_27] : memref<128x128xf32, #tpu.memory_space<vmem>>, vector<128x128xf32>
      %dot_general3A = arith.constant dense<0.000000e+00> : vector<2000x128xf32>
      %dot_general3A_29 = tpu.matmul %add3A, %get3A_28, %dot_general3A {dimension_numbers = #tpu.dot_dimension_numbers<[1], [0], [0], [1], [0, 0, 1, 1], [], []>, transpose_lhs_hint = false} : vector<2000x128xf32>, vector<128x128xf32>, vector<2000x128xf32> -> vector<2000x128xf32>
      %get3A_30 = arith.constant 0 : index
      %get3A_31 = arith.constant 0 : index
      %get3A_32 = vector.load %arg3[%get3A_30, %get3A_31] : memref<1x128xf32, #tpu.memory_space<vmem>>, vector<1x128xf32>
      %add3A_33 = vector.broadcast %get3A_32 : vector<1x128xf32> to vector<2000x128xf32>
      %add3A_34 = arith.addf %dot_general3A_29, %add3A_33 : vector<2000x128xf32>
      %mul3A = arith.constant 2000 : i32
      %mul3A_35 = arith.muli %arg0, %mul3A : i32
      %swap3A = arith.index_cast %mul3A_35 : i32 to index
      %swap3A_36 = arith.constant 0 : index
      %swap3A_37 = vector.load %arg11[%swap3A, %swap3A_36] : memref<10000x128xf32, #tpu.memory_space<vmem>>, vector<2000x128xf32>
      tpu.vector_store %arg11[%swap3A, %swap3A_36], %add3A_34 {strides = array<i32>} : memref<10000x128xf32, #tpu.memory_space<vmem>>, vector<2000x128xf32>,
      %get3A_38 = arith.constant 0 : index
      %get3A_39 = arith.constant 0 : index
      %get3A_40 = vector.load %arg12[%get3A_38, %get3A_39] : memref<1x128xf32, #tpu.memory_space<vmem>>, vector<1x128xf32>
      %reduce_sum3A = arith.constant dense<0.000000e+00> : vector<128xf32>
      %reduce_sum3A_41 = vector.multi_reduction <add>, %add3A_34, %reduce_sum3A [0] : vector<2000x128xf32> to vector<128xf32>
      %broadcast_in_dim3A = vector.shape_cast %reduce_sum3A_41 : vector<128xf32> to vector<1x128xf32>
      %add3A_42 = arith.addf %get3A_40, %broadcast_in_dim3A : vector<1x128xf32>
      %swap3A_43 = arith.constant 0 : index
      %swap3A_44 = arith.constant 0 : index
      %swap3A_45 = vector.load %arg12[%swap3A_43, %swap3A_44] : memref<1x128xf32, #tpu.memory_space<vmem>>, vector<1x128xf32>
      tpu.vector_store %arg12[%swap3A_43, %swap3A_44], %add3A_42 {strides = array<i32>} : memref<1x128xf32, #tpu.memory_space<vmem>>, vector<1x128xf32>,
      %get3A_46 = arith.constant 0 : index
      %get3A_47 = arith.constant 0 : index
      %get3A_48 = vector.load %arg13[%get3A_46, %get3A_47] : memref<1x128xf32, #tpu.memory_space<vmem>>, vector<1x128xf32>
      %mul3A_49 = arith.mulf %add3A_34, %add3A_34 : vector<2000x128xf32>
      %reduce_sum3A_50 = arith.constant dense<0.000000e+00> : vector<128xf32>
      %reduce_sum3A_51 = vector.multi_reduction <add>, %mul3A_49, %reduce_sum3A_50 [0] : vector<2000x128xf32> to vector<128xf32>
      %broadcast_in_dim3A_52 = vector.shape_cast %reduce_sum3A_51 : vector<128xf32> to vector<1x128xf32>
      %add3A_53 = arith.addf %get3A_48, %broadcast_in_dim3A_52 : vector<1x128xf32>
      %swap3A_54 = arith.constant 0 : index
      %swap3A_55 = arith.constant 0 : index
      %swap3A_56 = vector.load %arg13[%swap3A_54, %swap3A_55] : memref<1x128xf32, #tpu.memory_space<vmem>>, vector<1x128xf32>
      tpu.vector_store %arg13[%swap3A_54, %swap3A_55], %add3A_53 {strides = array<i32>} : memref<1x128xf32, #tpu.memory_space<vmem>>, vector<1x128xf32>,
    } else {
    }
    %ge3A = arith.constant 5 : i32
    %ge3A_6 = arith.cmpi sge, %arg0, %ge3A : i32
    %lt3A_7 = arith.constant 10 : i32
    %lt3A_8 = arith.cmpi slt, %arg0, %lt3A_7 : i32
    %and3A = arith.andi %ge3A_6, %lt3A_8 : i1
    %convert_element_type3A_9 = arith.extui %and3A : i1 to i32
    %cond3A_10 = arith.constant 0 : i32
    %cond3A_11 = arith.cmpi ne, %convert_element_type3A_9, %cond3A_10 : i32
    scf.if %cond3A_11 {
      %sub3A = arith.constant 5 : i32
      %sub3A_17 = arith.subi %arg0, %sub3A : i32
      %mul3A = arith.constant 2000 : i32
      %mul3A_18 = arith.muli %sub3A_17, %mul3A : i32
      %get3A = arith.index_cast %mul3A_18 : i32 to index
      %get3A_19 = arith.constant 0 : index
      %get3A_20 = vector.load %arg11[%get3A, %get3A_19] : memref<10000x128xf32, #tpu.memory_space<vmem>>, vector<2000x128xf32>
      %get3A_21 = arith.constant 0 : index
      %get3A_22 = arith.constant 0 : index
      %get3A_23 = vector.load %arg12[%get3A_21, %get3A_22] : memref<1x128xf32, #tpu.memory_space<vmem>>, vector<1x128xf32>
      %mul3A_24 = arith.constant 9.99999974E-5 : f32
      %mul3A_25 = vector.broadcast %mul3A_24 : f32 to vector<1x128xf32>
      %mul3A_26 = arith.mulf %get3A_23, %mul3A_25 : vector<1x128xf32>
      %get3A_27 = arith.constant 0 : index
      %get3A_28 = arith.constant 0 : index
      %get3A_29 = vector.load %arg13[%get3A_27, %get3A_28] : memref<1x128xf32, #tpu.memory_space<vmem>>, vector<1x128xf32>
      %mul3A_30 = arith.constant 9.99999974E-5 : f32
      %mul3A_31 = vector.broadcast %mul3A_30 : f32 to vector<1x128xf32>
      %mul3A_32 = arith.mulf %get3A_29, %mul3A_31 : vector<1x128xf32>
      %mul3A_33 = arith.mulf %mul3A_26, %mul3A_26 : vector<1x128xf32>
      %sub3A_34 = arith.subf %mul3A_32, %mul3A_33 : vector<1x128xf32>
      %sub3A_35 = vector.broadcast %mul3A_26 : vector<1x128xf32> to vector<2000x128xf32>
      %sub3A_36 = arith.subf %get3A_20, %sub3A_35 : vector<2000x128xf32>
      %get3A_37 = arith.constant 0 : index
      %get3A_38 = arith.constant 0 : index
      %get3A_39 = vector.load %arg4[%get3A_37, %get3A_38] : memref<1x128xf32, #tpu.memory_space<vmem>>, vector<1x128xf32>
      %add3A = arith.constant 9.99999974E-6 : f32
      %add3A_40 = vector.broadcast %add3A : f32 to vector<1x128xf32>
      %add3A_41 = arith.addf %sub3A_34, %add3A_40 : vector<1x128xf32>
      %rsqrt3A = math.rsqrt %add3A_41 : vector<1x128xf32>
      %mul3A_42 = arith.mulf %get3A_39, %rsqrt3A : vector<1x128xf32>
      %mul3A_43 = vector.broadcast %mul3A_42 : vector<1x128xf32> to vector<2000x128xf32>
      %mul3A_44 = arith.mulf %sub3A_36, %mul3A_43 : vector<2000x128xf32>
      %get3A_45 = arith.constant 0 : index
      %get3A_46 = arith.constant 0 : index
      %get3A_47 = vector.load %arg5[%get3A_45, %get3A_46] : memref<1x128xf32, #tpu.memory_space<vmem>>, vector<1x128xf32>
      %add3A_48 = vector.broadcast %get3A_47 : vector<1x128xf32> to vector<2000x128xf32>
      %add3A_49 = arith.addf %mul3A_44, %add3A_48 : vector<2000x128xf32>
      %max3A = arith.constant 0.000000e+00 : f32
      %max3A_50 = vector.broadcast %max3A : f32 to vector<2000x128xf32>
      %max3A_51 = arith.maximumf %add3A_49, %max3A_50 : vector<2000x128xf32>
      %get3A_52 = arith.constant 0 : index
      %get3A_53 = arith.constant 0 : index
      %get3A_54 = vector.load %arg6[%get3A_52, %get3A_53] : memref<128x128xf32, #tpu.memory_space<vmem>>, vector<128x128xf32>
      %dot_general3A = arith.constant dense<0.000000e+00> : vector<2000x128xf32>
      %dot_general3A_55 = tpu.matmul %max3A_51, %get3A_54, %dot_general3A {dimension_numbers = #tpu.dot_dimension_numbers<[1], [0], [0], [1], [0, 0, 1, 1], [], []>, transpose_lhs_hint = false} : vector<2000x128xf32>, vector<128x128xf32>, vector<2000x128xf32> -> vector<2000x128xf32>
      %get3A_56 = arith.constant 0 : index
      %get3A_57 = arith.constant 0 : index
      %get3A_58 = vector.load %arg7[%get3A_56, %get3A_57] : memref<1x128xf32, #tpu.memory_space<vmem>>, vector<1x128xf32>
      %add3A_59 = vector.broadcast %get3A_58 : vector<1x128xf32> to vector<2000x128xf32>
      %add3A_60 = arith.addf %dot_general3A_55, %add3A_59 : vector<2000x128xf32>
      %mul3A_61 = arith.constant 2000 : i32
      %mul3A_62 = arith.muli %sub3A_17, %mul3A_61 : i32
      %swap3A = arith.index_cast %mul3A_62 : i32 to index
      %swap3A_63 = arith.constant 0 : index
      %swap3A_64 = vector.load %arg11[%swap3A, %swap3A_63] : memref<10000x128xf32, #tpu.memory_space<vmem>>, vector<2000x128xf32>
      tpu.vector_store %arg11[%swap3A, %swap3A_63], %add3A_60 {strides = array<i32>} : memref<10000x128xf32, #tpu.memory_space<vmem>>, vector<2000x128xf32>,
      %get3A_65 = arith.constant 0 : index
      %get3A_66 = arith.constant 0 : index
      %get3A_67 = vector.load %arg14[%get3A_65, %get3A_66] : memref<1x128xf32, #tpu.memory_space<vmem>>, vector<1x128xf32>
      %reduce_sum3A = arith.constant dense<0.000000e+00> : vector<128xf32>
      %reduce_sum3A_68 = vector.multi_reduction <add>, %add3A_60, %reduce_sum3A [0] : vector<2000x128xf32> to vector<128xf32>
      %broadcast_in_dim3A = vector.shape_cast %reduce_sum3A_68 : vector<128xf32> to vector<1x128xf32>
      %add3A_69 = arith.addf %get3A_67, %broadcast_in_dim3A : vector<1x128xf32>
      %swap3A_70 = arith.constant 0 : index
      %swap3A_71 = arith.constant 0 : index
      %swap3A_72 = vector.load %arg14[%swap3A_70, %swap3A_71] : memref<1x128xf32, #tpu.memory_space<vmem>>, vector<1x128xf32>
      tpu.vector_store %arg14[%swap3A_70, %swap3A_71], %add3A_69 {strides = array<i32>} : memref<1x128xf32, #tpu.memory_space<vmem>>, vector<1x128xf32>,
      %get3A_73 = arith.constant 0 : index
      %get3A_74 = arith.constant 0 : index
      %get3A_75 = vector.load %arg15[%get3A_73, %get3A_74] : memref<1x128xf32, #tpu.memory_space<vmem>>, vector<1x128xf32>
      %mul3A_76 = arith.mulf %add3A_60, %add3A_60 : vector<2000x128xf32>
      %reduce_sum3A_77 = arith.constant dense<0.000000e+00> : vector<128xf32>
      %reduce_sum3A_78 = vector.multi_reduction <add>, %mul3A_76, %reduce_sum3A_77 [0] : vector<2000x128xf32> to vector<128xf32>
      %broadcast_in_dim3A_79 = vector.shape_cast %reduce_sum3A_78 : vector<128xf32> to vector<1x128xf32>
      %add3A_80 = arith.addf %get3A_75, %broadcast_in_dim3A_79 : vector<1x128xf32>
      %swap3A_81 = arith.constant 0 : index
      %swap3A_82 = arith.constant 0 : index
      %swap3A_83 = vector.load %arg15[%swap3A_81, %swap3A_82] : memref<1x128xf32, #tpu.memory_space<vmem>>, vector<1x128xf32>
      tpu.vector_store %arg15[%swap3A_81, %swap3A_82], %add3A_80 {strides = array<i32>} : memref<1x128xf32, #tpu.memory_space<vmem>>, vector<1x128xf32>,
    } else {
    }
    %ge3A_12 = arith.constant 10 : i32
    %ge3A_13 = arith.cmpi sge, %arg0, %ge3A_12 : i32
    %convert_element_type3A_14 = arith.extui %ge3A_13 : i1 to i32
    %cond3A_15 = arith.constant 0 : i32
    %cond3A_16 = arith.cmpi ne, %convert_element_type3A_14, %cond3A_15 : i32
    scf.if %cond3A_16 {
      %sub3A = arith.constant 10 : i32
      %sub3A_17 = arith.subi %arg0, %sub3A : i32
      %mul3A = arith.constant 2000 : i32
      %mul3A_18 = arith.muli %sub3A_17, %mul3A : i32
      %get3A = arith.index_cast %mul3A_18 : i32 to index
      %get3A_19 = arith.constant 0 : index
      %get3A_20 = vector.load %arg11[%get3A, %get3A_19] : memref<10000x128xf32, #tpu.memory_space<vmem>>, vector<2000x128xf32>
      %get3A_21 = arith.constant 0 : index
      %get3A_22 = arith.constant 0 : index
      %get3A_23 = vector.load %arg14[%get3A_21, %get3A_22] : memref<1x128xf32, #tpu.memory_space<vmem>>, vector<1x128xf32>
      %mul3A_24 = arith.constant 9.99999974E-5 : f32
      %mul3A_25 = vector.broadcast %mul3A_24 : f32 to vector<1x128xf32>
      %mul3A_26 = arith.mulf %get3A_23, %mul3A_25 : vector<1x128xf32>
      %get3A_27 = arith.constant 0 : index
      %get3A_28 = arith.constant 0 : index
      %get3A_29 = vector.load %arg15[%get3A_27, %get3A_28] : memref<1x128xf32, #tpu.memory_space<vmem>>, vector<1x128xf32>
      %mul3A_30 = arith.constant 9.99999974E-5 : f32
      %mul3A_31 = vector.broadcast %mul3A_30 : f32 to vector<1x128xf32>
      %mul3A_32 = arith.mulf %get3A_29, %mul3A_31 : vector<1x128xf32>
      %mul3A_33 = arith.mulf %mul3A_26, %mul3A_26 : vector<1x128xf32>
      %sub3A_34 = arith.subf %mul3A_32, %mul3A_33 : vector<1x128xf32>
      %sub3A_35 = vector.broadcast %mul3A_26 : vector<1x128xf32> to vector<2000x128xf32>
      %sub3A_36 = arith.subf %get3A_20, %sub3A_35 : vector<2000x128xf32>
      %get3A_37 = arith.constant 0 : index
      %get3A_38 = arith.constant 0 : index
      %get3A_39 = vector.load %arg8[%get3A_37, %get3A_38] : memref<1x128xf32, #tpu.memory_space<vmem>>, vector<1x128xf32>
      %add3A = arith.constant 9.99999974E-6 : f32
      %add3A_40 = vector.broadcast %add3A : f32 to vector<1x128xf32>
      %add3A_41 = arith.addf %sub3A_34, %add3A_40 : vector<1x128xf32>
      %rsqrt3A = math.rsqrt %add3A_41 : vector<1x128xf32>
      %mul3A_42 = arith.mulf %get3A_39, %rsqrt3A : vector<1x128xf32>
      %mul3A_43 = vector.broadcast %mul3A_42 : vector<1x128xf32> to vector<2000x128xf32>
      %mul3A_44 = arith.mulf %sub3A_36, %mul3A_43 : vector<2000x128xf32>
      %get3A_45 = arith.constant 0 : index
      %get3A_46 = arith.constant 0 : index
      %get3A_47 = vector.load %arg9[%get3A_45, %get3A_46] : memref<1x128xf32, #tpu.memory_space<vmem>>, vector<1x128xf32>
      %add3A_48 = vector.broadcast %get3A_47 : vector<1x128xf32> to vector<2000x128xf32>
      %add3A_49 = arith.addf %mul3A_44, %add3A_48 : vector<2000x128xf32>
      %max3A = arith.constant 0.000000e+00 : f32
      %max3A_50 = vector.broadcast %max3A : f32 to vector<2000x128xf32>
      %max3A_51 = arith.maximumf %add3A_49, %max3A_50 : vector<2000x128xf32>
      %swap3A = arith.constant 0 : index
      %swap3A_52 = arith.constant 0 : index
      %swap3A_53 = vector.load %arg10[%swap3A, %swap3A_52] : memref<2000x128xf32, #tpu.memory_space<vmem>>, vector<2000x128xf32>
      tpu.vector_store %arg10[%swap3A, %swap3A_52], %max3A_51 {strides = array<i32>} : memref<2000x128xf32, #tpu.memory_space<vmem>>, vector<2000x128xf32>,
    } else {
    }
    return
  }
  func.func @transform_0(%arg0: i32) -> (i32, i32, i32) {
    %min3A = arith.constant 4 : i32
    %min3A_0 = arith.minsi %arg0, %min3A : i32
    %c0_i32 = arith.constant 0 : i32
    %c0_i32_1 = arith.constant 0 : i32
    %c0_i32_2 = arith.constant 0 : i32
    return %c0_i32, %min3A_0, %c0_i32_1 : i32, i32, i32
  }
  func.func @transform_1(%arg0: i32) -> (i32, i32) {
    %c0_i32 = arith.constant 0 : i32
    %c0_i32_0 = arith.constant 0 : i32
    %c0_i32_1 = arith.constant 0 : i32
    return %c0_i32, %c0_i32_0 : i32, i32
  }
  func.func @transform_2(%arg0: i32) -> (i32, i32) {
    %c0_i32 = arith.constant 0 : i32
    %c0_i32_0 = arith.constant 0 : i32
    %c0_i32_1 = arith.constant 0 : i32
    return %c0_i32, %c0_i32_0 : i32, i32
  }
  func.func @transform_3(%arg0: i32) -> (i32, i32) {
    %c0_i32 = arith.constant 0 : i32
    %c0_i32_0 = arith.constant 0 : i32
    %c0_i32_1 = arith.constant 0 : i32
    return %c0_i32, %c0_i32_0 : i32, i32
  }
  func.func @transform_4(%arg0: i32) -> (i32, i32) {
    %c0_i32 = arith.constant 0 : i32
    %c0_i32_0 = arith.constant 0 : i32
    %c0_i32_1 = arith.constant 0 : i32
    return %c0_i32, %c0_i32_0 : i32, i32
  }
  func.func @transform_5(%arg0: i32) -> (i32, i32) {
    %c0_i32 = arith.constant 0 : i32
    %c0_i32_0 = arith.constant 0 : i32
    %c0_i32_1 = arith.constant 0 : i32
    return %c0_i32, %c0_i32_0 : i32, i32
  }
  func.func @transform_6(%arg0: i32) -> (i32, i32) {
    %c0_i32 = arith.constant 0 : i32
    %c0_i32_0 = arith.constant 0 : i32
    %c0_i32_1 = arith.constant 0 : i32
    return %c0_i32, %c0_i32_0 : i32, i32
  }
  func.func @transform_7(%arg0: i32) -> (i32, i32) {
    %c0_i32 = arith.constant 0 : i32
    %c0_i32_0 = arith.constant 0 : i32
    %c0_i32_1 = arith.constant 0 : i32
    return %c0_i32, %c0_i32_0 : i32, i32
  }
  func.func @transform_8(%arg0: i32) -> (i32, i32) {
    %c0_i32 = arith.constant 0 : i32
    %c0_i32_0 = arith.constant 0 : i32
    %c0_i32_1 = arith.constant 0 : i32
    return %c0_i32, %c0_i32_0 : i32, i32
  }
  func.func @transform_9(%arg0: i32) -> (i32, i32) {
    %sub3A = arith.constant 10 : i32
    %sub3A_0 = arith.subi %arg0, %sub3A : i32
    %max3A = arith.constant 0 : i32
    %max3A_1 = arith.maxsi %sub3A_0, %max3A : i32
    %c0_i32 = arith.constant 0 : i32
    %c0_i32_2 = arith.constant 0 : i32
    return %max3A_1, %c0_i32 : i32, i32
  }
}

</mosaic_0001>

<sc_bundles>
// kernel: kernel.11.cloned.1.call-start
scs
__scs_entry_jumppad:
0x0: {  	(pc) =	sbr.rel $0x88, $3  }
0x1: {  	(tag) =	ssettag $0x0;
	lr =	simm.s32 $0x1  }
0x2: {  	[smem:$0x3F89] =	sst lr;
	_ =	strace $0xD0000000  }
0x3: {  	_ = 	snop  }
0x4: {  	_ = 	snop  }
0x5: {  	_ = 	snop  }
0x6: {  	_ = 	snop  }
0x7: {  	_ = 	snop  }
__scs_overlays_trampoline_lowered:
0x8: {  	[smem:$0x3F98] =	sst s0  }
0x9: {  	[smem:$0x3F99] =	sst s1  }
0xa: {  	[smem:$0x3F9A] =	sst s2  }
0xb: {  	[smem:$0x3F9B] =	sst s3  }
0xc: {  	[smem:$0x3F9C] =	sst s4  }
0xd: {  	[smem:$0x3F9D] =	sst s5  }
0xe: {  	[smem:$0x3F9E] =	sst s6  }
0xf: {  	[smem:$0x3F9F] =	sst s7  }
0x10: {  	[smem:$0x3FA0] =	sst s8  }
0x11: {  	[smem:$0x3FA1] =	sst s9;
	s0 =	simm.s32 @!p0 $0x0  }
0x12: {  	s1 =	sld [smem:$0x3F87];
	s0 =	simm.s32 @p0 $0x1  }
0x13: {  	[smem:$0x3FA2] =	sst s0;
	s0 =	simm.s32 @!p1 $0x0  }
0x14: {  	s2 =	sld [smem:$0x3F86];
	s0 =	simm.s32 @p1 $0x1  }
0x15: {  	[smem:$0x3FA3] =	sst s0;
	s0 =	simm.s32 @!p2 $0x0  }
0x16: {  	s3 =	sld [smem:$0x3FDB];
	s0 =	simm.s32 @p2 $0x1  }
0x17: {  	s4 =	simm.s32 $0x1BF5;
	[smem:$0x3FA5] =	sst s0  }
0x18: {  	s0 =	sld [smem:$0x3F88];
	_ =	swait.ge [sflag:s4], $0x0  }
0x19: {  	s7 =	sld [smem:$0x3F89]  }
0x1a: {  	s8 =	sadd.s32 $0xFFFFE003, lr  }
0x1b: {  	s9 =	sadd.s32 $0xFFFFFEF7, lr;
	s5 =	simm.s32 $0xFFFFFFFF;
	p2 =	slt.u32 s8, $0xFFFFF086  }
0x1c: {  	p1 =	slt.u32 s9, $0xF7A;
	s5 =	simm.s32 @!p2 $0x0  }
0x1d: {  	s5 =	simm.s32 @p1 $0x1;
	p0 =	seq.s32 s7, s2  }
0x1e: {  	s7 =	smul.u32 @!p0 $0xF7A, s2;
	p2 =	seq.s32 @!p0 s5, $0x0  }
0x1f: {  	s9 =	smul.u32 $0xF7A, s1;
	s8 =	simm.s32 @!p0 $0x1BF5;
	p2 =	por !p2, p0  }
0x20: {  	[sflag:s8] =	ssyncset.s32 @!p0 $0xFFFFF086;
	s6 =	sadd.s32 @!p0 s3, s7;
	s7 =	simm.s32 @!p0 $0x108  }
0x21: {  	s3 =	sadd.s32 s3, s9;
	s6 =	sadd.s32 @!p0 $0x88, s6;
	s7 =	simm.s32 @p2 $0x1082  }
0x22: {  	[simem:s7], [sflag:s8] =	dma.local @!p0 [hbm:s6], $0xF7A  }
0x23: {  	s9 =	sor.u32 $0xD0000000, s2;
	s6 =	simm.s32 $0x108;
	_ =	swait.ge @!p0 [sflag:s8], $0x0  }
0x24: {  	s3 =	sadd.s32 $0x88, s3;
	s6 =	simm.s32 @!p1 $0x1082;
	[sflag:s4] =	ssyncset.s32 $0xFFFFF086  }
0x25: {  	[simem:s6], [sflag:s4] =	dma.local [hbm:s3], $0xF7A  }
0x26: {  	[smem:$0x3F89] =	sst s1;
	(tag) =	ssettag s2;
	_ =	strace s9  }
0x27: {  	s1 =	sld [smem:$0x3F99]  }
0x28: {  	s2 =	sld [smem:$0x3F9A]  }
0x29: {  	s4 =	sld [smem:$0x3F9C]  }
0x2a: {  	p0 =	seq.s32 s5, $0x0;
	s5 =	sld [smem:$0x3F9D]  }
0x2b: {  	s6 =	sld [smem:$0x3F9E]  }
0x2c: {  	s7 =	sld [smem:$0x3F9F]  }
0x2d: {  	s3 =	simm.s32 $0x108;
	s8 =	sld [smem:$0x3FA0]  }
0x2e: {  	s3 =	simm.s32 @!p0 $0x1082;
	s9 =	sld [smem:$0x3FA1]  }
0x2f: {  	lr =	sadd.s32 s0, s3;
	s0 =	sld [smem:$0x3F98]  }
0x30: {  	s3 =	sld [smem:$0x3F9B]  }
0x31: {  	[smem:$0x3FA4] =	sst s10  }
0x32: {  	s10 =	sld [smem:$0x3FA2];
	_ =	sdelay $0x3  }
0x33: {  	p0 =	seq.s32 s10, $0x1;
	s10 =	sld [smem:$0x3FA4];
	_ =	sdelay $0x3  }
0x34: {  	[smem:$0x3FA4] =	sst s10  }
0x35: {  	s10 =	sld [smem:$0x3FA3];
	_ =	sdelay $0x3  }
0x36: {  	p1 =	seq.s32 s10, $0x1;
	s10 =	sld [smem:$0x3FA4];
	_ =	sdelay $0x3  }
0x37: {  	[smem:$0x3FA4] =	sst s10  }
0x38: {  	s10 =	sld [smem:$0x3FA5]  }
0x39: {  	_ = 	snop;
	(pc) =	sbr.ind lr, $3  }
0x3a: {  	_ = 	snop  }
0x3b: {  	_ = 	snop  }
0x3c: {  	p2 =	seq.s32 s10, $0x1;
	s10 =	sld [smem:$0x3FA4]  }
0x3d: {  	_ =	shalt  }
0x3e: {  	_ =	shalt  }
0x3f: {  	_ =	shalt  }
0x40: {  	_ =	shalt  }
0x41: {  	_ =	shalt  }
0x42: {  	_ =	shalt  }
0x43: {  	_ =	shalt  }
0x44: {  	_ =	shalt  }
0x45: {  	_ =	shalt  }
0x46: {  	_ =	shalt  }
0x47: {  	_ =	shalt  }
0x48: {  	_ =	shalt  }
0x49: {  	_ =	shalt  }
0x4a: {  	_ =	shalt  }
0x4b: {  	_ =	shalt  }
0x4c: {  	_ =	shalt  }
0x4d: {  	_ =	shalt  }
0x4e: {  	_ =	shalt  }
0x4f: {  	_ =	shalt  }
0x50: {  	_ =	shalt  }
0x51: {  	_ =	shalt  }
0x52: {  	_ =	shalt  }
0x53: {  	_ =	shalt  }
0x54: {  	_ =	shalt  }
0x55: {  	_ =	shalt  }
0x56: {  	_ =	shalt  }
0x57: {  	_ =	shalt  }
0x58: {  	_ =	shalt  }
0x59: {  	_ =	shalt  }
0x5a: {  	_ =	shalt  }
0x5b: {  	_ =	shalt  }
0x5c: {  	_ =	shalt  }
0x5d: {  	_ =	shalt  }
0x5e: {  	_ =	shalt  }
0x5f: {  	_ =	shalt  }
0x60: {  	_ =	shalt  }
0x61: {  	_ =	shalt  }
0x62: {  	_ =	shalt  }
0x63: {  	_ =	shalt  }
0x64: {  	_ =	shalt  }
0x65: {  	_ =	shalt  }
0x66: {  	_ =	shalt  }
0x67: {  	_ =	shalt  }
0x68: {  	_ =	shalt  }
0x69: {  	_ =	shalt  }
0x6a: {  	_ =	shalt  }
0x6b: {  	_ =	shalt  }
0x6c: {  	_ =	shalt  }
0x6d: {  	_ =	shalt  }
0x6e: {  	_ =	shalt  }
0x6f: {  	_ =	shalt  }
0x70: {  	_ =	shalt  }
0x71: {  	_ =	shalt  }
0x72: {  	_ =	shalt  }
0x73: {  	_ =	shalt  }
0x74: {  	_ =	shalt  }
0x75: {  	_ =	shalt  }
0x76: {  	_ =	shalt  }
0x77: {  	_ =	shalt  }
0x78: {  	_ =	shalt  }
0x79: {  	_ =	shalt  }
0x7a: {  	_ =	shalt  }
0x7b: {  	_ =	shalt  }
0x7c: {  	_ =	shalt  }
0x7d: {  	_ =	shalt  }
0x7e: {  	_ =	shalt  }
0x7f: {  	_ =	shalt  }
0x80: {  	_ =	shalt  }
0x81: {  	_ =	shalt  }
0x82: {  	_ =	shalt  }
0x83: {  	_ =	shalt  }
0x84: {  	_ =	shalt  }
0x85: {  	_ =	shalt  }
0x86: {  	_ =	shalt  }
0x87: {  	_ =	shalt  }
.Lfunc_end0:
.L_simem_size_0:
called_computation.1_lowered:
.L_overlay_start_0:
0x88: {  	s2 =	sld [smem:$0x3FD9]  }
0x89: {  	s3 =	sld [smem:$0x3FFE];
	_ =	sdelay $0x1  }
0x8a: {  	s1 =	srdreg.scid  }
0x8b: {  	s0 =	sand.u32 $0x1, s1  }
0x8c: {  	s17 =	sshll.u32 s0, $0xA;
	s2 =	sadd.s32 s3, s2  }
0x8d: {  	s2 =	sadd.s32 s2, s17  }
0x8e: {  	[smem:$0x3FB0] =	sst s2  }
0x8f: {  	_ = 	snop  }
0x90: {  	s2 =	sld [smem:$0x3FD0];
	(tm) =	ssettm $0x1  }
0x91: {  	s18 =	sld [smem:$0x3FFB];
	_ =	sdelay $0x3  }
0x92: {  	_ =	strace s18  }
0x93: {  	s3 =	sld [smem:$0x3FFC];
	_ =	sdelay $0x3  }
0x94: {  	_ =	strace s3  }
0x95: {  	s3 =	sld [smem:$0x3FFD];
	_ =	sdelay $0x3  }
0x96: {  	_ =	strace s3  }
0x97: {  	_ =	strace $0x8FFFFFFF  }
0x98: {  	s19 =	sld [smem:$0x3FDB];
	_ =	sdelay $0x1  }
0x99: {  	s4 =	simm.s32 $_scs_section_size  }
0x9a: {  	s5 =	simm.s32 $_size__tile_overlayer_lowered;
	s6 =	simm.s32 $_tile_overlayer_lowered  }
0x9b: {  	s22 =	simm.s32 $0x1BFF;
	s21 =	sshll.u32 s6, $0x1;
	s3 =	sadd.s32 s4, s19  }
0x9c: {  	s7 =	simm.s32 $0x0;
	s20 =	sshll.u32 s5, $0x1;
	s5 =	sadd.s32 s21, s3  }
0x9d: {  	[timem:s7], [sflag:s22] =	dma.local [hbm:s5], s20  }
0x9e: {  	_ =	swait.ge [sflag:s22], s20  }
0x9f: {  	s4 =	ssub.s32 $0x0, s20;
	[sflag:s22] =	ssyncset.done $0x0  }
0xa0: {  	[sflag:s22] =	ssyncadd.s32 s4;
	_ =	sdelay $0x1  }
0xa1: {  	s23 =	simm.s32 $0x1B8B  }
0xa2: {  	_ =	swait.ge [sflag:s23], $0x1  }
0xa3: {  	[sflag:s23] =	ssyncset.done $0x0  }
0xa4: {  	s25 =	simm.s32 $0x1B8E;
	s24 =	sld [smem:$0x3FFE];
	[sflag:s23] =	ssyncadd.s32 $0xFFFFFFFF  }
0xa5: {  	s26 =	simm.s32 $execute0_lowered;
	[smem:$0x3FD2] =	sst s25  }
0xa6: {  	s5 =	sshll.u32 s26, $0x1;
	_ =	strace $0x80000049;
	[dreg:$0x1] =	wrdreg $0xFFFFFFFF  }
0xa7: {  	s28 =	simm.s32 $_size_execute0_lowered;
	s3 =	sadd.s32 s3, s5;
	[dreg:$0x0] =	wrdreg $0x0  }
0xa8: {  	s5 =	sshll.u32 s28, $0x1;
	[dreg:$0x2] =	wrdreg s3  }
0xa9: {  	[dreg:$0x3] =	wrdreg s5  }
0xaa: {  	[dreg:$0x4] =	wrdreg $0xC0  }
0xab: {  	_ =	task [dreg:s7], $0x5FFFF  }
0xac: {  	[dreg:$0x1] =	wrdreg $0xFFFFFFFF  }
0xad: {  	[dreg:$0x0] =	wrdreg $0x60  }
0xae: {  	[dreg:$0x2] =	wrdreg s24  }
0xaf: {  	[dreg:$0x3] =	wrdreg s2  }
0xb0: {  	[dreg:$0x4] =	wrdreg $0xC7000  }
0xb1: {  	[dreg:$0x5] =	wrdreg $0x9  }
0xb2: {  	_ =	task.clear_ibuf [dreg:s7], $0x6FFFF;
	_ =	strace $0x90000049  }
0xb3: {  	s29 =	simm.s32 $0x9;
	_ =	strace $0x8000004B  }
0xb4: {  	_ =	swait.ge [sflag:s29], $0x1  }
0xb5: {  	[sflag:s29] =	ssyncadd.s32 $0xFFFFFFFF  }
0xb6: {  	_ =	strace $0x9000004B  }
0xb7: {  	_ =	sfence  }
0xb8: {  	s30 =	sld [smem:$0x0];
	_ =	sdelay $0x2  }
0xb9: {  	s31 =	sshll.u32 s1, $0xD;
	s1 =	sshrl.u32 s1, $0x2  }
0xba: {  	s3 =	sand.u32 $0x4000, s31;
	s1 =	sadd.s32 s1, s30  }
0xbb: {  	s0 =	sor.u32 s3, s0;
	s1 =	sshll.u32 s1, $0x11  }
0xbc: {  	s0 =	sor.u32 s1, s0  }
0xbd: {  	s0 =	sadd.s32 $0x8F2B, s0  }
0xbe: {  	[sflag:s0] =	ssyncadd.remote.s32 $0x1  }
0xbf: {  	_ =	sfence.sel $0xFFFF  }
0xc0: {  	[dreg:$0x0] =	wrdreg $0xFFFFFFFF;
	(pc) =	sbr.abs _section_cstart, $3  }
0xc1: {  	[dreg:$0x1] =	wrdreg $0xFFFFFFFF  }
0xc2: {  	_ =	task.clear_ibuf [dreg:s7], $0x2FFFF;
	_ =	strace $0x9FFFFFFF  }
0xc3: {  	(tm) =	ssettm $0x7FFFFFFF  }
tec
execute0_lowered:
.L_overlay_start_1:
0x0: {  	(tag) =	ssettag $0x1  }
0x1: {  	s0 =	rddreg [dreg:$0x0]  }
0x2: {  	s1 =	srdreg.scid;
	s13 =	rddreg [dreg:$0x1]  }
0x3: {  	s2 =	rddreg [dreg:$0x2];
	s14 =	stileid.u32;
	s3 =	simm.s32 $0x0  }
0x4: {  	s16 =	simm.s32 $0x1;
	s17 =	simm.s32 $0x2;
	s18 =	simm.s32 $0x3  }
0x5: {  	s20 =	simm.s32 $0x78;
	s21 =	simm.s32 $0x4F00;
	s28 =	simm.s32 $0x4DF0  }
0x6: {  	s29 =	simm.s32 $0x28;
	s30 =	simm.s32 $0x26E8;
	s8 =	smul.u32 $0x4E000, s14  }
0x7: {  	s31 =	simm.s32 $0x4E68;
	s1 =	sand.u32 $0x1, s1;
	s24 =	smul.u32 $0x13800, s14  }
0x8: {  	[smem:$0x7FF] =	sst s3;
	s11 =	smul.u32 $0x2700, s14;
	s15 =	sadd.s32 $0x138000, s2  }
0x9: {  	s4 =	sshll.u32 s1, $0x4;
	_ =	strace $0x8000004A;
	s6 =	ssub.s32 $0x2, s1  }
0xa: {  	s10 =	smul.u32 $0x138800, s1;
	p0 =	seq.s32 s1, $0x0;
	s4 =	sor.u32 s14, s4  }
0xb: {  	s22 =	sshrl.u32 s6, $0x1;
	s23 =	sshrl.u32 s8, $0x2;
	s5 =	smul.u32 $0x4E2, s4  }
0xc: {  	s4 =	sadd.s32 $0x17600, s0;
	s9 =	ssub.s32 s6, s22;
	s1 =	sadd.s32 s23, s2  }
0xd: {  	s25 =	sadd.s32 s24, s10;
	s26 =	sshrl.u32 s10, $0x3;
	s22 =	simm.s32 $0x8B00  }
0xe: {  	s23 =	simm.s32 $0x4;
	s13 =	smov.u32 @p0 s4;
	s9 =	smax.u32 s9, $0x1  }
0xf: {  	p0 =	sne.s32 s14, $0xF;
	s7 =	sadd.s32 s5, s0;
	s0 =	sadd.s32 $0x3E800, s0  }
0x10: {  	s10 =	sadd.s32 s13, s11;
	s11 =	sshll.u32 s14, $0x6;
	s13 =	sadd.s32 $0x27000, s13  }
0x11: {  	s14 =	sshrl.u32 s1, $0x3;
	s19 =	sshrl.u32 @!p0 s15, $0x3;
	s5 =	sadd.s32 $0xD800, s7  }
0x12: {  	s6 =	sadd.s32 $0x3A00, s7;
	s7 =	sshrl.u32 s25, $0x3;
	s8 =	sadd.s32 s0, s26  }
0x13: {  	s12 =	sor.u32 $0x1C03, s11;
	s25 =	simm.s32 $0x2670;
	s26 =	simm.s32 $0x4D78  }
0x14: {  	s7 =	sadd.s32 s0, s7;
	s8 =	sadd.s32 $0x27000, s8;
	s0 =	simm.s32 $0x0  }
.LBB2_1:
0x15: {  	[spmem:s14], [sflag:s12] =	dma.local [hbm:s10], $0x2700  }
0x16: {  	[tilespmem:s3], [sflag:$0x1] =	stream.linear.gather [hbm4b:s5+s3], $0x2710, $0x38;
	[tilespmem:$0x1FF80] =	vst v63  }
0x17: {  	s1 =	simm.s32 $0x2780  }
0x18: {  	[tilespmem:s1], [sflag:$0x2] =	stream.linear.gather [hbm4b:s6+s3], $0x2710, $0x38;
	[tilespmem:$0x1FF80] =	vst v63  }
0x19: {  	_ =	swait.ge [sflag:s16], $0x2710  }
0x1a: {  	[sflag:s16] =	ssyncset.done $0x0  }
0x1b: {  	[sflag:s16] =	ssyncadd.s32 $0xFFFFD8F0  }
0x1c: {  	_ =	swait.ge [sflag:s17], $0x2710  }
0x1d: {  	[sflag:s17] =	ssyncset.done $0x0  }
0x1e: {  	[sflag:s17] =	ssyncadd.s32 $0xFFFFD8F0  }
0x1f: {  	_ =	swait.ge [sflag:s18], $0x2700  }
0x20: {  	[sflag:s18] =	ssyncset.done $0x0  }
0x21: {  	s1 =	simm.s32 @!p0 $0x1FC4;
	[sflag:s18] =	ssyncadd.s32 $0xFFFFD900  }
0x22: {  	[spmem:s19], [sflag:s1] =	dma.local @!p0 [hbm:s13], $0x100  }
0x23: {  	s1 =	simm.s32 @!p0 $0x4  }
0x24: {  	_ =	swait.ge @!p0 [sflag:s1], $0x100  }
0x25: {  	[sflag:s1] =	ssyncset.done @!p0 $0x0  }
0x26: {  	[sflag:s1] =	ssyncadd.s32 @!p0 $0xFFFFFF00  }
0x27: {  	[bflag:$0x0] =	sbarrier.arrive $0xFFFF  }
0x28: {  	[tilespmem:s21], [sflag:$0x1] =	stream.indirect.gather [hbm4b:s4+s20], $0x80, s3, s20, $0xb8;
	[tilespmem:$0x1FF80] =	vst v63  }
0x29: {  	_ = 	snop  }
0x2a: {  	[tilespmem:s22], [sflag:$0x2] =	stream.indirect.gather [hbm4b:s4+s20], $0x80, s20, s20, $0xb8;
	[tilespmem:$0x1FF80] =	vst v63  }
0x2b: {  	_ =	swait.ge [sflag:s16], $0x3C00  }
0x2c: {  	[sflag:s16] =	ssyncset.done $0x0  }
0x2d: {  	s24 =	simm.s32 $0x2780;
	[sflag:s16] =	ssyncadd.s32 $0xFFFFC400  }
0x2e: {  	[spmem:s2] =	stream.indirect.scatter.add.f32 [tilespmem:s21], [sflag:$0x4], $0x80, s24, s20, $0xb8;
	[tilespmem:$0x1FF80] =	vst v63  }
0x2f: {  	_ =	swait.ge [sflag:s23], $0x3C00  }
0x30: {  	[sflag:s23] =	ssyncset.done $0x0  }
0x31: {  	s15 =	simm.s32 $0xF0;
	[sflag:s23] =	ssyncadd.s32 $0xFFFFC400  }
0x32: {  	[tilespmem:s21], [sflag:$0x1] =	stream.indirect.gather [hbm4b:s4+s20], $0x80, s15, s20, $0xb8;
	[tilespmem:$0x1FF80] =	vst v63  }
0x33: {  	_ =	swait.ge [sflag:s17], $0x3C00  }
0x34: {  	[sflag:s17] =	ssyncset.done $0x0  }
0x35: {  	s24 =	simm.s32 $0x27F8;
	[sflag:s17] =	ssyncadd.s32 $0xFFFFC400  }
0x36: {  	[spmem:s2] =	stream.indirect.scatter.add.f32 [tilespmem:s22], [sflag:$0x4], $0x80, s24, s20, $0xb8;
	[tilespmem:$0x1FF80] =	vst v63  }
0x37: {  	_ =	swait.ge [sflag:s23], $0x3C00  }
0x38: {  	[sflag:s23] =	ssyncset.done $0x0  }
0x39: {  	s1 =	simm.s32 $0x3C0;
	s15 =	simm.s32 $0x168;
	[sflag:s23] =	ssyncadd.s32 $0xFFFFC400  }
.LBB2_2:
0x3a: {  	[tilespmem:s22], [sflag:$0x2] =	stream.indirect.gather [hbm4b:s4+s20], $0x80, s15, s20, $0xb8;
	[tilespmem:$0x1FF80] =	vst v63  }
0x3b: {  	s15 =	smov.u32 s1  }
0x3c: {  	p1 =	sne.s32 s1, $0x9240;
	s1 =	sadd.s32 $0x3C0, s1;
	_ =	swait.ge [sflag:s16], $0x3C00  }
0x3d: {  	s15 =	sshra.s32 s15, $0x2;
	[sflag:s16] =	ssyncset.done $0x0  }
0x3e: {  	s24 =	sadd.s32 $0x2780, s15;
	[sflag:s16] =	ssyncadd.s32 $0xFFFFC400  }
0x3f: {  	[spmem:s2] =	stream.indirect.scatter.add.f32 [tilespmem:s21], [sflag:$0x4], $0x80, s24, s20, $0xb8;
	[tilespmem:$0x1FF80] =	vst v63  }
0x40: {  	_ =	swait.ge [sflag:s23], $0x3C00  }
0x41: {  	[sflag:s23] =	ssyncset.done $0x0  }
0x42: {  	s24 =	sadd.s32 $0xF0, s15;
	[sflag:s23] =	ssyncadd.s32 $0xFFFFC400  }
0x43: {  	[tilespmem:s21], [sflag:$0x1] =	stream.indirect.gather [hbm4b:s4+s20], $0x80, s24, s20, $0xb8;
	[tilespmem:$0x1FF80] =	vst v63  }
0x44: {  	_ =	swait.ge [sflag:s17], $0x3C00  }
0x45: {  	[sflag:s17] =	ssyncset.done $0x0  }
.Ltmp0:
0x46: {  	s24 =	sadd.s32 $0x27F8, s15;
	[sflag:s17] =	ssyncadd.s32 $0xFFFFC400;
	(pc) =	sbr.rel @p1 .LBB2_2-.Ltmp0, $4  }
0x47: {  	[spmem:s2] =	stream.indirect.scatter.add.f32 [tilespmem:s22], [sflag:$0x4], $0x80, s24, s20, $0xb8;
	[tilespmem:$0x1FF80] =	vst v63  }
0x48: {  	_ =	swait.ge [sflag:s23], $0x3C00  }
0x49: {  	[sflag:s23] =	ssyncset.done $0x0  }
0x4a: {  	s15 =	sadd.s32 $0x168, s15;
	[sflag:s23] =	ssyncadd.s32 $0xFFFFC400  }
0x4b: {  	[tilespmem:s22], [sflag:$0x2] =	stream.indirect.gather [hbm4b:s4+s20], $0x80, s15, s20, $0xb8;
	[tilespmem:$0x1FF80] =	vst v63  }
0x4c: {  	_ =	swait.ge [sflag:s16], $0x3C00  }
0x4d: {  	[sflag:s16] =	ssyncset.done $0x0  }
0x4e: {  	s1 =	simm.s32 $0x4D00;
	[sflag:s16] =	ssyncadd.s32 $0xFFFFC400  }
0x4f: {  	[spmem:s2] =	stream.indirect.scatter.add.f32 [tilespmem:s21], [sflag:$0x4], $0x80, s1, s20, $0xb8;
	[tilespmem:$0x1FF80] =	vst v63  }
0x50: {  	_ =	swait.ge [sflag:s23], $0x3C00  }
0x51: {  	[sflag:s23] =	ssyncset.done $0x0  }
0x52: {  	[sflag:s23] =	ssyncadd.s32 $0xFFFFC400  }
0x53: {  	[tilespmem:s21], [sflag:$0x1] =	stream.indirect.gather [hbm4b:s4+s20], $0x80, s25, s20, $0xb8;
	[tilespmem:$0x1FF80] =	vst v63  }
0x54: {  	_ =	swait.ge [sflag:s17], $0x3C00  }
0x55: {  	[sflag:s17] =	ssyncset.done $0x0  }
0x56: {  	[sflag:s17] =	ssyncadd.s32 $0xFFFFC400  }
0x57: {  	[spmem:s2] =	stream.indirect.scatter.add.f32 [tilespmem:s22], [sflag:$0x4], $0x80, s26, s20, $0xb8;
	[tilespmem:$0x1FF80] =	vst v63  }
0x58: {  	_ =	swait.ge [sflag:s23], $0x3C00  }
0x59: {  	[sflag:s23] =	ssyncset.done $0x0  }
0x5a: {  	[sflag:s23] =	ssyncadd.s32 $0xFFFFC400  }
0x5b: {  	_ =	swait.ge [sflag:s16], $0x3C00  }
0x5c: {  	[sflag:s16] =	ssyncset.done $0x0  }
0x5d: {  	[sflag:s16] =	ssyncadd.s32 $0xFFFFC400  }
0x5e: {  	[spmem:s2] =	stream.indirect.scatter.add.f32 [tilespmem:s21], [sflag:$0x4], $0x80, s28, s20, $0xb8;
	[tilespmem:$0x1FF80] =	vst v63  }
0x5f: {  	_ =	swait.ge [sflag:s23], $0x3C00  }
0x60: {  	[sflag:s23] =	ssyncset.done $0x0  }
0x61: {  	[sflag:s23] =	ssyncadd.s32 $0xFFFFC400  }
0x62: {  	[tilespmem:s22], [sflag:$0x2] =	stream.indirect.gather [hbm4b:s4+s29], $0x80, s30, s29, $0xb8;
	[tilespmem:$0x1FF80] =	vst v63  }
0x63: {  	_ =	swait.ge [sflag:s17], $0x1400  }
0x64: {  	[sflag:s17] =	ssyncset.done $0x0  }
0x65: {  	[sflag:s17] =	ssyncadd.s32 $0xFFFFEC00  }
0x66: {  	[spmem:s2] =	stream.indirect.scatter.add.f32 [tilespmem:s22], [sflag:$0x4], $0x80, s31, s29, $0xb8;
	[tilespmem:$0x1FF80] =	vst v63  }
0x67: {  	_ =	swait.ge [sflag:s23], $0x1400  }
0x68: {  	[sflag:s23] =	ssyncset.done $0x0  }
0x69: {  	[sflag:s23] =	ssyncadd.s32 $0xFFFFEC00  }
0x6a: {  	s1 =	sor.u32 $0x1C04, s11;
	[bflag:$0x0] =	sbarrier.arrive $0xFFFF  }
0x6b: {  	[hbm:s7], [sflag:s1] =	dma.local [spmem:s14], $0x2700  }
0x6c: {  	_ =	swait.ge [sflag:s23], $0x2700  }
0x6d: {  	s0 =	sadd.s32 $0x1, s0;
	[sflag:s23] =	ssyncset.done $0x0  }
0x6e: {  	p1 =	sne.s32 s0, s9;
	[sflag:s23] =	ssyncadd.s32 $0xFFFFD900  }
0x6f: {  	[hbm:s8], [sflag:s1] =	dma.local @!p0 [spmem:s19], $0x100  }
.Ltmp1:
0x70: {  	_ = 	snop;
	(pc) =	sbr.rel @p1 .LBB2_1-.Ltmp1, $4  }
0x71: {  	s1 =	simm.s32 @!p0 $0x4  }
0x72: {  	_ =	swait.ge @!p0 [sflag:s1], $0x100  }
0x73: {  	[sflag:s1] =	ssyncset.done @!p0 $0x0  }
0x74: {  	[sflag:s1] =	ssyncadd.s32 @!p0 $0xFFFFFF00  }
0x75: {  	_ =	sfence.sel $0x180000  }
0x76: {  	[bflag:$0x0] =	sbarrier.arrive $0xFFFF  }
0x77: {  	_ =	strace $0x9000004A  }
0x78: {  	s0 =	stileid.u32;
	[bflag:$0x2] =	sbarrier.arrive $0xFFFF  }
0x79: {  	p0 =	sne.s32 s0, $0x0;
	s0 =	rddreg [dreg:$0x3]  }
0x7a: {  	s0 =	sadd.s32 @!p0 $0x100000, s0  }
0x7b: {  	[sflag:s0] =	ssyncadd.tile.s32 @!p0 $0x1;
	_ =	shalt  }
.Lfunc_end2:
_tile_overlayer_lowered:
.L_overlay_start_2:
0x7c: {  	(tag) =	ssettag $0x2  }
0x7d: {  	s0 =	rddreg [dreg:$0x0];
	s2 =	stileid.u32  }
0x7e: {  	s1 =	rddreg [dreg:$0x1];
	p0 =	sne.s32 s2, $0x0  }
0x7f: {  	s3 =	rddreg [dreg:$0x2];
	[bflag:$0x3] =	sbarrier.arrive $0xFFFF;
	s2 =	simm.s32 @!p0 $0x1C04  }
0x80: {  	[timem:s3], [sflag:s2] =	dma.local @!p0 [hbm:s0], s1  }
0x81: {  	s0 =	simm.s32 @!p0 $0x4  }
0x82: {  	_ =	swait.ge @!p0 [sflag:s0], s1  }
0x83: {  	s1 =	ssub.s32 @!p0 $0x0, s1;
	[sflag:s0] =	ssyncset.done @!p0 $0x0  }
0x84: {  	[sflag:s0] =	ssyncadd.s32 @!p0 s1  }
0x85: {  	[bflag:$0x3] =	sbarrier.arrive $0xFFFF  }
0x86: {  	_ =	shalt  }

// kernel: kernel.14.cloned.1.call-start
scs
__scs_entry_jumppad:
0x0: {  	(pc) =	sbr.rel $0x88, $3  }
0x1: {  	(tag) =	ssettag $0x0;
	lr =	simm.s32 $0x1  }
0x2: {  	[smem:$0x3F89] =	sst lr;
	_ =	strace $0xD0000000  }
0x3: {  	_ = 	snop  }
0x4: {  	_ = 	snop  }
0x5: {  	_ = 	snop  }
0x6: {  	_ = 	snop  }
0x7: {  	_ = 	snop  }
__scs_overlays_trampoline_lowered:
0x8: {  	[smem:$0x3F98] =	sst s0  }
0x9: {  	[smem:$0x3F99] =	sst s1  }
0xa: {  	[smem:$0x3F9A] =	sst s2  }
0xb: {  	[smem:$0x3F9B] =	sst s3  }
0xc: {  	[smem:$0x3F9C] =	sst s4  }
0xd: {  	[smem:$0x3F9D] =	sst s5  }
0xe: {  	[smem:$0x3F9E] =	sst s6  }
0xf: {  	[smem:$0x3F9F] =	sst s7  }
0x10: {  	[smem:$0x3FA0] =	sst s8  }
0x11: {  	[smem:$0x3FA1] =	sst s9;
	s0 =	simm.s32 @!p0 $0x0  }
0x12: {  	s1 =	sld [smem:$0x3F87];
	s0 =	simm.s32 @p0 $0x1  }
0x13: {  	[smem:$0x3FA2] =	sst s0;
	s0 =	simm.s32 @!p1 $0x0  }
0x14: {  	s2 =	sld [smem:$0x3F86];
	s0 =	simm.s32 @p1 $0x1  }
0x15: {  	[smem:$0x3FA3] =	sst s0;
	s0 =	simm.s32 @!p2 $0x0  }
0x16: {  	s3 =	sld [smem:$0x3FDB];
	s0 =	simm.s32 @p2 $0x1  }
0x17: {  	s4 =	simm.s32 $0x1BF5;
	[smem:$0x3FA5] =	sst s0  }
0x18: {  	s0 =	sld [smem:$0x3F88];
	_ =	swait.ge [sflag:s4], $0x0  }
0x19: {  	s7 =	sld [smem:$0x3F89]  }
0x1a: {  	s8 =	sadd.s32 $0xFFFFE003, lr  }
0x1b: {  	s9 =	sadd.s32 $0xFFFFFEF7, lr;
	s5 =	simm.s32 $0xFFFFFFFF;
	p2 =	slt.u32 s8, $0xFFFFF086  }
0x1c: {  	p1 =	slt.u32 s9, $0xF7A;
	s5 =	simm.s32 @!p2 $0x0  }
0x1d: {  	s5 =	simm.s32 @p1 $0x1;
	p0 =	seq.s32 s7, s2  }
0x1e: {  	s7 =	smul.u32 @!p0 $0xF7A, s2;
	p2 =	seq.s32 @!p0 s5, $0x0  }
0x1f: {  	s9 =	smul.u32 $0xF7A, s1;
	s8 =	simm.s32 @!p0 $0x1BF5;
	p2 =	por !p2, p0  }
0x20: {  	[sflag:s8] =	ssyncset.s32 @!p0 $0xFFFFF086;
	s6 =	sadd.s32 @!p0 s3, s7;
	s7 =	simm.s32 @!p0 $0x108  }
0x21: {  	s3 =	sadd.s32 s3, s9;
	s6 =	sadd.s32 @!p0 $0x88, s6;
	s7 =	simm.s32 @p2 $0x1082  }
0x22: {  	[simem:s7], [sflag:s8] =	dma.local @!p0 [hbm:s6], $0xF7A  }
0x23: {  	s9 =	sor.u32 $0xD0000000, s2;
	s6 =	simm.s32 $0x108;
	_ =	swait.ge @!p0 [sflag:s8], $0x0  }
0x24: {  	s3 =	sadd.s32 $0x88, s3;
	s6 =	simm.s32 @!p1 $0x1082;
	[sflag:s4] =	ssyncset.s32 $0xFFFFF086  }
0x25: {  	[simem:s6], [sflag:s4] =	dma.local [hbm:s3], $0xF7A  }
0x26: {  	[smem:$0x3F89] =	sst s1;
	(tag) =	ssettag s2;
	_ =	strace s9  }
0x27: {  	s1 =	sld [smem:$0x3F99]  }
0x28: {  	s2 =	sld [smem:$0x3F9A]  }
0x29: {  	s4 =	sld [smem:$0x3F9C]  }
0x2a: {  	p0 =	seq.s32 s5, $0x0;
	s5 =	sld [smem:$0x3F9D]  }
0x2b: {  	s6 =	sld [smem:$0x3F9E]  }
0x2c: {  	s7 =	sld [smem:$0x3F9F]  }
0x2d: {  	s3 =	simm.s32 $0x108;
	s8 =	sld [smem:$0x3FA0]  }
0x2e: {  	s3 =	simm.s32 @!p0 $0x1082;
	s9 =	sld [smem:$0x3FA1]  }
0x2f: {  	lr =	sadd.s32 s0, s3;
	s0 =	sld [smem:$0x3F98]  }
0x30: {  	s3 =	sld [smem:$0x3F9B]  }
0x31: {  	[smem:$0x3FA4] =	sst s10  }
0x32: {  	s10 =	sld [smem:$0x3FA2];
	_ =	sdelay $0x3  }
0x33: {  	p0 =	seq.s32 s10, $0x1;
	s10 =	sld [smem:$0x3FA4];
	_ =	sdelay $0x3  }
0x34: {  	[smem:$0x3FA4] =	sst s10  }
0x35: {  	s10 =	sld [smem:$0x3FA3];
	_ =	sdelay $0x3  }
0x36: {  	p1 =	seq.s32 s10, $0x1;
	s10 =	sld [smem:$0x3FA4];
	_ =	sdelay $0x3  }
0x37: {  	[smem:$0x3FA4] =	sst s10  }
0x38: {  	s10 =	sld [smem:$0x3FA5]  }
0x39: {  	_ = 	snop;
	(pc) =	sbr.ind lr, $3  }
0x3a: {  	_ = 	snop  }
0x3b: {  	_ = 	snop  }
0x3c: {  	p2 =	seq.s32 s10, $0x1;
	s10 =	sld [smem:$0x3FA4]  }
0x3d: {  	_ =	shalt  }
0x3e: {  	_ =	shalt  }
0x3f: {  	_ =	shalt  }
0x40: {  	_ =	shalt  }
0x41: {  	_ =	shalt  }
0x42: {  	_ =	shalt  }
0x43: {  	_ =	shalt  }
0x44: {  	_ =	shalt  }
0x45: {  	_ =	shalt  }
0x46: {  	_ =	shalt  }
0x47: {  	_ =	shalt  }
0x48: {  	_ =	shalt  }
0x49: {  	_ =	shalt  }
0x4a: {  	_ =	shalt  }
0x4b: {  	_ =	shalt  }
0x4c: {  	_ =	shalt  }
0x4d: {  	_ =	shalt  }
0x4e: {  	_ =	shalt  }
0x4f: {  	_ =	shalt  }
0x50: {  	_ =	shalt  }
0x51: {  	_ =	shalt  }
0x52: {  	_ =	shalt  }
0x53: {  	_ =	shalt  }
0x54: {  	_ =	shalt  }
0x55: {  	_ =	shalt  }
0x56: {  	_ =	shalt  }
0x57: {  	_ =	shalt  }
0x58: {  	_ =	shalt  }
0x59: {  	_ =	shalt  }
0x5a: {  	_ =	shalt  }
0x5b: {  	_ =	shalt  }
0x5c: {  	_ =	shalt  }
0x5d: {  	_ =	shalt  }
0x5e: {  	_ =	shalt  }
0x5f: {  	_ =	shalt  }
0x60: {  	_ =	shalt  }
0x61: {  	_ =	shalt  }
0x62: {  	_ =	shalt  }
0x63: {  	_ =	shalt  }
0x64: {  	_ =	shalt  }
0x65: {  	_ =	shalt  }
0x66: {  	_ =	shalt  }
0x67: {  	_ =	shalt  }
0x68: {  	_ =	shalt  }
0x69: {  	_ =	shalt  }
0x6a: {  	_ =	shalt  }
0x6b: {  	_ =	shalt  }
0x6c: {  	_ =	shalt  }
0x6d: {  	_ =	shalt  }
0x6e: {  	_ =	shalt  }
0x6f: {  	_ =	shalt  }
0x70: {  	_ =	shalt  }
0x71: {  	_ =	shalt  }
0x72: {  	_ =	shalt  }
0x73: {  	_ =	shalt  }
0x74: {  	_ =	shalt  }
0x75: {  	_ =	shalt  }
0x76: {  	_ =	shalt  }
0x77: {  	_ =	shalt  }
0x78: {  	_ =	shalt  }
0x79: {  	_ =	shalt  }
0x7a: {  	_ =	shalt  }
0x7b: {  	_ =	shalt  }
0x7c: {  	_ =	shalt  }
0x7d: {  	_ =	shalt  }
0x7e: {  	_ =	shalt  }
0x7f: {  	_ =	shalt  }
0x80: {  	_ =	shalt  }
0x81: {  	_ =	shalt  }
0x82: {  	_ =	shalt  }
0x83: {  	_ =	shalt  }
0x84: {  	_ =	shalt  }
0x85: {  	_ =	shalt  }
0x86: {  	_ =	shalt  }
0x87: {  	_ =	shalt  }
.Lfunc_end0:
.L_simem_size_0:
called_computation.2_lowered:
.L_overlay_start_0:
0x88: {  	s2 =	sld [smem:$0x3FD9]  }
0x89: {  	s3 =	sld [smem:$0x3FFE];
	_ =	sdelay $0x1  }
0x8a: {  	s1 =	srdreg.scid  }
0x8b: {  	s0 =	sand.u32 $0x1, s1  }
0x8c: {  	s17 =	sshll.u32 s0, $0xA;
	s2 =	sadd.s32 s3, s2  }
0x8d: {  	s2 =	sadd.s32 s2, s17  }
0x8e: {  	[smem:$0x3FB0] =	sst s2  }
0x8f: {  	_ = 	snop  }
0x90: {  	s2 =	sld [smem:$0x3FD0];
	(tm) =	ssettm $0x1  }
0x91: {  	s18 =	sld [smem:$0x3FFB];
	_ =	sdelay $0x3  }
0x92: {  	_ =	strace s18  }
0x93: {  	s3 =	sld [smem:$0x3FFC];
	_ =	sdelay $0x3  }
0x94: {  	_ =	strace s3  }
0x95: {  	s3 =	sld [smem:$0x3FFD];
	_ =	sdelay $0x3  }
0x96: {  	_ =	strace s3  }
0x97: {  	_ =	strace $0x8FFFFFFF  }
0x98: {  	s19 =	sld [smem:$0x3FDB];
	_ =	sdelay $0x1  }
0x99: {  	s4 =	simm.s32 $_scs_section_size  }
0x9a: {  	s5 =	simm.s32 $_size__tile_overlayer_lowered;
	s6 =	simm.s32 $_tile_overlayer_lowered  }
0x9b: {  	s22 =	simm.s32 $0x1BFF;
	s21 =	sshll.u32 s6, $0x1;
	s3 =	sadd.s32 s4, s19  }
0x9c: {  	s7 =	simm.s32 $0x0;
	s20 =	sshll.u32 s5, $0x1;
	s5 =	sadd.s32 s21, s3  }
0x9d: {  	[timem:s7], [sflag:s22] =	dma.local [hbm:s5], s20  }
0x9e: {  	_ =	swait.ge [sflag:s22], s20  }
0x9f: {  	s4 =	ssub.s32 $0x0, s20;
	[sflag:s22] =	ssyncset.done $0x0  }
0xa0: {  	[sflag:s22] =	ssyncadd.s32 s4;
	_ =	sdelay $0x1  }
0xa1: {  	s23 =	simm.s32 $0x1B8B  }
0xa2: {  	_ =	swait.ge [sflag:s23], $0x1  }
0xa3: {  	[sflag:s23] =	ssyncset.done $0x0  }
0xa4: {  	s25 =	simm.s32 $0x1B8E;
	s24 =	sld [smem:$0x3FFE];
	[sflag:s23] =	ssyncadd.s32 $0xFFFFFFFF  }
0xa5: {  	s26 =	simm.s32 $execute0_lowered;
	[smem:$0x3FD2] =	sst s25  }
0xa6: {  	s5 =	sshll.u32 s26, $0x1;
	_ =	strace $0x8000004C;
	[dreg:$0x1] =	wrdreg $0xFFFFFFFF  }
0xa7: {  	s28 =	simm.s32 $_size_execute0_lowered;
	s3 =	sadd.s32 s3, s5;
	[dreg:$0x0] =	wrdreg $0x0  }
0xa8: {  	s5 =	sshll.u32 s28, $0x1;
	[dreg:$0x2] =	wrdreg s3  }
0xa9: {  	[dreg:$0x3] =	wrdreg s5  }
0xaa: {  	[dreg:$0x4] =	wrdreg $0xC0  }
0xab: {  	_ =	task [dreg:s7], $0x5FFFF  }
0xac: {  	[dreg:$0x1] =	wrdreg $0xFFFFFFFF  }
0xad: {  	[dreg:$0x0] =	wrdreg $0x60  }
0xae: {  	[dreg:$0x2] =	wrdreg s24  }
0xaf: {  	[dreg:$0x3] =	wrdreg s2  }
0xb0: {  	[dreg:$0x4] =	wrdreg $0xC7000  }
0xb1: {  	[dreg:$0x5] =	wrdreg $0x9  }
0xb2: {  	_ =	task.clear_ibuf [dreg:s7], $0x6FFFF;
	_ =	strace $0x9000004C  }
0xb3: {  	s29 =	simm.s32 $0x9;
	_ =	strace $0x8000004E  }
0xb4: {  	_ =	swait.ge [sflag:s29], $0x1  }
0xb5: {  	[sflag:s29] =	ssyncadd.s32 $0xFFFFFFFF  }
0xb6: {  	_ =	strace $0x9000004E  }
0xb7: {  	_ =	sfence  }
0xb8: {  	s30 =	sld [smem:$0x0];
	_ =	sdelay $0x2  }
0xb9: {  	s31 =	sshll.u32 s1, $0xD;
	s1 =	sshrl.u32 s1, $0x2  }
0xba: {  	s3 =	sand.u32 $0x4000, s31;
	s1 =	sadd.s32 s1, s30  }
0xbb: {  	s0 =	sor.u32 s3, s0;
	s1 =	sshll.u32 s1, $0x11  }
0xbc: {  	s0 =	sor.u32 s1, s0  }
0xbd: {  	s0 =	sadd.s32 $0x8F2B, s0  }
0xbe: {  	[sflag:s0] =	ssyncadd.remote.s32 $0x1  }
0xbf: {  	_ =	sfence.sel $0xFFFF  }
0xc0: {  	[dreg:$0x0] =	wrdreg $0xFFFFFFFF;
	(pc) =	sbr.abs _section_cstart, $3  }
0xc1: {  	[dreg:$0x1] =	wrdreg $0xFFFFFFFF  }
0xc2: {  	_ =	task.clear_ibuf [dreg:s7], $0x2FFFF;
	_ =	strace $0x9FFFFFFF  }
0xc3: {  	(tm) =	ssettm $0x7FFFFFFF  }
tec
execute0_lowered:
.L_overlay_start_1:
0x0: {  	(tag) =	ssettag $0x1  }
0x1: {  	s0 =	rddreg [dreg:$0x0]  }
0x2: {  	s1 =	srdreg.scid;
	s13 =	rddreg [dreg:$0x1]  }
0x3: {  	s2 =	rddreg [dreg:$0x2];
	s14 =	stileid.u32;
	s3 =	simm.s32 $0x0  }
0x4: {  	s16 =	simm.s32 $0x1;
	s17 =	simm.s32 $0x2;
	s18 =	simm.s32 $0x3  }
0x5: {  	s20 =	simm.s32 $0x78;
	s21 =	simm.s32 $0x4F00;
	s28 =	simm.s32 $0x4DF0  }
0x6: {  	s29 =	simm.s32 $0x28;
	s30 =	simm.s32 $0x26E8;
	s8 =	smul.u32 $0x4E000, s14  }
0x7: {  	s31 =	simm.s32 $0x4E68;
	s1 =	sand.u32 $0x1, s1;
	s24 =	smul.u32 $0x13800, s14  }
0x8: {  	[smem:$0x7FF] =	sst s3;
	s11 =	smul.u32 $0x2700, s14;
	s15 =	sadd.s32 $0x138000, s2  }
0x9: {  	s4 =	sshll.u32 s1, $0x4;
	_ =	strace $0x8000004D;
	s6 =	ssub.s32 $0x2, s1  }
0xa: {  	s10 =	smul.u32 $0x138800, s1;
	p0 =	seq.s32 s1, $0x0;
	s4 =	sor.u32 s14, s4  }
0xb: {  	s22 =	sshrl.u32 s6, $0x1;
	s23 =	sshrl.u32 s8, $0x2;
	s5 =	smul.u32 $0x4E2, s4  }
0xc: {  	s4 =	sadd.s32 $0x17600, s0;
	s9 =	ssub.s32 s6, s22;
	s1 =	sadd.s32 s23, s2  }
0xd: {  	s25 =	sadd.s32 s24, s10;
	s26 =	sshrl.u32 s10, $0x3;
	s22 =	simm.s32 $0x8B00  }
0xe: {  	s23 =	simm.s32 $0x4;
	s13 =	smov.u32 @p0 s4;
	s9 =	smax.u32 s9, $0x1  }
0xf: {  	p0 =	sne.s32 s14, $0xF;
	s7 =	sadd.s32 s5, s0;
	s0 =	sadd.s32 $0x3E800, s0  }
0x10: {  	s10 =	sadd.s32 s13, s11;
	s11 =	sshll.u32 s14, $0x6;
	s13 =	sadd.s32 $0x27000, s13  }
0x11: {  	s14 =	sshrl.u32 s1, $0x3;
	s19 =	sshrl.u32 @!p0 s15, $0x3;
	s5 =	sadd.s32 $0xD800, s7  }
0x12: {  	s6 =	sadd.s32 $0x3A00, s7;
	s7 =	sshrl.u32 s25, $0x3;
	s8 =	sadd.s32 s0, s26  }
0x13: {  	s12 =	sor.u32 $0x1C03, s11;
	s25 =	simm.s32 $0x2670;
	s26 =	simm.s32 $0x4D78  }
0x14: {  	s7 =	sadd.s32 s0, s7;
	s8 =	sadd.s32 $0x27000, s8;
	s0 =	simm.s32 $0x0  }
.LBB2_1:
0x15: {  	[spmem:s14], [sflag:s12] =	dma.local [hbm:s10], $0x2700  }
0x16: {  	[tilespmem:s3], [sflag:$0x1] =	stream.linear.gather [hbm4b:s5+s3], $0x2710, $0x38;
	[tilespmem:$0x1FF80] =	vst v63  }
0x17: {  	s1 =	simm.s32 $0x2780  }
0x18: {  	[tilespmem:s1], [sflag:$0x2] =	stream.linear.gather [hbm4b:s6+s3], $0x2710, $0x38;
	[tilespmem:$0x1FF80] =	vst v63  }
0x19: {  	_ =	swait.ge [sflag:s16], $0x2710  }
0x1a: {  	[sflag:s16] =	ssyncset.done $0x0  }
0x1b: {  	[sflag:s16] =	ssyncadd.s32 $0xFFFFD8F0  }
0x1c: {  	_ =	swait.ge [sflag:s17], $0x2710  }
0x1d: {  	[sflag:s17] =	ssyncset.done $0x0  }
0x1e: {  	[sflag:s17] =	ssyncadd.s32 $0xFFFFD8F0  }
0x1f: {  	_ =	swait.ge [sflag:s18], $0x2700  }
0x20: {  	[sflag:s18] =	ssyncset.done $0x0  }
0x21: {  	s1 =	simm.s32 @!p0 $0x1FC4;
	[sflag:s18] =	ssyncadd.s32 $0xFFFFD900  }
0x22: {  	[spmem:s19], [sflag:s1] =	dma.local @!p0 [hbm:s13], $0x100  }
0x23: {  	s1 =	simm.s32 @!p0 $0x4  }
0x24: {  	_ =	swait.ge @!p0 [sflag:s1], $0x100  }
0x25: {  	[sflag:s1] =	ssyncset.done @!p0 $0x0  }
0x26: {  	[sflag:s1] =	ssyncadd.s32 @!p0 $0xFFFFFF00  }
0x27: {  	[bflag:$0x0] =	sbarrier.arrive $0xFFFF  }
0x28: {  	[tilespmem:s21], [sflag:$0x1] =	stream.indirect.gather [hbm4b:s4+s20], $0x80, s3, s20, $0xb8;
	[tilespmem:$0x1FF80] =	vst v63  }
0x29: {  	_ = 	snop  }
0x2a: {  	[tilespmem:s22], [sflag:$0x2] =	stream.indirect.gather [hbm4b:s4+s20], $0x80, s20, s20, $0xb8;
	[tilespmem:$0x1FF80] =	vst v63  }
0x2b: {  	_ =	swait.ge [sflag:s16], $0x3C00  }
0x2c: {  	[sflag:s16] =	ssyncset.done $0x0  }
0x2d: {  	s24 =	simm.s32 $0x2780;
	[sflag:s16] =	ssyncadd.s32 $0xFFFFC400  }
0x2e: {  	[spmem:s2] =	stream.indirect.scatter.add.f32 [tilespmem:s21], [sflag:$0x4], $0x80, s24, s20, $0xb8;
	[tilespmem:$0x1FF80] =	vst v63  }
0x2f: {  	_ =	swait.ge [sflag:s23], $0x3C00  }
0x30: {  	[sflag:s23] =	ssyncset.done $0x0  }
0x31: {  	s15 =	simm.s32 $0xF0;
	[sflag:s23] =	ssyncadd.s32 $0xFFFFC400  }
0x32: {  	[tilespmem:s21], [sflag:$0x1] =	stream.indirect.gather [hbm4b:s4+s20], $0x80, s15, s20, $0xb8;
	[tilespmem:$0x1FF80] =	vst v63  }
0x33: {  	_ =	swait.ge [sflag:s17], $0x3C00  }
0x34: {  	[sflag:s17] =	ssyncset.done $0x0  }
0x35: {  	s24 =	simm.s32 $0x27F8;
	[sflag:s17] =	ssyncadd.s32 $0xFFFFC400  }
0x36: {  	[spmem:s2] =	stream.indirect.scatter.add.f32 [tilespmem:s22], [sflag:$0x4], $0x80, s24, s20, $0xb8;
	[tilespmem:$0x1FF80] =	vst v63  }
0x37: {  	_ =	swait.ge [sflag:s23], $0x3C00  }
0x38: {  	[sflag:s23] =	ssyncset.done $0x0  }
0x39: {  	s1 =	simm.s32 $0x3C0;
	s15 =	simm.s32 $0x168;
	[sflag:s23] =	ssyncadd.s32 $0xFFFFC400  }
.LBB2_2:
0x3a: {  	[tilespmem:s22], [sflag:$0x2] =	stream.indirect.gather [hbm4b:s4+s20], $0x80, s15, s20, $0xb8;
	[tilespmem:$0x1FF80] =	vst v63  }
0x3b: {  	s15 =	smov.u32 s1  }
0x3c: {  	p1 =	sne.s32 s1, $0x9240;
	s1 =	sadd.s32 $0x3C0, s1;
	_ =	swait.ge [sflag:s16], $0x3C00  }
0x3d: {  	s15 =	sshra.s32 s15, $0x2;
	[sflag:s16] =	ssyncset.done $0x0  }
0x3e: {  	s24 =	sadd.s32 $0x2780, s15;
	[sflag:s16] =	ssyncadd.s32 $0xFFFFC400  }
0x3f: {  	[spmem:s2] =	stream.indirect.scatter.add.f32 [tilespmem:s21], [sflag:$0x4], $0x80, s24, s20, $0xb8;
	[tilespmem:$0x1FF80] =	vst v63  }
0x40: {  	_ =	swait.ge [sflag:s23], $0x3C00  }
0x41: {  	[sflag:s23] =	ssyncset.done $0x0  }
0x42: {  	s24 =	sadd.s32 $0xF0, s15;
	[sflag:s23] =	ssyncadd.s32 $0xFFFFC400  }
0x43: {  	[tilespmem:s21], [sflag:$0x1] =	stream.indirect.gather [hbm4b:s4+s20], $0x80, s24, s20, $0xb8;
	[tilespmem:$0x1FF80] =	vst v63  }
0x44: {  	_ =	swait.ge [sflag:s17], $0x3C00  }
0x45: {  	[sflag:s17] =	ssyncset.done $0x0  }
.Ltmp0:
0x46: {  	s24 =	sadd.s32 $0x27F8, s15;
	[sflag:s17] =	ssyncadd.s32 $0xFFFFC400;
	(pc) =	sbr.rel @p1 .LBB2_2-.Ltmp0, $4  }
0x47: {  	[spmem:s2] =	stream.indirect.scatter.add.f32 [tilespmem:s22], [sflag:$0x4], $0x80, s24, s20, $0xb8;
	[tilespmem:$0x1FF80] =	vst v63  }
0x48: {  	_ =	swait.ge [sflag:s23], $0x3C00  }
0x49: {  	[sflag:s23] =	ssyncset.done $0x0  }
0x4a: {  	s15 =	sadd.s32 $0x168, s15;
	[sflag:s23] =	ssyncadd.s32 $0xFFFFC400  }
0x4b: {  	[tilespmem:s22], [sflag:$0x2] =	stream.indirect.gather [hbm4b:s4+s20], $0x80, s15, s20, $0xb8;
	[tilespmem:$0x1FF80] =	vst v63  }
0x4c: {  	_ =	swait.ge [sflag:s16], $0x3C00  }
0x4d: {  	[sflag:s16] =	ssyncset.done $0x0  }
0x4e: {  	s1 =	simm.s32 $0x4D00;
	[sflag:s16] =	ssyncadd.s32 $0xFFFFC400  }
0x4f: {  	[spmem:s2] =	stream.indirect.scatter.add.f32 [tilespmem:s21], [sflag:$0x4], $0x80, s1, s20, $0xb8;
	[tilespmem:$0x1FF80] =	vst v63  }
0x50: {  	_ =	swait.ge [sflag:s23], $0x3C00  }
0x51: {  	[sflag:s23] =	ssyncset.done $0x0  }
0x52: {  	[sflag:s23] =	ssyncadd.s32 $0xFFFFC400  }
0x53: {  	[tilespmem:s21], [sflag:$0x1] =	stream.indirect.gather [hbm4b:s4+s20], $0x80, s25, s20, $0xb8;
	[tilespmem:$0x1FF80] =	vst v63  }
0x54: {  	_ =	swait.ge [sflag:s17], $0x3C00  }
0x55: {  	[sflag:s17] =	ssyncset.done $0x0  }
0x56: {  	[sflag:s17] =	ssyncadd.s32 $0xFFFFC400  }
0x57: {  	[spmem:s2] =	stream.indirect.scatter.add.f32 [tilespmem:s22], [sflag:$0x4], $0x80, s26, s20, $0xb8;
	[tilespmem:$0x1FF80] =	vst v63  }
0x58: {  	_ =	swait.ge [sflag:s23], $0x3C00  }
0x59: {  	[sflag:s23] =	ssyncset.done $0x0  }
0x5a: {  	[sflag:s23] =	ssyncadd.s32 $0xFFFFC400  }
0x5b: {  	_ =	swait.ge [sflag:s16], $0x3C00  }
0x5c: {  	[sflag:s16] =	ssyncset.done $0x0  }
0x5d: {  	[sflag:s16] =	ssyncadd.s32 $0xFFFFC400  }
0x5e: {  	[spmem:s2] =	stream.indirect.scatter.add.f32 [tilespmem:s21], [sflag:$0x4], $0x80, s28, s20, $0xb8;
	[tilespmem:$0x1FF80] =	vst v63  }
0x5f: {  	_ =	swait.ge [sflag:s23], $0x3C00  }
0x60: {  	[sflag:s23] =	ssyncset.done $0x0  }
0x61: {  	[sflag:s23] =	ssyncadd.s32 $0xFFFFC400  }
0x62: {  	[tilespmem:s22], [sflag:$0x2] =	stream.indirect.gather [hbm4b:s4+s29], $0x80, s30, s29, $0xb8;
	[tilespmem:$0x1FF80] =	vst v63  }
0x63: {  	_ =	swait.ge [sflag:s17], $0x1400  }
0x64: {  	[sflag:s17] =	ssyncset.done $0x0  }
0x65: {  	[sflag:s17] =	ssyncadd.s32 $0xFFFFEC00  }
0x66: {  	[spmem:s2] =	stream.indirect.scatter.add.f32 [tilespmem:s22], [sflag:$0x4], $0x80, s31, s29, $0xb8;
	[tilespmem:$0x1FF80] =	vst v63  }
0x67: {  	_ =	swait.ge [sflag:s23], $0x1400  }
0x68: {  	[sflag:s23] =	ssyncset.done $0x0  }
0x69: {  	[sflag:s23] =	ssyncadd.s32 $0xFFFFEC00  }
0x6a: {  	s1 =	sor.u32 $0x1C04, s11;
	[bflag:$0x0] =	sbarrier.arrive $0xFFFF  }
0x6b: {  	[hbm:s7], [sflag:s1] =	dma.local [spmem:s14], $0x2700  }
0x6c: {  	_ =	swait.ge [sflag:s23], $0x2700  }
0x6d: {  	s0 =	sadd.s32 $0x1, s0;
	[sflag:s23] =	ssyncset.done $0x0  }
0x6e: {  	p1 =	sne.s32 s0, s9;
	[sflag:s23] =	ssyncadd.s32 $0xFFFFD900  }
0x6f: {  	[hbm:s8], [sflag:s1] =	dma.local @!p0 [spmem:s19], $0x100  }
.Ltmp1:
0x70: {  	_ = 	snop;
	(pc) =	sbr.rel @p1 .LBB2_1-.Ltmp1, $4  }
0x71: {  	s1 =	simm.s32 @!p0 $0x4  }
0x72: {  	_ =	swait.ge @!p0 [sflag:s1], $0x100  }
0x73: {  	[sflag:s1] =	ssyncset.done @!p0 $0x0  }
0x74: {  	[sflag:s1] =	ssyncadd.s32 @!p0 $0xFFFFFF00  }
0x75: {  	_ =	sfence.sel $0x180000  }
0x76: {  	[bflag:$0x0] =	sbarrier.arrive $0xFFFF  }
0x77: {  	_ =	strace $0x9000004D  }
0x78: {  	s0 =	stileid.u32;
	[bflag:$0x2] =	sbarrier.arrive $0xFFFF  }
0x79: {  	p0 =	sne.s32 s0, $0x0;
	s0 =	rddreg [dreg:$0x3]  }
0x7a: {  	s0 =	sadd.s32 @!p0 $0x100000, s0  }
0x7b: {  	[sflag:s0] =	ssyncadd.tile.s32 @!p0 $0x1;
	_ =	shalt  }
.Lfunc_end2:
_tile_overlayer_lowered:
.L_overlay_start_2:
0x7c: {  	(tag) =	ssettag $0x2  }
0x7d: {  	s0 =	rddreg [dreg:$0x0];
	s2 =	stileid.u32  }
0x7e: {  	s1 =	rddreg [dreg:$0x1];
	p0 =	sne.s32 s2, $0x0  }
0x7f: {  	s3 =	rddreg [dreg:$0x2];
	[bflag:$0x3] =	sbarrier.arrive $0xFFFF;
	s2 =	simm.s32 @!p0 $0x1C04  }
0x80: {  	[timem:s3], [sflag:s2] =	dma.local @!p0 [hbm:s0], s1  }
0x81: {  	s0 =	simm.s32 @!p0 $0x4  }
0x82: {  	_ =	swait.ge @!p0 [sflag:s0], s1  }
0x83: {  	s1 =	ssub.s32 @!p0 $0x0, s1;
	[sflag:s0] =	ssyncset.done @!p0 $0x0  }
0x84: {  	[sflag:s0] =	ssyncadd.s32 @!p0 s1  }
0x85: {  	[bflag:$0x3] =	sbarrier.arrive $0xFFFF  }
0x86: {  	_ =	shalt  }

// kernel: kernel.8.cloned.1.call-start
scs
__scs_entry_jumppad:
0x0: {  	(pc) =	sbr.rel $0x88, $3  }
0x1: {  	(tag) =	ssettag $0x0;
	lr =	simm.s32 $0x1  }
0x2: {  	[smem:$0x3F89] =	sst lr;
	_ =	strace $0xD0000000  }
0x3: {  	_ = 	snop  }
0x4: {  	_ = 	snop  }
0x5: {  	_ = 	snop  }
0x6: {  	_ = 	snop  }
0x7: {  	_ = 	snop  }
__scs_overlays_trampoline_lowered:
0x8: {  	[smem:$0x3F98] =	sst s0  }
0x9: {  	[smem:$0x3F99] =	sst s1  }
0xa: {  	[smem:$0x3F9A] =	sst s2  }
0xb: {  	[smem:$0x3F9B] =	sst s3  }
0xc: {  	[smem:$0x3F9C] =	sst s4  }
0xd: {  	[smem:$0x3F9D] =	sst s5  }
0xe: {  	[smem:$0x3F9E] =	sst s6  }
0xf: {  	[smem:$0x3F9F] =	sst s7  }
0x10: {  	[smem:$0x3FA0] =	sst s8  }
0x11: {  	[smem:$0x3FA1] =	sst s9;
	s0 =	simm.s32 @!p0 $0x0  }
0x12: {  	s1 =	sld [smem:$0x3F87];
	s0 =	simm.s32 @p0 $0x1  }
0x13: {  	[smem:$0x3FA2] =	sst s0;
	s0 =	simm.s32 @!p1 $0x0  }
0x14: {  	s2 =	sld [smem:$0x3F86];
	s0 =	simm.s32 @p1 $0x1  }
0x15: {  	[smem:$0x3FA3] =	sst s0;
	s0 =	simm.s32 @!p2 $0x0  }
0x16: {  	s3 =	sld [smem:$0x3FDB];
	s0 =	simm.s32 @p2 $0x1  }
0x17: {  	s4 =	simm.s32 $0x1BF5;
	[smem:$0x3FA5] =	sst s0  }
0x18: {  	s0 =	sld [smem:$0x3F88];
	_ =	swait.ge [sflag:s4], $0x0  }
0x19: {  	s7 =	sld [smem:$0x3F89]  }
0x1a: {  	s8 =	sadd.s32 $0xFFFFE003, lr  }
0x1b: {  	s9 =	sadd.s32 $0xFFFFFEF7, lr;
	s5 =	simm.s32 $0xFFFFFFFF;
	p2 =	slt.u32 s8, $0xFFFFF086  }
0x1c: {  	p1 =	slt.u32 s9, $0xF7A;
	s5 =	simm.s32 @!p2 $0x0  }
0x1d: {  	s5 =	simm.s32 @p1 $0x1;
	p0 =	seq.s32 s7, s2  }
0x1e: {  	s7 =	smul.u32 @!p0 $0xF7A, s2;
	p2 =	seq.s32 @!p0 s5, $0x0  }
0x1f: {  	s9 =	smul.u32 $0xF7A, s1;
	s8 =	simm.s32 @!p0 $0x1BF5;
	p2 =	por !p2, p0  }
0x20: {  	[sflag:s8] =	ssyncset.s32 @!p0 $0xFFFFF086;
	s6 =	sadd.s32 @!p0 s3, s7;
	s7 =	simm.s32 @!p0 $0x108  }
0x21: {  	s3 =	sadd.s32 s3, s9;
	s6 =	sadd.s32 @!p0 $0x88, s6;
	s7 =	simm.s32 @p2 $0x1082  }
0x22: {  	[simem:s7], [sflag:s8] =	dma.local @!p0 [hbm:s6], $0xF7A  }
0x23: {  	s9 =	sor.u32 $0xD0000000, s2;
	s6 =	simm.s32 $0x108;
	_ =	swait.ge @!p0 [sflag:s8], $0x0  }
0x24: {  	s3 =	sadd.s32 $0x88, s3;
	s6 =	simm.s32 @!p1 $0x1082;
	[sflag:s4] =	ssyncset.s32 $0xFFFFF086  }
0x25: {  	[simem:s6], [sflag:s4] =	dma.local [hbm:s3], $0xF7A  }
0x26: {  	[smem:$0x3F89] =	sst s1;
	(tag) =	ssettag s2;
	_ =	strace s9  }
0x27: {  	s1 =	sld [smem:$0x3F99]  }
0x28: {  	s2 =	sld [smem:$0x3F9A]  }
0x29: {  	s4 =	sld [smem:$0x3F9C]  }
0x2a: {  	p0 =	seq.s32 s5, $0x0;
	s5 =	sld [smem:$0x3F9D]  }
0x2b: {  	s6 =	sld [smem:$0x3F9E]  }
0x2c: {  	s7 =	sld [smem:$0x3F9F]  }
0x2d: {  	s3 =	simm.s32 $0x108;
	s8 =	sld [smem:$0x3FA0]  }
0x2e: {  	s3 =	simm.s32 @!p0 $0x1082;
	s9 =	sld [smem:$0x3FA1]  }
0x2f: {  	lr =	sadd.s32 s0, s3;
	s0 =	sld [smem:$0x3F98]  }
0x30: {  	s3 =	sld [smem:$0x3F9B]  }
0x31: {  	[smem:$0x3FA4] =	sst s10  }
0x32: {  	s10 =	sld [smem:$0x3FA2];
	_ =	sdelay $0x3  }
0x33: {  	p0 =	seq.s32 s10, $0x1;
	s10 =	sld [smem:$0x3FA4];
	_ =	sdelay $0x3  }
0x34: {  	[smem:$0x3FA4] =	sst s10  }
0x35: {  	s10 =	sld [smem:$0x3FA3];
	_ =	sdelay $0x3  }
0x36: {  	p1 =	seq.s32 s10, $0x1;
	s10 =	sld [smem:$0x3FA4];
	_ =	sdelay $0x3  }
0x37: {  	[smem:$0x3FA4] =	sst s10  }
0x38: {  	s10 =	sld [smem:$0x3FA5]  }
0x39: {  	_ = 	snop;
	(pc) =	sbr.ind lr, $3  }
0x3a: {  	_ = 	snop  }
0x3b: {  	_ = 	snop  }
0x3c: {  	p2 =	seq.s32 s10, $0x1;
	s10 =	sld [smem:$0x3FA4]  }
0x3d: {  	_ =	shalt  }
0x3e: {  	_ =	shalt  }
0x3f: {  	_ =	shalt  }
0x40: {  	_ =	shalt  }
0x41: {  	_ =	shalt  }
0x42: {  	_ =	shalt  }
0x43: {  	_ =	shalt  }
0x44: {  	_ =	shalt  }
0x45: {  	_ =	shalt  }
0x46: {  	_ =	shalt  }
0x47: {  	_ =	shalt  }
0x48: {  	_ =	shalt  }
0x49: {  	_ =	shalt  }
0x4a: {  	_ =	shalt  }
0x4b: {  	_ =	shalt  }
0x4c: {  	_ =	shalt  }
0x4d: {  	_ =	shalt  }
0x4e: {  	_ =	shalt  }
0x4f: {  	_ =	shalt  }
0x50: {  	_ =	shalt  }
0x51: {  	_ =	shalt  }
0x52: {  	_ =	shalt  }
0x53: {  	_ =	shalt  }
0x54: {  	_ =	shalt  }
0x55: {  	_ =	shalt  }
0x56: {  	_ =	shalt  }
0x57: {  	_ =	shalt  }
0x58: {  	_ =	shalt  }
0x59: {  	_ =	shalt  }
0x5a: {  	_ =	shalt  }
0x5b: {  	_ =	shalt  }
0x5c: {  	_ =	shalt  }
0x5d: {  	_ =	shalt  }
0x5e: {  	_ =	shalt  }
0x5f: {  	_ =	shalt  }
0x60: {  	_ =	shalt  }
0x61: {  	_ =	shalt  }
0x62: {  	_ =	shalt  }
0x63: {  	_ =	shalt  }
0x64: {  	_ =	shalt  }
0x65: {  	_ =	shalt  }
0x66: {  	_ =	shalt  }
0x67: {  	_ =	shalt  }
0x68: {  	_ =	shalt  }
0x69: {  	_ =	shalt  }
0x6a: {  	_ =	shalt  }
0x6b: {  	_ =	shalt  }
0x6c: {  	_ =	shalt  }
0x6d: {  	_ =	shalt  }
0x6e: {  	_ =	shalt  }
0x6f: {  	_ =	shalt  }
0x70: {  	_ =	shalt  }
0x71: {  	_ =	shalt  }
0x72: {  	_ =	shalt  }
0x73: {  	_ =	shalt  }
0x74: {  	_ =	shalt  }
0x75: {  	_ =	shalt  }
0x76: {  	_ =	shalt  }
0x77: {  	_ =	shalt  }
0x78: {  	_ =	shalt  }
0x79: {  	_ =	shalt  }
0x7a: {  	_ =	shalt  }
0x7b: {  	_ =	shalt  }
0x7c: {  	_ =	shalt  }
0x7d: {  	_ =	shalt  }
0x7e: {  	_ =	shalt  }
0x7f: {  	_ =	shalt  }
0x80: {  	_ =	shalt  }
0x81: {  	_ =	shalt  }
0x82: {  	_ =	shalt  }
0x83: {  	_ =	shalt  }
0x84: {  	_ =	shalt  }
0x85: {  	_ =	shalt  }
0x86: {  	_ =	shalt  }
0x87: {  	_ =	shalt  }
.Lfunc_end0:
.L_simem_size_0:
called_computation_lowered:
.L_overlay_start_0:
0x88: {  	s2 =	sld [smem:$0x3FD9]  }
0x89: {  	s3 =	sld [smem:$0x3FFE];
	_ =	sdelay $0x1  }
0x8a: {  	s1 =	srdreg.scid  }
0x8b: {  	s0 =	sand.u32 $0x1, s1  }
0x8c: {  	s17 =	sshll.u32 s0, $0xA;
	s2 =	sadd.s32 s3, s2  }
0x8d: {  	s2 =	sadd.s32 s2, s17  }
0x8e: {  	[smem:$0x3FB0] =	sst s2  }
0x8f: {  	_ = 	snop  }
0x90: {  	s2 =	sld [smem:$0x3FC9]  }
0x91: {  	s18 =	sld [smem:$0x3FD0];
	(tm) =	ssettm $0x1  }
0x92: {  	s4 =	sld [smem:$0x3FFB];
	_ =	sdelay $0x3  }
0x93: {  	_ =	strace s4  }
0x94: {  	s4 =	sld [smem:$0x3FFC];
	_ =	sdelay $0x3  }
0x95: {  	_ =	strace s4  }
0x96: {  	s4 =	sld [smem:$0x3FFD];
	_ =	sdelay $0x3  }
0x97: {  	_ =	strace s4  }
0x98: {  	_ =	strace $0x8FFFFFFF  }
0x99: {  	s19 =	sld [smem:$0x3FDB];
	_ =	sdelay $0x1  }
0x9a: {  	s5 =	simm.s32 $_scs_section_size  }
0x9b: {  	s6 =	simm.s32 $_size__tile_overlayer_lowered;
	s7 =	simm.s32 $_tile_overlayer_lowered  }
0x9c: {  	s22 =	simm.s32 $0x1BFF;
	s21 =	sshll.u32 s7, $0x1;
	s4 =	sadd.s32 s5, s19  }
0x9d: {  	s8 =	simm.s32 $0x0;
	s20 =	sshll.u32 s6, $0x1;
	s6 =	sadd.s32 s21, s4  }
0x9e: {  	[timem:s8], [sflag:s22] =	dma.local [hbm:s6], s20  }
0x9f: {  	_ =	swait.ge [sflag:s22], s20  }
0xa0: {  	s5 =	ssub.s32 $0x0, s20;
	[sflag:s22] =	ssyncset.done $0x0  }
0xa1: {  	[sflag:s22] =	ssyncadd.s32 s5;
	_ =	sdelay $0x1  }
0xa2: {  	s23 =	simm.s32 $0x1B8B  }
0xa3: {  	_ =	swait.ge [sflag:s23], $0x1  }
0xa4: {  	[sflag:s23] =	ssyncset.done $0x0  }
0xa5: {  	s25 =	simm.s32 $0x1B8E;
	s24 =	sld [smem:$0x3FFE];
	[sflag:s23] =	ssyncadd.s32 $0xFFFFFFFF  }
0xa6: {  	s26 =	simm.s32 $execute0_lowered;
	[smem:$0x3FD2] =	sst s25  }
0xa7: {  	s6 =	sshll.u32 s26, $0x1;
	_ =	strace $0x80000046;
	[dreg:$0x1] =	wrdreg $0xFFFFFFFF  }
0xa8: {  	s28 =	simm.s32 $_size_execute0_lowered;
	s4 =	sadd.s32 s4, s6;
	[dreg:$0x0] =	wrdreg $0x0  }
0xa9: {  	s6 =	sshll.u32 s28, $0x1;
	[dreg:$0x2] =	wrdreg s4  }
0xaa: {  	[dreg:$0x3] =	wrdreg s6  }
0xab: {  	[dreg:$0x4] =	wrdreg $0xC0  }
0xac: {  	_ =	task [dreg:s8], $0x5FFFF  }
0xad: {  	[dreg:$0x1] =	wrdreg $0xFFFFFFFF  }
0xae: {  	[dreg:$0x0] =	wrdreg $0x60  }
0xaf: {  	[dreg:$0x2] =	wrdreg s2  }
0xb0: {  	[dreg:$0x3] =	wrdreg s24  }
0xb1: {  	[dreg:$0x4] =	wrdreg s18  }
0xb2: {  	[dreg:$0x5] =	wrdreg $0xC7000  }
0xb3: {  	[dreg:$0x6] =	wrdreg $0x9  }
0xb4: {  	_ =	task.clear_ibuf [dreg:s8], $0x7FFFF;
	_ =	strace $0x90000046  }
0xb5: {  	s29 =	simm.s32 $0x9;
	_ =	strace $0x80000048  }
0xb6: {  	_ =	swait.ge [sflag:s29], $0x1  }
0xb7: {  	[sflag:s29] =	ssyncadd.s32 $0xFFFFFFFF  }
0xb8: {  	_ =	strace $0x90000048  }
0xb9: {  	_ =	sfence  }
0xba: {  	s30 =	sld [smem:$0x0];
	_ =	sdelay $0x2  }
0xbb: {  	s31 =	sshll.u32 s1, $0xD;
	s1 =	sshrl.u32 s1, $0x2  }
0xbc: {  	s3 =	sand.u32 $0x4000, s31;
	s1 =	sadd.s32 s1, s30  }
0xbd: {  	s0 =	sor.u32 s3, s0;
	s1 =	sshll.u32 s1, $0x11  }
0xbe: {  	s0 =	sor.u32 s1, s0  }
0xbf: {  	s0 =	sadd.s32 $0x8F2B, s0  }
0xc0: {  	[sflag:s0] =	ssyncadd.remote.s32 $0x1  }
0xc1: {  	_ =	sfence.sel $0xFFFF  }
0xc2: {  	[dreg:$0x0] =	wrdreg $0xFFFFFFFF;
	(pc) =	sbr.abs _section_cstart, $3  }
0xc3: {  	[dreg:$0x1] =	wrdreg $0xFFFFFFFF  }
0xc4: {  	_ =	task.clear_ibuf [dreg:s8], $0x2FFFF;
	_ =	strace $0x9FFFFFFF  }
0xc5: {  	(tm) =	ssettm $0x7FFFFFFF  }
tec
execute0_lowered:
.L_overlay_start_1:
0x0: {  	(tag) =	ssettag $0x1  }
0x1: {  	s0 =	rddreg [dreg:$0x0]  }
0x2: {  	s1 =	rddreg [dreg:$0x1]  }
0x3: {  	s2 =	srdreg.scid;
	s13 =	rddreg [dreg:$0x2]  }
0x4: {  	s3 =	rddreg [dreg:$0x3];
	s14 =	stileid.u32  }
0x5: {  	s4 =	simm.s32 $0x0;
	s16 =	simm.s32 $0x1;
	s17 =	simm.s32 $0x2  }
0x6: {  	s18 =	simm.s32 $0x3;
	s20 =	simm.s32 $0x78;
	s21 =	simm.s32 $0x4F00  }
0x7: {  	s28 =	simm.s32 $0x4DF0;
	s29 =	simm.s32 $0x28;
	s8 =	smul.u32 $0x4E000, s14  }
0x8: {  	s30 =	simm.s32 $0x26E8;
	s31 =	simm.s32 $0x4E68;
	s24 =	smul.u32 $0x13800, s14  }
0x9: {  	s2 =	sand.u32 $0x1, s2;
	[smem:$0x7FF] =	sst s4;
	s11 =	smul.u32 $0x2700, s14  }
0xa: {  	s15 =	sadd.s32 $0x138000, s3;
	s5 =	sshll.u32 s2, $0x4;
	_ =	strace $0x80000047  }
0xb: {  	s6 =	ssub.s32 $0x2, s2;
	s10 =	smul.u32 $0x138800, s2;
	p0 =	seq.s32 s2, $0x0  }
0xc: {  	s5 =	sor.u32 s14, s5;
	s22 =	sshrl.u32 s6, $0x1;
	s23 =	sshrl.u32 s8, $0x2  }
0xd: {  	s13 =	smov.u32 @p0 s0;
	p0 =	sne.s32 s14, $0xF;
	s5 =	smul.u32 $0x4E2, s5  }
0xe: {  	s9 =	ssub.s32 s6, s22;
	s2 =	sadd.s32 s23, s3;
	s25 =	sadd.s32 s24, s10  }
0xf: {  	s26 =	sshrl.u32 s10, $0x3;
	s10 =	sadd.s32 s13, s11;
	s11 =	sshll.u32 s14, $0x6  }
0x10: {  	s13 =	sadd.s32 $0x27000, s13;
	s19 =	sshrl.u32 @!p0 s15, $0x3;
	s22 =	simm.s32 $0x8B00  }
0x11: {  	s23 =	simm.s32 $0x4;
	s9 =	smax.u32 s9, $0x1;
	s12 =	sor.u32 $0x1C03, s11  }
0x12: {  	s14 =	sshrl.u32 s2, $0x3;
	s7 =	sadd.s32 s5, s1;
	s1 =	sadd.s32 $0x17600, s1  }
0x13: {  	s5 =	sadd.s32 $0xD800, s7;
	s6 =	sadd.s32 $0x3A00, s7;
	s7 =	sshrl.u32 s25, $0x3  }
0x14: {  	s8 =	sadd.s32 s1, s26;
	s25 =	simm.s32 $0x2670;
	s26 =	simm.s32 $0x4D78  }
0x15: {  	s7 =	sadd.s32 s1, s7;
	s8 =	sadd.s32 $0x27000, s8;
	s1 =	simm.s32 $0x0  }
.LBB2_1:
0x16: {  	[spmem:s14], [sflag:s12] =	dma.local [hbm:s10], $0x2700  }
0x17: {  	[tilespmem:s4], [sflag:$0x1] =	stream.linear.gather [hbm4b:s5+s4], $0x2710, $0x38;
	[tilespmem:$0x1FF80] =	vst v63  }
0x18: {  	s2 =	simm.s32 $0x2780  }
0x19: {  	[tilespmem:s2], [sflag:$0x2] =	stream.linear.gather [hbm4b:s6+s4], $0x2710, $0x38;
	[tilespmem:$0x1FF80] =	vst v63  }
0x1a: {  	_ =	swait.ge [sflag:s16], $0x2710  }
0x1b: {  	[sflag:s16] =	ssyncset.done $0x0  }
0x1c: {  	[sflag:s16] =	ssyncadd.s32 $0xFFFFD8F0  }
0x1d: {  	_ =	swait.ge [sflag:s17], $0x2710  }
0x1e: {  	[sflag:s17] =	ssyncset.done $0x0  }
0x1f: {  	[sflag:s17] =	ssyncadd.s32 $0xFFFFD8F0  }
0x20: {  	_ =	swait.ge [sflag:s18], $0x2700  }
0x21: {  	[sflag:s18] =	ssyncset.done $0x0  }
0x22: {  	s2 =	simm.s32 @!p0 $0x1FC4;
	[sflag:s18] =	ssyncadd.s32 $0xFFFFD900  }
0x23: {  	[spmem:s19], [sflag:s2] =	dma.local @!p0 [hbm:s13], $0x100  }
0x24: {  	s2 =	simm.s32 @!p0 $0x4  }
0x25: {  	_ =	swait.ge @!p0 [sflag:s2], $0x100  }
0x26: {  	[sflag:s2] =	ssyncset.done @!p0 $0x0  }
0x27: {  	[sflag:s2] =	ssyncadd.s32 @!p0 $0xFFFFFF00  }
0x28: {  	[bflag:$0x0] =	sbarrier.arrive $0xFFFF  }
0x29: {  	[tilespmem:s21], [sflag:$0x1] =	stream.indirect.gather [hbm4b:s0+s20], $0x80, s4, s20, $0xb8;
	[tilespmem:$0x1FF80] =	vst v63  }
0x2a: {  	_ = 	snop  }
0x2b: {  	[tilespmem:s22], [sflag:$0x2] =	stream.indirect.gather [hbm4b:s0+s20], $0x80, s20, s20, $0xb8;
	[tilespmem:$0x1FF80] =	vst v63  }
0x2c: {  	_ =	swait.ge [sflag:s16], $0x3C00  }
0x2d: {  	[sflag:s16] =	ssyncset.done $0x0  }
0x2e: {  	s24 =	simm.s32 $0x2780;
	[sflag:s16] =	ssyncadd.s32 $0xFFFFC400  }
0x2f: {  	[spmem:s3] =	stream.indirect.scatter.add.f32 [tilespmem:s21], [sflag:$0x4], $0x80, s24, s20, $0xb8;
	[tilespmem:$0x1FF80] =	vst v63  }
0x30: {  	_ =	swait.ge [sflag:s23], $0x3C00  }
0x31: {  	[sflag:s23] =	ssyncset.done $0x0  }
0x32: {  	s15 =	simm.s32 $0xF0;
	[sflag:s23] =	ssyncadd.s32 $0xFFFFC400  }
0x33: {  	[tilespmem:s21], [sflag:$0x1] =	stream.indirect.gather [hbm4b:s0+s20], $0x80, s15, s20, $0xb8;
	[tilespmem:$0x1FF80] =	vst v63  }
0x34: {  	_ =	swait.ge [sflag:s17], $0x3C00  }
0x35: {  	[sflag:s17] =	ssyncset.done $0x0  }
0x36: {  	s24 =	simm.s32 $0x27F8;
	[sflag:s17] =	ssyncadd.s32 $0xFFFFC400  }
0x37: {  	[spmem:s3] =	stream.indirect.scatter.add.f32 [tilespmem:s22], [sflag:$0x4], $0x80, s24, s20, $0xb8;
	[tilespmem:$0x1FF80] =	vst v63  }
0x38: {  	_ =	swait.ge [sflag:s23], $0x3C00  }
0x39: {  	[sflag:s23] =	ssyncset.done $0x0  }
0x3a: {  	s2 =	simm.s32 $0x3C0;
	s15 =	simm.s32 $0x168;
	[sflag:s23] =	ssyncadd.s32 $0xFFFFC400  }
.LBB2_2:
0x3b: {  	[tilespmem:s22], [sflag:$0x2] =	stream.indirect.gather [hbm4b:s0+s20], $0x80, s15, s20, $0xb8;
	[tilespmem:$0x1FF80] =	vst v63  }
0x3c: {  	s15 =	smov.u32 s2  }
0x3d: {  	p1 =	sne.s32 s2, $0x9240;
	s2 =	sadd.s32 $0x3C0, s2;
	_ =	swait.ge [sflag:s16], $0x3C00  }
0x3e: {  	s15 =	sshra.s32 s15, $0x2;
	[sflag:s16] =	ssyncset.done $0x0  }
0x3f: {  	s24 =	sadd.s32 $0x2780, s15;
	[sflag:s16] =	ssyncadd.s32 $0xFFFFC400  }
0x40: {  	[spmem:s3] =	stream.indirect.scatter.add.f32 [tilespmem:s21], [sflag:$0x4], $0x80, s24, s20, $0xb8;
	[tilespmem:$0x1FF80] =	vst v63  }
0x41: {  	_ =	swait.ge [sflag:s23], $0x3C00  }
0x42: {  	[sflag:s23] =	ssyncset.done $0x0  }
0x43: {  	s24 =	sadd.s32 $0xF0, s15;
	[sflag:s23] =	ssyncadd.s32 $0xFFFFC400  }
0x44: {  	[tilespmem:s21], [sflag:$0x1] =	stream.indirect.gather [hbm4b:s0+s20], $0x80, s24, s20, $0xb8;
	[tilespmem:$0x1FF80] =	vst v63  }
0x45: {  	_ =	swait.ge [sflag:s17], $0x3C00  }
0x46: {  	[sflag:s17] =	ssyncset.done $0x0  }
.Ltmp0:
0x47: {  	s24 =	sadd.s32 $0x27F8, s15;
	[sflag:s17] =	ssyncadd.s32 $0xFFFFC400;
	(pc) =	sbr.rel @p1 .LBB2_2-.Ltmp0, $4  }
0x48: {  	[spmem:s3] =	stream.indirect.scatter.add.f32 [tilespmem:s22], [sflag:$0x4], $0x80, s24, s20, $0xb8;
	[tilespmem:$0x1FF80] =	vst v63  }
0x49: {  	_ =	swait.ge [sflag:s23], $0x3C00  }
0x4a: {  	[sflag:s23] =	ssyncset.done $0x0  }
0x4b: {  	s15 =	sadd.s32 $0x168, s15;
	[sflag:s23] =	ssyncadd.s32 $0xFFFFC400  }
0x4c: {  	[tilespmem:s22], [sflag:$0x2] =	stream.indirect.gather [hbm4b:s0+s20], $0x80, s15, s20, $0xb8;
	[tilespmem:$0x1FF80] =	vst v63  }
0x4d: {  	_ =	swait.ge [sflag:s16], $0x3C00  }
0x4e: {  	[sflag:s16] =	ssyncset.done $0x0  }
0x4f: {  	s2 =	simm.s32 $0x4D00;
	[sflag:s16] =	ssyncadd.s32 $0xFFFFC400  }
0x50: {  	[spmem:s3] =	stream.indirect.scatter.add.f32 [tilespmem:s21], [sflag:$0x4], $0x80, s2, s20, $0xb8;
	[tilespmem:$0x1FF80] =	vst v63  }
0x51: {  	_ =	swait.ge [sflag:s23], $0x3C00  }
0x52: {  	[sflag:s23] =	ssyncset.done $0x0  }
0x53: {  	[sflag:s23] =	ssyncadd.s32 $0xFFFFC400  }
0x54: {  	[tilespmem:s21], [sflag:$0x1] =	stream.indirect.gather [hbm4b:s0+s20], $0x80, s25, s20, $0xb8;
	[tilespmem:$0x1FF80] =	vst v63  }
0x55: {  	_ =	swait.ge [sflag:s17], $0x3C00  }
0x56: {  	[sflag:s17] =	ssyncset.done $0x0  }
0x57: {  	[sflag:s17] =	ssyncadd.s32 $0xFFFFC400  }
0x58: {  	[spmem:s3] =	stream.indirect.scatter.add.f32 [tilespmem:s22], [sflag:$0x4], $0x80, s26, s20, $0xb8;
	[tilespmem:$0x1FF80] =	vst v63  }
0x59: {  	_ =	swait.ge [sflag:s23], $0x3C00  }
0x5a: {  	[sflag:s23] =	ssyncset.done $0x0  }
0x5b: {  	[sflag:s23] =	ssyncadd.s32 $0xFFFFC400  }
0x5c: {  	_ =	swait.ge [sflag:s16], $0x3C00  }
0x5d: {  	[sflag:s16] =	ssyncset.done $0x0  }
0x5e: {  	[sflag:s16] =	ssyncadd.s32 $0xFFFFC400  }
0x5f: {  	[spmem:s3] =	stream.indirect.scatter.add.f32 [tilespmem:s21], [sflag:$0x4], $0x80, s28, s20, $0xb8;
	[tilespmem:$0x1FF80] =	vst v63  }
0x60: {  	_ =	swait.ge [sflag:s23], $0x3C00  }
0x61: {  	[sflag:s23] =	ssyncset.done $0x0  }
0x62: {  	[sflag:s23] =	ssyncadd.s32 $0xFFFFC400  }
0x63: {  	[tilespmem:s22], [sflag:$0x2] =	stream.indirect.gather [hbm4b:s0+s29], $0x80, s30, s29, $0xb8;
	[tilespmem:$0x1FF80] =	vst v63  }
0x64: {  	_ =	swait.ge [sflag:s17], $0x1400  }
0x65: {  	[sflag:s17] =	ssyncset.done $0x0  }
0x66: {  	[sflag:s17] =	ssyncadd.s32 $0xFFFFEC00  }
0x67: {  	[spmem:s3] =	stream.indirect.scatter.add.f32 [tilespmem:s22], [sflag:$0x4], $0x80, s31, s29, $0xb8;
	[tilespmem:$0x1FF80] =	vst v63  }
0x68: {  	_ =	swait.ge [sflag:s23], $0x1400  }
0x69: {  	[sflag:s23] =	ssyncset.done $0x0  }
0x6a: {  	[sflag:s23] =	ssyncadd.s32 $0xFFFFEC00  }
0x6b: {  	s2 =	sor.u32 $0x1C04, s11;
	[bflag:$0x0] =	sbarrier.arrive $0xFFFF  }
0x6c: {  	[hbm:s7], [sflag:s2] =	dma.local [spmem:s14], $0x2700  }
0x6d: {  	_ =	swait.ge [sflag:s23], $0x2700  }
0x6e: {  	s1 =	sadd.s32 $0x1, s1;
	[sflag:s23] =	ssyncset.done $0x0  }
0x6f: {  	p1 =	sne.s32 s1, s9;
	[sflag:s23] =	ssyncadd.s32 $0xFFFFD900  }
0x70: {  	[hbm:s8], [sflag:s2] =	dma.local @!p0 [spmem:s19], $0x100  }
.Ltmp1:
0x71: {  	_ = 	snop;
	(pc) =	sbr.rel @p1 .LBB2_1-.Ltmp1, $4  }
0x72: {  	s2 =	simm.s32 @!p0 $0x4  }
0x73: {  	_ =	swait.ge @!p0 [sflag:s2], $0x100  }
0x74: {  	[sflag:s2] =	ssyncset.done @!p0 $0x0  }
0x75: {  	[sflag:s2] =	ssyncadd.s32 @!p0 $0xFFFFFF00  }
0x76: {  	_ =	sfence.sel $0x180000  }
0x77: {  	[bflag:$0x0] =	sbarrier.arrive $0xFFFF  }
0x78: {  	_ =	strace $0x90000047  }
0x79: {  	s0 =	stileid.u32;
	[bflag:$0x2] =	sbarrier.arrive $0xFFFF  }
0x7a: {  	p0 =	sne.s32 s0, $0x0;
	s0 =	rddreg [dreg:$0x4]  }
0x7b: {  	s0 =	sadd.s32 @!p0 $0x100000, s0  }
0x7c: {  	[sflag:s0] =	ssyncadd.tile.s32 @!p0 $0x1;
	_ =	shalt  }
.Lfunc_end2:
_tile_overlayer_lowered:
.L_overlay_start_2:
0x7d: {  	(tag) =	ssettag $0x2  }
0x7e: {  	s0 =	rddreg [dreg:$0x0];
	s2 =	stileid.u32  }
0x7f: {  	s1 =	rddreg [dreg:$0x1];
	p0 =	sne.s32 s2, $0x0  }
0x80: {  	s3 =	rddreg [dreg:$0x2];
	[bflag:$0x3] =	sbarrier.arrive $0xFFFF;
	s2 =	simm.s32 @!p0 $0x1C04  }
0x81: {  	[timem:s3], [sflag:s2] =	dma.local @!p0 [hbm:s0], s1  }
0x82: {  	s0 =	simm.s32 @!p0 $0x4  }
0x83: {  	_ =	swait.ge @!p0 [sflag:s0], s1  }
0x84: {  	s1 =	ssub.s32 @!p0 $0x0, s1;
	[sflag:s0] =	ssyncset.done @!p0 $0x0  }
0x85: {  	[sflag:s0] =	ssyncadd.s32 @!p0 s1  }
0x86: {  	[bflag:$0x3] =	sbarrier.arrive $0xFFFF  }
0x87: {  	_ =	shalt  }

</sc_bundles>
